<compile_context>
chip_gen: v7x
topology: tpu7x:2x2x1
jax: 0.10.2.dev20260603
libtpu: 0.0.44.dev20260713+nightly
codegen_flags: <defaults>
</compile_context>

<pallas_src>
import functools
import itertools

import jax
import jax.numpy as jnp
import numpy as np
from jax.experimental import pallas as pl

IN_CH = 4
SPARSE_SHAPE = (21, 200, 176)
EPS = 1e-5


def _conv_body(nzv, taps, Cin, Mo, Wq, Wo, w_ref, *refs):
    ph_refs = refs[:nzv]
    out_ref, sums_ref = refs[nzv], refs[nzv + 1]
    acc = None
    for (v, p, off, t) in taps:
        xs = ph_refs[v][0, p * Cin:(p + 1) * Cin, off:off + Mo]
        c = jnp.dot(w_ref[t], xs, preferred_element_type=jnp.float32)
        acc = c if acc is None else acc + c
    out_ref[0] = acc
    acc3 = acc.reshape(acc.shape[0], Mo // Wq, Wq)
    if Wo == Wq:
        masked = acc3
    else:
        col = jax.lax.broadcasted_iota(jnp.int32, (1, 1, Wq), 2)
        masked = jnp.where(col < Wo, acc3, 0.0)
    sums_ref[0, 0, :] = jnp.sum(jnp.sum(masked, axis=2), axis=1)
    sums_ref[0, 1, :] = jnp.sum(jnp.sum(masked * masked, axis=2), axis=1)


def _conv_call(PH, Wt, taps, nzv, Cin, Do, Mo, Wq, Wo, interpret=False):
    Dq, NPC, F = PH.shape
    T, Cout, _ = Wt.shape
    body = functools.partial(_conv_body, nzv, tuple(taps), Cin, Mo, Wq, Wo)
    in_specs = [pl.BlockSpec((T, Cout, Cin), lambda z: (0, 0, 0))]
    for v in range(nzv):
        in_specs.append(
            pl.BlockSpec((1, NPC, F), (lambda z, v=v: (z + v, 0, 0))))
    out_specs = [
        pl.BlockSpec((1, Cout, Mo), lambda z: (z, 0, 0)),
        pl.BlockSpec((1, 2, Cout), lambda z: (z, 0, 0)),
    ]
    out_shape = [
        jax.ShapeDtypeStruct((Do, Cout, Mo), jnp.float32),
        jax.ShapeDtypeStruct((Do, 2, Cout), jnp.float32),
    ]
    return pl.pallas_call(
        body, grid=(Do,), in_specs=in_specs, out_specs=out_specs,
        out_shape=out_shape, interpret=interpret)(Wt, *([PH] * nzv))


def _affine_body(relu, has_skip, x_ref, a_ref, b_ref, *refs):
    if has_skip:
        s_ref, o_ref = refs
    else:
        (o_ref,) = refs
    v = x_ref[...] * a_ref[...][None] + b_ref[...][None]
    if has_skip:
        v = v + s_ref[...]
    if relu:
        v = jnp.maximum(v, 0.0)
    o_ref[...] = v


def _affine(x, a, b, skip=None, relu=True, interpret=False):
    D, C, M = x.shape
    body = functools.partial(_affine_body, relu, skip is not None)
    xspec = pl.BlockSpec((1, C, M), lambda z: (z, 0, 0))
    cspec = pl.BlockSpec((C, 1), lambda z: (0, 0))
    in_specs = [xspec, cspec, cspec]
    args = [x, a.reshape(C, 1), b.reshape(C, 1)]
    if skip is not None:
        in_specs.append(xspec)
        args.append(skip)
    return pl.pallas_call(
        body, grid=(D,), in_specs=in_specs, out_specs=xspec,
        out_shape=jax.ShapeDtypeStruct((D, C, M), jnp.float32),
        interpret=interpret)(*args)


def _same_pads(n, k, s):
    out = -(-n // s)
    tot = max((out - 1) * s + k - n, 0)
    lo = tot // 2
    return out, lo, tot - lo


def _prep_s1(x, k):
    if k == 3:
        xp = jnp.pad(x, ((1, 1), (0, 0), (1, 1), (1, 1)))
    else:
        xp = x
    Dp, C, Hp, Wp = xp.shape
    Do, Ho, Wo = Dp - (k - 1), Hp - (k - 1), Wp - (k - 1)
    PH = jnp.pad(xp.reshape(Dp, C, Hp * Wp), ((0, 0), (0, 0), (0, 8)))
    taps = [(dz, 0, dh * Wp + dw, t)
            for t, (dz, dh, dw) in enumerate(
                itertools.product(range(k), range(k), range(k)))]
    return PH, taps, k, Do, Ho * Wp, Wp, Wo, Ho


def _prep_s2(x):
    D, C, H, W = x.shape
    (Do, dlo, dhi), (Ho, hlo, hhi), (Wo, wlo, whi) = (
        _same_pads(D, 3, 2), _same_pads(H, 3, 2), _same_pads(W, 3, 2))
    xp = jnp.pad(x, ((dlo, dhi), (0, 0), (hlo, hhi), (wlo, whi)))
    Dq, Hq, Wq = Do + 1, Ho + 1, Wo + 1
    planes = []
    for pz, ph, pw in itertools.product(range(2), range(2), range(2)):
        pp = xp[pz::2, :, ph::2, pw::2]
        planes.append(jnp.pad(pp, ((0, Dq - pp.shape[0]),
                                   (0, 0),
                                   (0, Hq - pp.shape[2]),
                                   (0, Wq - pp.shape[3]))))
    PH = jnp.stack(planes, 1).reshape(Dq, 8 * C, Hq * Wq)
    PH = jnp.pad(PH, ((0, 0), (0, 0), (0, 8)))
    taps = [(dz // 2, (dz % 2) * 4 + (dh % 2) * 2 + (dw % 2),
             (dh // 2) * Wq + (dw // 2), t)
            for t, (dz, dh, dw) in enumerate(
                itertools.product(range(3), range(3), range(3)))]
    return PH, taps, 2, Do, Ho * Wq, Wq, Wo, Ho


def _bn_ab(sums, g, beta, N):
    s = sums.sum(0)
    m = s[0] / N
    v = s[1] / N - m * m
    a = g * jax.lax.rsqrt(v + EPS)
    return a, beta - a * m


def _layer(x, p, s, k, relu=True, skip=None, interpret=False):
    w = p['w']
    Cout, Cin = w.shape[0], w.shape[1]
    if s == 1:
        PH, taps, nzv, Do, Mo, Wq, Wo, Ho = _prep_s1(x, k)
        Wt = w.transpose(2, 3, 4, 0, 1).reshape(k ** 3, Cout, Cin)
    else:
        PH, taps, nzv, Do, Mo, Wq, Wo, Ho = _prep_s2(x)
        Wt = w.transpose(2, 3, 4, 0, 1).reshape(27, Cout, Cin)
    y, sums = _conv_call(PH, Wt, taps, nzv, Cin, Do, Mo, Wq, Wo,
                         interpret=interpret)
    a, b = _bn_ab(sums, p['g'], p['b'], Do * Ho * Wo)
    yv = y.reshape(Do, Cout, Ho, Wq)[..., :Wo].reshape(Do, Cout, Ho * Wo)
    sk = None if skip is None else skip.reshape(Do, Cout, Ho * Wo)
    out = _affine(yv, a, b, skip=sk, relu=relu, interpret=interpret)
    return out.reshape(Do, Cout, Ho, Wo)


def _resblock(x, p, interpret=False):
    h = _layer(x, p['c1'], 1, 3, interpret=interpret)
    return _layer(h, p['c2'], 1, 3, relu=True, skip=x, interpret=interpret)


def _bev(g, p, interpret=False):
    Dz, C, Ho, Wo = g.shape
    K = p['k'][:Dz]
    Och = K.shape[2]
    Mo = Ho * Wo
    PH = jnp.pad(g.reshape(Dz, C, Mo), ((0, 0), (0, 0), (0, 8)))
    taps = [(z, 0, 0, z) for z in range(Dz)]
    Wt = K.transpose(0, 2, 1)
    y, sums = _conv_call(PH, Wt, taps, Dz, C, 1, Mo, Wo, Wo,
                         interpret=interpret)
    a, b = _bn_ab(sums, p['g'], p['b'], Mo)
    out = _affine(y, a, b, relu=True, interpret=interpret)
    return out.reshape(Och, Ho, Wo)


def _forward_impl(voxel_features, coors, batch_size, params, interpret=False):
    D, H, W = SPARSE_SHAPE
    zi = jnp.clip(coors[:, 1], 0, D - 1)
    yi = jnp.clip(coors[:, 2], 0, H - 1)
    xi = jnp.clip(coors[:, 3], 0, W - 1)
    grid = jnp.zeros((D, H, W, voxel_features.shape[1]),
                     voxel_features.dtype).at[zi, yi, xi].set(voxel_features)
    x = grid.transpose(0, 3, 1, 2)
    x = _layer(x, params['stem'], 1, 1, interpret=interpret)
    for st, s in (('stage1', 2), ('stage2', 2), ('stage3', 2), ('stage4', 1)):
        p = params[st]
        x = _layer(x, p['c0'], s, 3, interpret=interpret)
        x = _resblock(x, p['r1'], interpret=interpret)
        x = _resblock(x, p['r2'], interpret=interpret)
    x = _layer(x, params['out'], 1, 1, interpret=interpret)
    return _bev(x, params['bev'], interpret=interpret)[None]


def kernel(voxel_features, coors, batch_size, params):
    return _forward_impl(voxel_features, coors, batch_size, params)

# --- scband reference (transcript-rebuilt; emitter-appended) ---
"""Pipeline reference for scband-spvcnnv2-14654428414844 (READ-ONLY COPY).

The authoritative reference and input builder live on the scoring server;
editing this copy changes nothing except your own understanding.
"""

import jax, jax.numpy as jnp
import numpy as np

IN_CH = 4
SPARSE_SHAPE = (21, 200, 176)
OUT_CH = 256
CR = 0.5
CS = [int(CR * c) for c in [32, 64, 64, 128, 256, 256, 128, 96, 96]]
N_VOX = 30000
BATCH = 1


def _conv_p(key, cin, cout, k):
    w = jax.random.normal(key, (cout, cin, k, k, k), jnp.float32) / np.sqrt(cin * k ** 3)
    return {'w': w, 'g': jnp.ones((cout,), jnp.float32), 'b': jnp.zeros((cout,), jnp.float32)}


def _res_p(key, c):
    k1, k2 = jax.random.split(key)
    return {'c1': _conv_p(k1, c, c, 3), 'c2': _conv_p(k2, c, c, 3)}


def _stage_p(key, cin, cout):
    k0, k1, k2 = jax.random.split(key, 3)
    return {'c0': _conv_p(k0, cin, cout, 3), 'r1': _res_p(k1, cout), 'r2': _res_p(k2, cout)}


def make_params(key):
    ks = jax.random.split(key, 7)
    return {
        'stem': _conv_p(ks[0], IN_CH, CS[0], 1),
        'stage1': _stage_p(ks[1], CS[0], CS[1]),
        'stage2': _stage_p(ks[2], CS[1], CS[2]),
        'stage3': _stage_p(ks[3], CS[2], CS[3]),
        'stage4': _stage_p(ks[4], CS[3], CS[3]),
        'out': _conv_p(ks[5], CS[3], CS[3], 1),
        'bev': {'k': jax.random.normal(ks[6], (5, CS[3], OUT_CH), jnp.float32) / np.sqrt(CS[3]),
                'g': jnp.ones((OUT_CH,), jnp.float32),
                'b': jnp.zeros((OUT_CH,), jnp.float32)},
    }


def setup_inputs(seed: int = 0):
    key = jax.random.key(seed)
    kf, kz, ky, kx, kp = jax.random.split(key, 5)
    vf = jax.random.normal(kf, (N_VOX, IN_CH), jnp.float32)
    D, H, W = SPARSE_SHAPE
    b = jnp.zeros((N_VOX,), jnp.int32)
    z = jax.random.randint(kz, (N_VOX,), 0, D, jnp.int32)
    y = jax.random.randint(ky, (N_VOX,), 0, H, jnp.int32)
    x = jax.random.randint(kx, (N_VOX,), 0, W, jnp.int32)
    coors = jnp.stack([b, z, y, x], axis=1)
    return {'voxel_features': vf, 'coors': coors, 'batch_size': BATCH, 'params': make_params(kp)}


def _conv3d(x, w, s):
    return jax.lax.conv_general_dilated(x, w, (s, s, s), 'SAME',
                                        dimension_numbers=('NCDHW', 'OIDHW', 'NCDHW'))


def _bn(x, g, b, eps=1e-5):
    axes = tuple(i for i in range(x.ndim) if i != 1)
    m = x.mean(axes, keepdims=True)
    v = x.var(axes, keepdims=True)
    shp = [1, -1] + [1] * (x.ndim - 2)
    return g.reshape(shp) * (x - m) / jnp.sqrt(v + eps) + b.reshape(shp)


def _cb(x, p, s):
    return _bn(_conv3d(x, p['w'], s), p['g'], p['b'])


def _cbr(x, p, s):
    return jax.nn.relu(_cb(x, p, s))


def _res(x, p):
    return jax.nn.relu(_cb(_cbr(x, p['c1'], 1), p['c2'], 1) + x)


def _stage(x, p, s):
    x = _cbr(x, p['c0'], s)
    x = _res(x, p['r1'])
    return _res(x, p['r2'])


def _forward(vf, params, coors, batch_size):
    B = BATCH
    D, H, W = SPARSE_SHAPE
    bi = jnp.clip(coors[:, 0], 0, batch_size - 1)
    zi = jnp.clip(coors[:, 1], 0, D - 1)
    yi = jnp.clip(coors[:, 2], 0, H - 1)
    xi = jnp.clip(coors[:, 3], 0, W - 1)
    grid = jnp.zeros((B, D, H, W, vf.shape[1]), vf.dtype).at[bi, zi, yi, xi].set(vf)
    g = jnp.transpose(grid, (0, 4, 1, 2, 3))
    g = _cbr(g, params['stem'], 1)
    g = _stage(g, params['stage1'], 2)
    g = _stage(g, params['stage2'], 2)
    g = _stage(g, params['stage3'], 2)
    g = _stage(g, params['stage4'], 1)
    g = _cbr(g, params['out'], 1)
    K = params['bev']['k'][:g.shape[2]]
    bev = jnp.einsum('bczhw,zco->bohw', g, K)
    bev = _bn(bev, params['bev']['g'], params['bev']['b'])
    return jax.nn.relu(bev)


def reference(voxel_features, coors, batch_size, params):
    return _forward(voxel_features, params, coors, batch_size)

if __name__ == "__main__":
    import jax
    _d = setup_inputs()
    print(jax.jit(kernel)(*tuple(_d.values())))

</pallas_src>

<mosaic_0001>
module attributes {stable_mosaic.version = 14 : i64} {
  func.func @_conv_body(%arg0: i32, %arg1: memref<1x16x4xf32, #tpu.memory_space<vmem>>, %arg2: memref<1x4x35208xf32, #tpu.memory_space<vmem>>, %arg3: memref<1x16x35200xf32, #tpu.memory_space<vmem>>, %arg4: memref<1x2x16xf32, #tpu.memory_space<vmem>>) attributes {dimension_semantics = [#tpu.dimension_semantics<arbitrary>], iteration_bounds = array<i64: 21>, scalar_prefetch = 0 : i64, scratch_operands = 0 : i64, tpu.core_type = #tpu.core_type<tc>, window_params = [{pipeline_mode = #tpu.pipeline_mode<synchronous>, transform_indices = @transform_0, window_bounds = array<i64: 1, 16, 4>}, {transform_indices = @transform_1, window_bounds = array<i64: 1, 4, 35208>}, {transform_indices = @transform_2, window_bounds = array<i64: 1, 16, 35200>}, {transform_indices = @transform_3, window_bounds = array<i64: 1, 2, 16>}]} {
    %get3A = arith.constant 0 : index
    %get3A_0 = arith.constant 0 : index
    %get3A_1 = arith.constant 0 : index
    %get3A_2 = vector.load %arg2[%get3A, %get3A_0, %get3A_1] : memref<1x4x35208xf32, #tpu.memory_space<vmem>>, vector<1x4x35200xf32>
    %get3A_3 = vector.shape_cast %get3A_2 : vector<1x4x35200xf32> to vector<4x35200xf32>
    %get3A_4 = arith.constant 0 : index
    %get3A_5 = arith.constant 0 : index
    %get3A_6 = arith.constant 0 : index
    %get3A_7 = vector.load %arg1[%get3A_4, %get3A_5, %get3A_6] : memref<1x16x4xf32, #tpu.memory_space<vmem>>, vector<1x16x4xf32>
    %get3A_8 = vector.shape_cast %get3A_7 : vector<1x16x4xf32> to vector<16x4xf32>
    %dot_general3A = arith.constant dense<0.000000e+00> : vector<16x35200xf32>
    %dot_general3A_9 = tpu.matmul %get3A_8, %get3A_3, %dot_general3A {dimension_numbers = #tpu.dot_dimension_numbers<[1], [0], [0], [1], [0, 0, 1, 1], [], []>, transpose_lhs_hint = false} : vector<16x4xf32>, vector<4x35200xf32>, vector<16x35200xf32> -> vector<16x35200xf32>
    %swap3A = arith.constant 0 : index
    %swap3A_10 = arith.constant 0 : index
    %swap3A_11 = arith.constant 0 : index
    %swap3A_12 = vector.load %arg3[%swap3A, %swap3A_10, %swap3A_11] : memref<1x16x35200xf32, #tpu.memory_space<vmem>>, vector<1x16x35200xf32>
    %swap3A_13 = vector.shape_cast %swap3A_12 : vector<1x16x35200xf32> to vector<16x35200xf32>
    %swap3A_14 = vector.shape_cast %dot_general3A_9 : vector<16x35200xf32> to vector<1x16x35200xf32>
    tpu.vector_store %arg3[%swap3A, %swap3A_10, %swap3A_11], %swap3A_14 {strides = array<i32>} : memref<1x16x35200xf32, #tpu.memory_space<vmem>>, vector<1x16x35200xf32>,
    %reshape3A = vector.shape_cast %dot_general3A_9 : vector<16x35200xf32> to vector<16x200x176xf32>
    %reduce_sum3A = arith.constant dense<0.000000e+00> : vector<16x200xf32>
    %reduce_sum3A_15 = vector.multi_reduction <add>, %reshape3A, %reduce_sum3A [2] : vector<16x200x176xf32> to vector<16x200xf32>
    %reduce_sum3A_16 = arith.constant dense<0.000000e+00> : vector<16xf32>
    %reduce_sum3A_17 = vector.multi_reduction <add>, %reduce_sum3A_15, %reduce_sum3A_16 [1] : vector<16x200xf32> to vector<16xf32>
    %swap3A_18 = arith.constant 0 : index
    %swap3A_19 = arith.constant 0 : index
    %swap3A_20 = arith.constant 0 : index
    %swap3A_21 = vector.load %arg4[%swap3A_18, %swap3A_19, %swap3A_20] : memref<1x2x16xf32, #tpu.memory_space<vmem>>, vector<1x1x16xf32>
    %swap3A_22 = vector.shape_cast %swap3A_21 : vector<1x1x16xf32> to vector<16xf32>
    %swap3A_23 = vector.shape_cast %reduce_sum3A_17 : vector<16xf32> to vector<1x1x16xf32>
    tpu.vector_store %arg4[%swap3A_18, %swap3A_19, %swap3A_20], %swap3A_23 {strides = array<i32>} : memref<1x2x16xf32, #tpu.memory_space<vmem>>, vector<1x1x16xf32>,
    %mul3A = arith.mulf %reshape3A, %reshape3A : vector<16x200x176xf32>
    %reduce_sum3A_24 = arith.constant dense<0.000000e+00> : vector<16x200xf32>
    %reduce_sum3A_25 = vector.multi_reduction <add>, %mul3A, %reduce_sum3A_24 [2] : vector<16x200x176xf32> to vector<16x200xf32>
    %reduce_sum3A_26 = arith.constant dense<0.000000e+00> : vector<16xf32>
    %reduce_sum3A_27 = vector.multi_reduction <add>, %reduce_sum3A_25, %reduce_sum3A_26 [1] : vector<16x200xf32> to vector<16xf32>
    %swap3A_28 = arith.constant 0 : index
    %swap3A_29 = arith.constant 1 : index
    %swap3A_30 = arith.constant 0 : index
    %swap3A_31 = vector.load %arg4[%swap3A_28, %swap3A_29, %swap3A_30] : memref<1x2x16xf32, #tpu.memory_space<vmem>>, vector<1x1x16xf32>
    %swap3A_32 = vector.shape_cast %swap3A_31 : vector<1x1x16xf32> to vector<16xf32>
    %swap3A_33 = vector.shape_cast %reduce_sum3A_27 : vector<16xf32> to vector<1x1x16xf32>
    tpu.vector_store %arg4[%swap3A_28, %swap3A_29, %swap3A_30], %swap3A_33 {strides = array<i32>} : memref<1x2x16xf32, #tpu.memory_space<vmem>>, vector<1x1x16xf32>,
    return
  }
  func.func @transform_0(%arg0: i32) -> (i32, i32, i32) {
    %c0_i32 = arith.constant 0 : i32
    %c0_i32_0 = arith.constant 0 : i32
    %c0_i32_1 = arith.constant 0 : i32
    %c0_i32_2 = arith.constant 0 : i32
    return %c0_i32, %c0_i32_0, %c0_i32_1 : i32, i32, i32
  }
  func.func @transform_1(%arg0: i32) -> (i32, i32, i32) {
    %add3A = arith.constant 0 : i32
    %add3A_0 = arith.addi %arg0, %add3A : i32
    %c0_i32 = arith.constant 0 : i32
    %c0_i32_1 = arith.constant 0 : i32
    %c0_i32_2 = arith.constant 0 : i32
    return %add3A_0, %c0_i32, %c0_i32_1 : i32, i32, i32
  }
  func.func @transform_2(%arg0: i32) -> (i32, i32, i32) {
    %c0_i32 = arith.constant 0 : i32
    %c0_i32_0 = arith.constant 0 : i32
    %c0_i32_1 = arith.constant 0 : i32
    return %arg0, %c0_i32, %c0_i32_0 : i32, i32, i32
  }
  func.func @transform_3(%arg0: i32) -> (i32, i32, i32) {
    %c0_i32 = arith.constant 0 : i32
    %c0_i32_0 = arith.constant 0 : i32
    %c0_i32_1 = arith.constant 0 : i32
    return %arg0, %c0_i32, %c0_i32_0 : i32, i32, i32
  }
}

module attributes {stable_mosaic.version = 14 : i64} {
  func.func @_affine_body(%arg0: i32, %arg1: memref<1x16x35200xf32, #tpu.memory_space<vmem>>, %arg2: memref<16x1xf32, #tpu.memory_space<vmem>>, %arg3: memref<16x1xf32, #tpu.memory_space<vmem>>, %arg4: memref<1x16x35200xf32, #tpu.memory_space<vmem>>) attributes {dimension_semantics = [#tpu.dimension_semantics<arbitrary>], iteration_bounds = array<i64: 21>, scalar_prefetch = 0 : i64, scratch_operands = 0 : i64, tpu.core_type = #tpu.core_type<tc>, window_params = [{transform_indices = @transform_0, window_bounds = array<i64: 1, 16, 35200>}, {pipeline_mode = #tpu.pipeline_mode<synchronous>, transform_indices = @transform_1, window_bounds = array<i64: 16, 1>}, {pipeline_mode = #tpu.pipeline_mode<synchronous>, transform_indices = @transform_2, window_bounds = array<i64: 16, 1>}, {transform_indices = @transform_3, window_bounds = array<i64: 1, 16, 35200>}]} {
    %get3A = arith.constant 0 : index
    %get3A_0 = arith.constant 0 : index
    %get3A_1 = arith.constant 0 : index
    %get3A_2 = vector.load %arg1[%get3A, %get3A_0, %get3A_1] : memref<1x16x35200xf32, #tpu.memory_space<vmem>>, vector<1x16x35200xf32>
    %get3A_3 = arith.constant 0 : index
    %get3A_4 = arith.constant 0 : index
    %get3A_5 = vector.load %arg2[%get3A_3, %get3A_4] : memref<16x1xf32, #tpu.memory_space<vmem>>, vector<16x1xf32>
    %broadcast_in_dim3A = vector.shape_cast %get3A_5 : vector<16x1xf32> to vector<1x16x1xf32>
    %mul3A = vector.broadcast %broadcast_in_dim3A : vector<1x16x1xf32> to vector<1x16x35200xf32>
    %mul3A_6 = arith.mulf %get3A_2, %mul3A : vector<1x16x35200xf32>
    %get3A_7 = arith.constant 0 : index
    %get3A_8 = arith.constant 0 : index
    %get3A_9 = vector.load %arg3[%get3A_7, %get3A_8] : memref<16x1xf32, #tpu.memory_space<vmem>>, vector<16x1xf32>
    %broadcast_in_dim3A_10 = vector.shape_cast %get3A_9 : vector<16x1xf32> to vector<1x16x1xf32>
    %add3A = vector.broadcast %broadcast_in_dim3A_10 : vector<1x16x1xf32> to vector<1x16x35200xf32>
    %add3A_11 = arith.addf %mul3A_6, %add3A : vector<1x16x35200xf32>
    %max3A = arith.constant 0.000000e+00 : f32
    %max3A_12 = vector.broadcast %max3A : f32 to vector<1x16x35200xf32>
    %max3A_13 = arith.maximumf %add3A_11, %max3A_12 : vector<1x16x35200xf32>
    %swap3A = arith.constant 0 : index
    %swap3A_14 = arith.constant 0 : index
    %swap3A_15 = arith.constant 0 : index
    %swap3A_16 = vector.load %arg4[%swap3A, %swap3A_14, %swap3A_15] : memref<1x16x35200xf32, #tpu.memory_space<vmem>>, vector<1x16x35200xf32>
    tpu.vector_store %arg4[%swap3A, %swap3A_14, %swap3A_15], %max3A_13 {strides = array<i32>} : memref<1x16x35200xf32, #tpu.memory_space<vmem>>, vector<1x16x35200xf32>,
    return
  }
  func.func @transform_0(%arg0: i32) -> (i32, i32, i32) {
    %c0_i32 = arith.constant 0 : i32
    %c0_i32_0 = arith.constant 0 : i32
    %c0_i32_1 = arith.constant 0 : i32
    return %arg0, %c0_i32, %c0_i32_0 : i32, i32, i32
  }
  func.func @transform_1(%arg0: i32) -> (i32, i32) {
    %c0_i32 = arith.constant 0 : i32
    %c0_i32_0 = arith.constant 0 : i32
    %c0_i32_1 = arith.constant 0 : i32
    return %c0_i32, %c0_i32_0 : i32, i32
  }
  func.func @transform_2(%arg0: i32) -> (i32, i32) {
    %c0_i32 = arith.constant 0 : i32
    %c0_i32_0 = arith.constant 0 : i32
    %c0_i32_1 = arith.constant 0 : i32
    return %c0_i32, %c0_i32_0 : i32, i32
  }
  func.func @transform_3(%arg0: i32) -> (i32, i32, i32) {
    %c0_i32 = arith.constant 0 : i32
    %c0_i32_0 = arith.constant 0 : i32
    %c0_i32_1 = arith.constant 0 : i32
    return %arg0, %c0_i32, %c0_i32_0 : i32, i32, i32
  }
}

module attributes {stable_mosaic.version = 14 : i64} {
  func.func @_conv_body(%arg0: i32, %arg1: memref<27x32x16xf32, #tpu.memory_space<vmem>>, %arg2: memref<1x128x8997xf32, #tpu.memory_space<vmem>>, %arg3: memref<1x128x8997xf32, #tpu.memory_space<vmem>>, %arg4: memref<1x32x8900xf32, #tpu.memory_space<vmem>>, %arg5: memref<1x2x32xf32, #tpu.memory_space<vmem>>) attributes {dimension_semantics = [#tpu.dimension_semantics<arbitrary>], iteration_bounds = array<i64: 11>, scalar_prefetch = 0 : i64, scratch_operands = 0 : i64, tpu.core_type = #tpu.core_type<tc>, window_params = [{pipeline_mode = #tpu.pipeline_mode<synchronous>, transform_indices = @transform_0, window_bounds = array<i64: 27, 32, 16>}, {transform_indices = @transform_1, window_bounds = array<i64: 1, 128, 8997>}, {transform_indices = @transform_2, window_bounds = array<i64: 1, 128, 8997>}, {transform_indices = @transform_3, window_bounds = array<i64: 1, 32, 8900>}, {transform_indices = @transform_4, window_bounds = array<i64: 1, 2, 32>}]} {
    %get3A = arith.constant 0 : index
    %get3A_0 = arith.constant 0 : index
    %get3A_1 = arith.constant 0 : index
    %get3A_2 = vector.load %arg2[%get3A, %get3A_0, %get3A_1] : memref<1x128x8997xf32, #tpu.memory_space<vmem>>, vector<1x16x8900xf32>
    %get3A_3 = vector.shape_cast %get3A_2 : vector<1x16x8900xf32> to vector<16x8900xf32>
    %get3A_4 = arith.constant 0 : index
    %get3A_5 = arith.constant 0 : index
    %get3A_6 = arith.constant 0 : index
    %get3A_7 = vector.load %arg1[%get3A_4, %get3A_5, %get3A_6] : memref<27x32x16xf32, #tpu.memory_space<vmem>>, vector<1x32x16xf32>
    %get3A_8 = vector.shape_cast %get3A_7 : vector<1x32x16xf32> to vector<32x16xf32>
    %dot_general3A = arith.constant dense<0.000000e+00> : vector<32x8900xf32>
    %dot_general3A_9 = tpu.matmul %get3A_8, %get3A_3, %dot_general3A {dimension_numbers = #tpu.dot_dimension_numbers<[1], [0], [0], [1], [0, 0, 1, 1], [], []>, transpose_lhs_hint = false} : vector<32x16xf32>, vector<16x8900xf32>, vector<32x8900xf32> -> vector<32x8900xf32>
    %get3A_10 = arith.constant 0 : index
    %get3A_11 = arith.constant 16 : index
    %get3A_12 = arith.constant 0 : index
    %get3A_13 = vector.load %arg2[%get3A_10, %get3A_11, %get3A_12] : memref<1x128x8997xf32, #tpu.memory_space<vmem>>, vector<1x16x8900xf32>
    %get3A_14 = vector.shape_cast %get3A_13 : vector<1x16x8900xf32> to vector<16x8900xf32>
    %get3A_15 = arith.constant 1 : index
    %get3A_16 = arith.constant 0 : index
    %get3A_17 = arith.constant 0 : index
    %get3A_18 = vector.load %arg1[%get3A_15, %get3A_16, %get3A_17] : memref<27x32x16xf32, #tpu.memory_space<vmem>>, vector<1x32x16xf32>
    %get3A_19 = vector.shape_cast %get3A_18 : vector<1x32x16xf32> to vector<32x16xf32>
    %dot_general3A_20 = arith.constant dense<0.000000e+00> : vector<32x8900xf32>
    %dot_general3A_21 = tpu.matmul %get3A_19, %get3A_14, %dot_general3A_20 {dimension_numbers = #tpu.dot_dimension_numbers<[1], [0], [0], [1], [0, 0, 1, 1], [], []>, transpose_lhs_hint = false} : vector<32x16xf32>, vector<16x8900xf32>, vector<32x8900xf32> -> vector<32x8900xf32>
    %add3A = arith.addf %dot_general3A_9, %dot_general3A_21 : vector<32x8900xf32>
    %get3A_22 = arith.constant 0 : index
    %get3A_23 = arith.constant 0 : index
    %get3A_24 = arith.constant 1 : index
    %get3A_25 = vector.load %arg2[%get3A_22, %get3A_23, %get3A_24] : memref<1x128x8997xf32, #tpu.memory_space<vmem>>, vector<1x16x8900xf32>
    %get3A_26 = vector.shape_cast %get3A_25 : vector<1x16x8900xf32> to vector<16x8900xf32>
    %get3A_27 = arith.constant 2 : index
    %get3A_28 = arith.constant 0 : index
    %get3A_29 = arith.constant 0 : index
    %get3A_30 = vector.load %arg1[%get3A_27, %get3A_28, %get3A_29] : memref<27x32x16xf32, #tpu.memory_space<vmem>>, vector<1x32x16xf32>
    %get3A_31 = vector.shape_cast %get3A_30 : vector<1x32x16xf32> to vector<32x16xf32>
    %dot_general3A_32 = arith.constant dense<0.000000e+00> : vector<32x8900xf32>
    %dot_general3A_33 = tpu.matmul %get3A_31, %get3A_26, %dot_general3A_32 {dimension_numbers = #tpu.dot_dimension_numbers<[1], [0], [0], [1], [0, 0, 1, 1], [], []>, transpose_lhs_hint = false} : vector<32x16xf32>, vector<16x8900xf32>, vector<32x8900xf32> -> vector<32x8900xf32>
    %add3A_34 = arith.addf %add3A, %dot_general3A_33 : vector<32x8900xf32>
    %get3A_35 = arith.constant 0 : index
    %get3A_36 = arith.constant 32 : index
    %get3A_37 = arith.constant 0 : index
    %get3A_38 = vector.load %arg2[%get3A_35, %get3A_36, %get3A_37] : memref<1x128x8997xf32, #tpu.memory_space<vmem>>, vector<1x16x8900xf32>
    %get3A_39 = vector.shape_cast %get3A_38 : vector<1x16x8900xf32> to vector<16x8900xf32>
    %get3A_40 = arith.constant 3 : index
    %get3A_41 = arith.constant 0 : index
    %get3A_42 = arith.constant 0 : index
    %get3A_43 = vector.load %arg1[%get3A_40, %get3A_41, %get3A_42] : memref<27x32x16xf32, #tpu.memory_space<vmem>>, vector<1x32x16xf32>
    %get3A_44 = vector.shape_cast %get3A_43 : vector<1x32x16xf32> to vector<32x16xf32>
    %dot_general3A_45 = arith.constant dense<0.000000e+00> : vector<32x8900xf32>
    %dot_general3A_46 = tpu.matmul %get3A_44, %get3A_39, %dot_general3A_45 {dimension_numbers = #tpu.dot_dimension_numbers<[1], [0], [0], [1], [0, 0, 1, 1], [], []>, transpose_lhs_hint = false} : vector<32x16xf32>, vector<16x8900xf32>, vector<32x8900xf32> -> vector<32x8900xf32>
    %add3A_47 = arith.addf %add3A_34, %dot_general3A_46 : vector<32x8900xf32>
    %get3A_48 = arith.constant 0 : index
    %get3A_49 = arith.constant 48 : index
    %get3A_50 = arith.constant 0 : index
    %get3A_51 = vector.load %arg2[%get3A_48, %get3A_49, %get3A_50] : memref<1x128x8997xf32, #tpu.memory_space<vmem>>, vector<1x16x8900xf32>
    %get3A_52 = vector.shape_cast %get3A_51 : vector<1x16x8900xf32> to vector<16x8900xf32>
    %get3A_53 = arith.constant 4 : index
    %get3A_54 = arith.constant 0 : index
    %get3A_55 = arith.constant 0 : index
    %get3A_56 = vector.load %arg1[%get3A_53, %get3A_54, %get3A_55] : memref<27x32x16xf32, #tpu.memory_space<vmem>>, vector<1x32x16xf32>
    %get3A_57 = vector.shape_cast %get3A_56 : vector<1x32x16xf32> to vector<32x16xf32>
    %dot_general3A_58 = arith.constant dense<0.000000e+00> : vector<32x8900xf32>
    %dot_general3A_59 = tpu.matmul %get3A_57, %get3A_52, %dot_general3A_58 {dimension_numbers = #tpu.dot_dimension_numbers<[1], [0], [0], [1], [0, 0, 1, 1], [], []>, transpose_lhs_hint = false} : vector<32x16xf32>, vector<16x8900xf32>, vector<32x8900xf32> -> vector<32x8900xf32>
    %add3A_60 = arith.addf %add3A_47, %dot_general3A_59 : vector<32x8900xf32>
    %get3A_61 = arith.constant 0 : index
    %get3A_62 = arith.constant 32 : index
    %get3A_63 = arith.constant 1 : index
    %get3A_64 = vector.load %arg2[%get3A_61, %get3A_62, %get3A_63] : memref<1x128x8997xf32, #tpu.memory_space<vmem>>, vector<1x16x8900xf32>
    %get3A_65 = vector.shape_cast %get3A_64 : vector<1x16x8900xf32> to vector<16x8900xf32>
    %get3A_66 = arith.constant 5 : index
    %get3A_67 = arith.constant 0 : index
    %get3A_68 = arith.constant 0 : index
    %get3A_69 = vector.load %arg1[%get3A_66, %get3A_67, %get3A_68] : memref<27x32x16xf32, #tpu.memory_space<vmem>>, vector<1x32x16xf32>
    %get3A_70 = vector.shape_cast %get3A_69 : vector<1x32x16xf32> to vector<32x16xf32>
    %dot_general3A_71 = arith.constant dense<0.000000e+00> : vector<32x8900xf32>
    %dot_general3A_72 = tpu.matmul %get3A_70, %get3A_65, %dot_general3A_71 {dimension_numbers = #tpu.dot_dimension_numbers<[1], [0], [0], [1], [0, 0, 1, 1], [], []>, transpose_lhs_hint = false} : vector<32x16xf32>, vector<16x8900xf32>, vector<32x8900xf32> -> vector<32x8900xf32>
    %add3A_73 = arith.addf %add3A_60, %dot_general3A_72 : vector<32x8900xf32>
    %get3A_74 = arith.constant 0 : index
    %get3A_75 = arith.constant 0 : index
    %get3A_76 = arith.constant 89 : index
    %get3A_77 = vector.load %arg2[%get3A_74, %get3A_75, %get3A_76] : memref<1x128x8997xf32, #tpu.memory_space<vmem>>, vector<1x16x8900xf32>
    %get3A_78 = vector.shape_cast %get3A_77 : vector<1x16x8900xf32> to vector<16x8900xf32>
    %get3A_79 = arith.constant 6 : index
    %get3A_80 = arith.constant 0 : index
    %get3A_81 = arith.constant 0 : index
    %get3A_82 = vector.load %arg1[%get3A_79, %get3A_80, %get3A_81] : memref<27x32x16xf32, #tpu.memory_space<vmem>>, vector<1x32x16xf32>
    %get3A_83 = vector.shape_cast %get3A_82 : vector<1x32x16xf32> to vector<32x16xf32>
    %dot_general3A_84 = arith.constant dense<0.000000e+00> : vector<32x8900xf32>
    %dot_general3A_85 = tpu.matmul %get3A_83, %get3A_78, %dot_general3A_84 {dimension_numbers = #tpu.dot_dimension_numbers<[1], [0], [0], [1], [0, 0, 1, 1], [], []>, transpose_lhs_hint = false} : vector<32x16xf32>, vector<16x8900xf32>, vector<32x8900xf32> -> vector<32x8900xf32>
    %add3A_86 = arith.addf %add3A_73, %dot_general3A_85 : vector<32x8900xf32>
    %get3A_87 = arith.constant 0 : index
    %get3A_88 = arith.constant 16 : index
    %get3A_89 = arith.constant 89 : index
    %get3A_90 = vector.load %arg2[%get3A_87, %get3A_88, %get3A_89] : memref<1x128x8997xf32, #tpu.memory_space<vmem>>, vector<1x16x8900xf32>
    %get3A_91 = vector.shape_cast %get3A_90 : vector<1x16x8900xf32> to vector<16x8900xf32>
    %get3A_92 = arith.constant 7 : index
    %get3A_93 = arith.constant 0 : index
    %get3A_94 = arith.constant 0 : index
    %get3A_95 = vector.load %arg1[%get3A_92, %get3A_93, %get3A_94] : memref<27x32x16xf32, #tpu.memory_space<vmem>>, vector<1x32x16xf32>
    %get3A_96 = vector.shape_cast %get3A_95 : vector<1x32x16xf32> to vector<32x16xf32>
    %dot_general3A_97 = arith.constant dense<0.000000e+00> : vector<32x8900xf32>
    %dot_general3A_98 = tpu.matmul %get3A_96, %get3A_91, %dot_general3A_97 {dimension_numbers = #tpu.dot_dimension_numbers<[1], [0], [0], [1], [0, 0, 1, 1], [], []>, transpose_lhs_hint = false} : vector<32x16xf32>, vector<16x8900xf32>, vector<32x8900xf32> -> vector<32x8900xf32>
    %add3A_99 = arith.addf %add3A_86, %dot_general3A_98 : vector<32x8900xf32>
    %get3A_100 = arith.constant 0 : index
    %get3A_101 = arith.constant 0 : index
    %get3A_102 = arith.constant 90 : index
    %get3A_103 = vector.load %arg2[%get3A_100, %get3A_101, %get3A_102] : memref<1x128x8997xf32, #tpu.memory_space<vmem>>, vector<1x16x8900xf32>
    %get3A_104 = vector.shape_cast %get3A_103 : vector<1x16x8900xf32> to vector<16x8900xf32>
    %get3A_105 = arith.constant 8 : index
    %get3A_106 = arith.constant 0 : index
    %get3A_107 = arith.constant 0 : index
    %get3A_108 = vector.load %arg1[%get3A_105, %get3A_106, %get3A_107] : memref<27x32x16xf32, #tpu.memory_space<vmem>>, vector<1x32x16xf32>
    %get3A_109 = vector.shape_cast %get3A_108 : vector<1x32x16xf32> to vector<32x16xf32>
    %dot_general3A_110 = arith.constant dense<0.000000e+00> : vector<32x8900xf32>
    %dot_general3A_111 = tpu.matmul %get3A_109, %get3A_104, %dot_general3A_110 {dimension_numbers = #tpu.dot_dimension_numbers<[1], [0], [0], [1], [0, 0, 1, 1], [], []>, transpose_lhs_hint = false} : vector<32x16xf32>, vector<16x8900xf32>, vector<32x8900xf32> -> vector<32x8900xf32>
    %add3A_112 = arith.addf %add3A_99, %dot_general3A_111 : vector<32x8900xf32>
    %get3A_113 = arith.constant 0 : index
    %get3A_114 = arith.constant 64 : index
    %get3A_115 = arith.constant 0 : index
    %get3A_116 = vector.load %arg2[%get3A_113, %get3A_114, %get3A_115] : memref<1x128x8997xf32, #tpu.memory_space<vmem>>, vector<1x16x8900xf32>
    %get3A_117 = vector.shape_cast %get3A_116 : vector<1x16x8900xf32> to vector<16x8900xf32>
    %get3A_118 = arith.constant 9 : index
    %get3A_119 = arith.constant 0 : index
    %get3A_120 = arith.constant 0 : index
    %get3A_121 = vector.load %arg1[%get3A_118, %get3A_119, %get3A_120] : memref<27x32x16xf32, #tpu.memory_space<vmem>>, vector<1x32x16xf32>
    %get3A_122 = vector.shape_cast %get3A_121 : vector<1x32x16xf32> to vector<32x16xf32>
    %dot_general3A_123 = arith.constant dense<0.000000e+00> : vector<32x8900xf32>
    %dot_general3A_124 = tpu.matmul %get3A_122, %get3A_117, %dot_general3A_123 {dimension_numbers = #tpu.dot_dimension_numbers<[1], [0], [0], [1], [0, 0, 1, 1], [], []>, transpose_lhs_hint = false} : vector<32x16xf32>, vector<16x8900xf32>, vector<32x8900xf32> -> vector<32x8900xf32>
    %add3A_125 = arith.addf %add3A_112, %dot_general3A_124 : vector<32x8900xf32>
    %get3A_126 = arith.constant 0 : index
    %get3A_127 = arith.constant 80 : index
    %get3A_128 = arith.constant 0 : index
    %get3A_129 = vector.load %arg2[%get3A_126, %get3A_127, %get3A_128] : memref<1x128x8997xf32, #tpu.memory_space<vmem>>, vector<1x16x8900xf32>
    %get3A_130 = vector.shape_cast %get3A_129 : vector<1x16x8900xf32> to vector<16x8900xf32>
    %get3A_131 = arith.constant 10 : index
    %get3A_132 = arith.constant 0 : index
    %get3A_133 = arith.constant 0 : index
    %get3A_134 = vector.load %arg1[%get3A_131, %get3A_132, %get3A_133] : memref<27x32x16xf32, #tpu.memory_space<vmem>>, vector<1x32x16xf32>
    %get3A_135 = vector.shape_cast %get3A_134 : vector<1x32x16xf32> to vector<32x16xf32>
    %dot_general3A_136 = arith.constant dense<0.000000e+00> : vector<32x8900xf32>
    %dot_general3A_137 = tpu.matmul %get3A_135, %get3A_130, %dot_general3A_136 {dimension_numbers = #tpu.dot_dimension_numbers<[1], [0], [0], [1], [0, 0, 1, 1], [], []>, transpose_lhs_hint = false} : vector<32x16xf32>, vector<16x8900xf32>, vector<32x8900xf32> -> vector<32x8900xf32>
    %add3A_138 = arith.addf %add3A_125, %dot_general3A_137 : vector<32x8900xf32>
    %get3A_139 = arith.constant 0 : index
    %get3A_140 = arith.constant 64 : index
    %get3A_141 = arith.constant 1 : index
    %get3A_142 = vector.load %arg2[%get3A_139, %get3A_140, %get3A_141] : memref<1x128x8997xf32, #tpu.memory_space<vmem>>, vector<1x16x8900xf32>
    %get3A_143 = vector.shape_cast %get3A_142 : vector<1x16x8900xf32> to vector<16x8900xf32>
    %get3A_144 = arith.constant 11 : index
    %get3A_145 = arith.constant 0 : index
    %get3A_146 = arith.constant 0 : index
    %get3A_147 = vector.load %arg1[%get3A_144, %get3A_145, %get3A_146] : memref<27x32x16xf32, #tpu.memory_space<vmem>>, vector<1x32x16xf32>
    %get3A_148 = vector.shape_cast %get3A_147 : vector<1x32x16xf32> to vector<32x16xf32>
    %dot_general3A_149 = arith.constant dense<0.000000e+00> : vector<32x8900xf32>
    %dot_general3A_150 = tpu.matmul %get3A_148, %get3A_143, %dot_general3A_149 {dimension_numbers = #tpu.dot_dimension_numbers<[1], [0], [0], [1], [0, 0, 1, 1], [], []>, transpose_lhs_hint = false} : vector<32x16xf32>, vector<16x8900xf32>, vector<32x8900xf32> -> vector<32x8900xf32>
    %add3A_151 = arith.addf %add3A_138, %dot_general3A_150 : vector<32x8900xf32>
    %get3A_152 = arith.constant 0 : index
    %get3A_153 = arith.constant 96 : index
    %get3A_154 = arith.constant 0 : index
    %get3A_155 = vector.load %arg2[%get3A_152, %get3A_153, %get3A_154] : memref<1x128x8997xf32, #tpu.memory_space<vmem>>, vector<1x16x8900xf32>
    %get3A_156 = vector.shape_cast %get3A_155 : vector<1x16x8900xf32> to vector<16x8900xf32>
    %get3A_157 = arith.constant 12 : index
    %get3A_158 = arith.constant 0 : index
    %get3A_159 = arith.constant 0 : index
    %get3A_160 = vector.load %arg1[%get3A_157, %get3A_158, %get3A_159] : memref<27x32x16xf32, #tpu.memory_space<vmem>>, vector<1x32x16xf32>
    %get3A_161 = vector.shape_cast %get3A_160 : vector<1x32x16xf32> to vector<32x16xf32>
    %dot_general3A_162 = arith.constant dense<0.000000e+00> : vector<32x8900xf32>
    %dot_general3A_163 = tpu.matmul %get3A_161, %get3A_156, %dot_general3A_162 {dimension_numbers = #tpu.dot_dimension_numbers<[1], [0], [0], [1], [0, 0, 1, 1], [], []>, transpose_lhs_hint = false} : vector<32x16xf32>, vector<16x8900xf32>, vector<32x8900xf32> -> vector<32x8900xf32>
    %add3A_164 = arith.addf %add3A_151, %dot_general3A_163 : vector<32x8900xf32>
    %get3A_165 = arith.constant 0 : index
    %get3A_166 = arith.constant 112 : index
    %get3A_167 = arith.constant 0 : index
    %get3A_168 = vector.load %arg2[%get3A_165, %get3A_166, %get3A_167] : memref<1x128x8997xf32, #tpu.memory_space<vmem>>, vector<1x16x8900xf32>
    %get3A_169 = vector.shape_cast %get3A_168 : vector<1x16x8900xf32> to vector<16x8900xf32>
    %get3A_170 = arith.constant 13 : index
    %get3A_171 = arith.constant 0 : index
    %get3A_172 = arith.constant 0 : index
    %get3A_173 = vector.load %arg1[%get3A_170, %get3A_171, %get3A_172] : memref<27x32x16xf32, #tpu.memory_space<vmem>>, vector<1x32x16xf32>
    %get3A_174 = vector.shape_cast %get3A_173 : vector<1x32x16xf32> to vector<32x16xf32>
    %dot_general3A_175 = arith.constant dense<0.000000e+00> : vector<32x8900xf32>
    %dot_general3A_176 = tpu.matmul %get3A_174, %get3A_169, %dot_general3A_175 {dimension_numbers = #tpu.dot_dimension_numbers<[1], [0], [0], [1], [0, 0, 1, 1], [], []>, transpose_lhs_hint = false} : vector<32x16xf32>, vector<16x8900xf32>, vector<32x8900xf32> -> vector<32x8900xf32>
    %add3A_177 = arith.addf %add3A_164, %dot_general3A_176 : vector<32x8900xf32>
    %get3A_178 = arith.constant 0 : index
    %get3A_179 = arith.constant 96 : index
    %get3A_180 = arith.constant 1 : index
    %get3A_181 = vector.load %arg2[%get3A_178, %get3A_179, %get3A_180] : memref<1x128x8997xf32, #tpu.memory_space<vmem>>, vector<1x16x8900xf32>
    %get3A_182 = vector.shape_cast %get3A_181 : vector<1x16x8900xf32> to vector<16x8900xf32>
    %get3A_183 = arith.constant 14 : index
    %get3A_184 = arith.constant 0 : index
    %get3A_185 = arith.constant 0 : index
    %get3A_186 = vector.load %arg1[%get3A_183, %get3A_184, %get3A_185] : memref<27x32x16xf32, #tpu.memory_space<vmem>>, vector<1x32x16xf32>
    %get3A_187 = vector.shape_cast %get3A_186 : vector<1x32x16xf32> to vector<32x16xf32>
    %dot_general3A_188 = arith.constant dense<0.000000e+00> : vector<32x8900xf32>
    %dot_general3A_189 = tpu.matmul %get3A_187, %get3A_182, %dot_general3A_188 {dimension_numbers = #tpu.dot_dimension_numbers<[1], [0], [0], [1], [0, 0, 1, 1], [], []>, transpose_lhs_hint = false} : vector<32x16xf32>, vector<16x8900xf32>, vector<32x8900xf32> -> vector<32x8900xf32>
    %add3A_190 = arith.addf %add3A_177, %dot_general3A_189 : vector<32x8900xf32>
    %get3A_191 = arith.constant 0 : index
    %get3A_192 = arith.constant 64 : index
    %get3A_193 = arith.constant 89 : index
    %get3A_194 = vector.load %arg2[%get3A_191, %get3A_192, %get3A_193] : memref<1x128x8997xf32, #tpu.memory_space<vmem>>, vector<1x16x8900xf32>
    %get3A_195 = vector.shape_cast %get3A_194 : vector<1x16x8900xf32> to vector<16x8900xf32>
    %get3A_196 = arith.constant 15 : index
    %get3A_197 = arith.constant 0 : index
    %get3A_198 = arith.constant 0 : index
    %get3A_199 = vector.load %arg1[%get3A_196, %get3A_197, %get3A_198] : memref<27x32x16xf32, #tpu.memory_space<vmem>>, vector<1x32x16xf32>
    %get3A_200 = vector.shape_cast %get3A_199 : vector<1x32x16xf32> to vector<32x16xf32>
    %dot_general3A_201 = arith.constant dense<0.000000e+00> : vector<32x8900xf32>
    %dot_general3A_202 = tpu.matmul %get3A_200, %get3A_195, %dot_general3A_201 {dimension_numbers = #tpu.dot_dimension_numbers<[1], [0], [0], [1], [0, 0, 1, 1], [], []>, transpose_lhs_hint = false} : vector<32x16xf32>, vector<16x8900xf32>, vector<32x8900xf32> -> vector<32x8900xf32>
    %add3A_203 = arith.addf %add3A_190, %dot_general3A_202 : vector<32x8900xf32>
    %get3A_204 = arith.constant 0 : index
    %get3A_205 = arith.constant 80 : index
    %get3A_206 = arith.constant 89 : index
    %get3A_207 = vector.load %arg2[%get3A_204, %get3A_205, %get3A_206] : memref<1x128x8997xf32, #tpu.memory_space<vmem>>, vector<1x16x8900xf32>
    %get3A_208 = vector.shape_cast %get3A_207 : vector<1x16x8900xf32> to vector<16x8900xf32>
    %get3A_209 = arith.constant 16 : index
    %get3A_210 = arith.constant 0 : index
    %get3A_211 = arith.constant 0 : index
    %get3A_212 = vector.load %arg1[%get3A_209, %get3A_210, %get3A_211] : memref<27x32x16xf32, #tpu.memory_space<vmem>>, vector<1x32x16xf32>
    %get3A_213 = vector.shape_cast %get3A_212 : vector<1x32x16xf32> to vector<32x16xf32>
    %dot_general3A_214 = arith.constant dense<0.000000e+00> : vector<32x8900xf32>
    %dot_general3A_215 = tpu.matmul %get3A_213, %get3A_208, %dot_general3A_214 {dimension_numbers = #tpu.dot_dimension_numbers<[1], [0], [0], [1], [0, 0, 1, 1], [], []>, transpose_lhs_hint = false} : vector<32x16xf32>, vector<16x8900xf32>, vector<32x8900xf32> -> vector<32x8900xf32>
    %add3A_216 = arith.addf %add3A_203, %dot_general3A_215 : vector<32x8900xf32>
    %get3A_217 = arith.constant 0 : index
    %get3A_218 = arith.constant 64 : index
    %get3A_219 = arith.constant 90 : index
    %get3A_220 = vector.load %arg2[%get3A_217, %get3A_218, %get3A_219] : memref<1x128x8997xf32, #tpu.memory_space<vmem>>, vector<1x16x8900xf32>
    %get3A_221 = vector.shape_cast %get3A_220 : vector<1x16x8900xf32> to vector<16x8900xf32>
    %get3A_222 = arith.constant 17 : index
    %get3A_223 = arith.constant 0 : index
    %get3A_224 = arith.constant 0 : index
    %get3A_225 = vector.load %arg1[%get3A_222, %get3A_223, %get3A_224] : memref<27x32x16xf32, #tpu.memory_space<vmem>>, vector<1x32x16xf32>
    %get3A_226 = vector.shape_cast %get3A_225 : vector<1x32x16xf32> to vector<32x16xf32>
    %dot_general3A_227 = arith.constant dense<0.000000e+00> : vector<32x8900xf32>
    %dot_general3A_228 = tpu.matmul %get3A_226, %get3A_221, %dot_general3A_227 {dimension_numbers = #tpu.dot_dimension_numbers<[1], [0], [0], [1], [0, 0, 1, 1], [], []>, transpose_lhs_hint = false} : vector<32x16xf32>, vector<16x8900xf32>, vector<32x8900xf32> -> vector<32x8900xf32>
    %add3A_229 = arith.addf %add3A_216, %dot_general3A_228 : vector<32x8900xf32>
    %get3A_230 = arith.constant 0 : index
    %get3A_231 = arith.constant 0 : index
    %get3A_232 = arith.constant 0 : index
    %get3A_233 = vector.load %arg3[%get3A_230, %get3A_231, %get3A_232] : memref<1x128x8997xf32, #tpu.memory_space<vmem>>, vector<1x16x8900xf32>
    %get3A_234 = vector.shape_cast %get3A_233 : vector<1x16x8900xf32> to vector<16x8900xf32>
    %get3A_235 = arith.constant 18 : index
    %get3A_236 = arith.constant 0 : index
    %get3A_237 = arith.constant 0 : index
    %get3A_238 = vector.load %arg1[%get3A_235, %get3A_236, %get3A_237] : memref<27x32x16xf32, #tpu.memory_space<vmem>>, vector<1x32x16xf32>
    %get3A_239 = vector.shape_cast %get3A_238 : vector<1x32x16xf32> to vector<32x16xf32>
    %dot_general3A_240 = arith.constant dense<0.000000e+00> : vector<32x8900xf32>
    %dot_general3A_241 = tpu.matmul %get3A_239, %get3A_234, %dot_general3A_240 {dimension_numbers = #tpu.dot_dimension_numbers<[1], [0], [0], [1], [0, 0, 1, 1], [], []>, transpose_lhs_hint = false} : vector<32x16xf32>, vector<16x8900xf32>, vector<32x8900xf32> -> vector<32x8900xf32>
    %add3A_242 = arith.addf %add3A_229, %dot_general3A_241 : vector<32x8900xf32>
    %get3A_243 = arith.constant 0 : index
    %get3A_244 = arith.constant 16 : index
    %get3A_245 = arith.constant 0 : index
    %get3A_246 = vector.load %arg3[%get3A_243, %get3A_244, %get3A_245] : memref<1x128x8997xf32, #tpu.memory_space<vmem>>, vector<1x16x8900xf32>
    %get3A_247 = vector.shape_cast %get3A_246 : vector<1x16x8900xf32> to vector<16x8900xf32>
    %get3A_248 = arith.constant 19 : index
    %get3A_249 = arith.constant 0 : index
    %get3A_250 = arith.constant 0 : index
    %get3A_251 = vector.load %arg1[%get3A_248, %get3A_249, %get3A_250] : memref<27x32x16xf32, #tpu.memory_space<vmem>>, vector<1x32x16xf32>
    %get3A_252 = vector.shape_cast %get3A_251 : vector<1x32x16xf32> to vector<32x16xf32>
    %dot_general3A_253 = arith.constant dense<0.000000e+00> : vector<32x8900xf32>
    %dot_general3A_254 = tpu.matmul %get3A_252, %get3A_247, %dot_general3A_253 {dimension_numbers = #tpu.dot_dimension_numbers<[1], [0], [0], [1], [0, 0, 1, 1], [], []>, transpose_lhs_hint = false} : vector<32x16xf32>, vector<16x8900xf32>, vector<32x8900xf32> -> vector<32x8900xf32>
    %add3A_255 = arith.addf %add3A_242, %dot_general3A_254 : vector<32x8900xf32>
    %get3A_256 = arith.constant 0 : index
    %get3A_257 = arith.constant 0 : index
    %get3A_258 = arith.constant 1 : index
    %get3A_259 = vector.load %arg3[%get3A_256, %get3A_257, %get3A_258] : memref<1x128x8997xf32, #tpu.memory_space<vmem>>, vector<1x16x8900xf32>
    %get3A_260 = vector.shape_cast %get3A_259 : vector<1x16x8900xf32> to vector<16x8900xf32>
    %get3A_261 = arith.constant 20 : index
    %get3A_262 = arith.constant 0 : index
    %get3A_263 = arith.constant 0 : index
    %get3A_264 = vector.load %arg1[%get3A_261, %get3A_262, %get3A_263] : memref<27x32x16xf32, #tpu.memory_space<vmem>>, vector<1x32x16xf32>
    %get3A_265 = vector.shape_cast %get3A_264 : vector<1x32x16xf32> to vector<32x16xf32>
    %dot_general3A_266 = arith.constant dense<0.000000e+00> : vector<32x8900xf32>
    %dot_general3A_267 = tpu.matmul %get3A_265, %get3A_260, %dot_general3A_266 {dimension_numbers = #tpu.dot_dimension_numbers<[1], [0], [0], [1], [0, 0, 1, 1], [], []>, transpose_lhs_hint = false} : vector<32x16xf32>, vector<16x8900xf32>, vector<32x8900xf32> -> vector<32x8900xf32>
    %add3A_268 = arith.addf %add3A_255, %dot_general3A_267 : vector<32x8900xf32>
    %get3A_269 = arith.constant 0 : index
    %get3A_270 = arith.constant 32 : index
    %get3A_271 = arith.constant 0 : index
    %get3A_272 = vector.load %arg3[%get3A_269, %get3A_270, %get3A_271] : memref<1x128x8997xf32, #tpu.memory_space<vmem>>, vector<1x16x8900xf32>
    %get3A_273 = vector.shape_cast %get3A_272 : vector<1x16x8900xf32> to vector<16x8900xf32>
    %get3A_274 = arith.constant 21 : index
    %get3A_275 = arith.constant 0 : index
    %get3A_276 = arith.constant 0 : index
    %get3A_277 = vector.load %arg1[%get3A_274, %get3A_275, %get3A_276] : memref<27x32x16xf32, #tpu.memory_space<vmem>>, vector<1x32x16xf32>
    %get3A_278 = vector.shape_cast %get3A_277 : vector<1x32x16xf32> to vector<32x16xf32>
    %dot_general3A_279 = arith.constant dense<0.000000e+00> : vector<32x8900xf32>
    %dot_general3A_280 = tpu.matmul %get3A_278, %get3A_273, %dot_general3A_279 {dimension_numbers = #tpu.dot_dimension_numbers<[1], [0], [0], [1], [0, 0, 1, 1], [], []>, transpose_lhs_hint = false} : vector<32x16xf32>, vector<16x8900xf32>, vector<32x8900xf32> -> vector<32x8900xf32>
    %add3A_281 = arith.addf %add3A_268, %dot_general3A_280 : vector<32x8900xf32>
    %get3A_282 = arith.constant 0 : index
    %get3A_283 = arith.constant 48 : index
    %get3A_284 = arith.constant 0 : index
    %get3A_285 = vector.load %arg3[%get3A_282, %get3A_283, %get3A_284] : memref<1x128x8997xf32, #tpu.memory_space<vmem>>, vector<1x16x8900xf32>
    %get3A_286 = vector.shape_cast %get3A_285 : vector<1x16x8900xf32> to vector<16x8900xf32>
    %get3A_287 = arith.constant 22 : index
    %get3A_288 = arith.constant 0 : index
    %get3A_289 = arith.constant 0 : index
    %get3A_290 = vector.load %arg1[%get3A_287, %get3A_288, %get3A_289] : memref<27x32x16xf32, #tpu.memory_space<vmem>>, vector<1x32x16xf32>
    %get3A_291 = vector.shape_cast %get3A_290 : vector<1x32x16xf32> to vector<32x16xf32>
    %dot_general3A_292 = arith.constant dense<0.000000e+00> : vector<32x8900xf32>
    %dot_general3A_293 = tpu.matmul %get3A_291, %get3A_286, %dot_general3A_292 {dimension_numbers = #tpu.dot_dimension_numbers<[1], [0], [0], [1], [0, 0, 1, 1], [], []>, transpose_lhs_hint = false} : vector<32x16xf32>, vector<16x8900xf32>, vector<32x8900xf32> -> vector<32x8900xf32>
    %add3A_294 = arith.addf %add3A_281, %dot_general3A_293 : vector<32x8900xf32>
    %get3A_295 = arith.constant 0 : index
    %get3A_296 = arith.constant 32 : index
    %get3A_297 = arith.constant 1 : index
    %get3A_298 = vector.load %arg3[%get3A_295, %get3A_296, %get3A_297] : memref<1x128x8997xf32, #tpu.memory_space<vmem>>, vector<1x16x8900xf32>
    %get3A_299 = vector.shape_cast %get3A_298 : vector<1x16x8900xf32> to vector<16x8900xf32>
    %get3A_300 = arith.constant 23 : index
    %get3A_301 = arith.constant 0 : index
    %get3A_302 = arith.constant 0 : index
    %get3A_303 = vector.load %arg1[%get3A_300, %get3A_301, %get3A_302] : memref<27x32x16xf32, #tpu.memory_space<vmem>>, vector<1x32x16xf32>
    %get3A_304 = vector.shape_cast %get3A_303 : vector<1x32x16xf32> to vector<32x16xf32>
    %dot_general3A_305 = arith.constant dense<0.000000e+00> : vector<32x8900xf32>
    %dot_general3A_306 = tpu.matmul %get3A_304, %get3A_299, %dot_general3A_305 {dimension_numbers = #tpu.dot_dimension_numbers<[1], [0], [0], [1], [0, 0, 1, 1], [], []>, transpose_lhs_hint = false} : vector<32x16xf32>, vector<16x8900xf32>, vector<32x8900xf32> -> vector<32x8900xf32>
    %add3A_307 = arith.addf %add3A_294, %dot_general3A_306 : vector<32x8900xf32>
    %get3A_308 = arith.constant 0 : index
    %get3A_309 = arith.constant 0 : index
    %get3A_310 = arith.constant 89 : index
    %get3A_311 = vector.load %arg3[%get3A_308, %get3A_309, %get3A_310] : memref<1x128x8997xf32, #tpu.memory_space<vmem>>, vector<1x16x8900xf32>
    %get3A_312 = vector.shape_cast %get3A_311 : vector<1x16x8900xf32> to vector<16x8900xf32>
    %get3A_313 = arith.constant 24 : index
    %get3A_314 = arith.constant 0 : index
    %get3A_315 = arith.constant 0 : index
    %get3A_316 = vector.load %arg1[%get3A_313, %get3A_314, %get3A_315] : memref<27x32x16xf32, #tpu.memory_space<vmem>>, vector<1x32x16xf32>
    %get3A_317 = vector.shape_cast %get3A_316 : vector<1x32x16xf32> to vector<32x16xf32>
    %dot_general3A_318 = arith.constant dense<0.000000e+00> : vector<32x8900xf32>
    %dot_general3A_319 = tpu.matmul %get3A_317, %get3A_312, %dot_general3A_318 {dimension_numbers = #tpu.dot_dimension_numbers<[1], [0], [0], [1], [0, 0, 1, 1], [], []>, transpose_lhs_hint = false} : vector<32x16xf32>, vector<16x8900xf32>, vector<32x8900xf32> -> vector<32x8900xf32>
    %add3A_320 = arith.addf %add3A_307, %dot_general3A_319 : vector<32x8900xf32>
    %get3A_321 = arith.constant 0 : index
    %get3A_322 = arith.constant 16 : index
    %get3A_323 = arith.constant 89 : index
    %get3A_324 = vector.load %arg3[%get3A_321, %get3A_322, %get3A_323] : memref<1x128x8997xf32, #tpu.memory_space<vmem>>, vector<1x16x8900xf32>
    %get3A_325 = vector.shape_cast %get3A_324 : vector<1x16x8900xf32> to vector<16x8900xf32>
    %get3A_326 = arith.constant 25 : index
    %get3A_327 = arith.constant 0 : index
    %get3A_328 = arith.constant 0 : index
    %get3A_329 = vector.load %arg1[%get3A_326, %get3A_327, %get3A_328] : memref<27x32x16xf32, #tpu.memory_space<vmem>>, vector<1x32x16xf32>
    %get3A_330 = vector.shape_cast %get3A_329 : vector<1x32x16xf32> to vector<32x16xf32>
    %dot_general3A_331 = arith.constant dense<0.000000e+00> : vector<32x8900xf32>
    %dot_general3A_332 = tpu.matmul %get3A_330, %get3A_325, %dot_general3A_331 {dimension_numbers = #tpu.dot_dimension_numbers<[1], [0], [0], [1], [0, 0, 1, 1], [], []>, transpose_lhs_hint = false} : vector<32x16xf32>, vector<16x8900xf32>, vector<32x8900xf32> -> vector<32x8900xf32>
    %add3A_333 = arith.addf %add3A_320, %dot_general3A_332 : vector<32x8900xf32>
    %get3A_334 = arith.constant 0 : index
    %get3A_335 = arith.constant 0 : index
    %get3A_336 = arith.constant 90 : index
    %get3A_337 = vector.load %arg3[%get3A_334, %get3A_335, %get3A_336] : memref<1x128x8997xf32, #tpu.memory_space<vmem>>, vector<1x16x8900xf32>
    %get3A_338 = vector.shape_cast %get3A_337 : vector<1x16x8900xf32> to vector<16x8900xf32>
    %get3A_339 = arith.constant 26 : index
    %get3A_340 = arith.constant 0 : index
    %get3A_341 = arith.constant 0 : index
    %get3A_342 = vector.load %arg1[%get3A_339, %get3A_340, %get3A_341] : memref<27x32x16xf32, #tpu.memory_space<vmem>>, vector<1x32x16xf32>
    %get3A_343 = vector.shape_cast %get3A_342 : vector<1x32x16xf32> to vector<32x16xf32>
    %dot_general3A_344 = arith.constant dense<0.000000e+00> : vector<32x8900xf32>
    %dot_general3A_345 = tpu.matmul %get3A_343, %get3A_338, %dot_general3A_344 {dimension_numbers = #tpu.dot_dimension_numbers<[1], [0], [0], [1], [0, 0, 1, 1], [], []>, transpose_lhs_hint = false} : vector<32x16xf32>, vector<16x8900xf32>, vector<32x8900xf32> -> vector<32x8900xf32>
    %add3A_346 = arith.addf %add3A_333, %dot_general3A_345 : vector<32x8900xf32>
    %swap3A = arith.constant 0 : index
    %swap3A_347 = arith.constant 0 : index
    %swap3A_348 = arith.constant 0 : index
    %swap3A_349 = vector.load %arg4[%swap3A, %swap3A_347, %swap3A_348] : memref<1x32x8900xf32, #tpu.memory_space<vmem>>, vector<1x32x8900xf32>
    %swap3A_350 = vector.shape_cast %swap3A_349 : vector<1x32x8900xf32> to vector<32x8900xf32>
    %swap3A_351 = vector.shape_cast %add3A_346 : vector<32x8900xf32> to vector<1x32x8900xf32>
    tpu.vector_store %arg4[%swap3A, %swap3A_347, %swap3A_348], %swap3A_351 {strides = array<i32>} : memref<1x32x8900xf32, #tpu.memory_space<vmem>>, vector<1x32x8900xf32>,
    %reshape3A = vector.shape_cast %add3A_346 : vector<32x8900xf32> to vector<32x100x89xf32>
    %iota3A = tpu.iota {dimensions = array<i32: 2>} : vector<1x1x89xi32>
    %lt3A = arith.constant 88 : i32
    %lt3A_352 = vector.broadcast %lt3A : i32 to vector<1x1x89xi32>
    %lt3A_353 = arith.cmpi slt, %iota3A, %lt3A_352 : vector<1x1x89xi32>
    %jit3A = arith.constant 0.000000e+00 : f32
    %broadcast_in_dim3A = vector.shape_cast %lt3A_353 : vector<1x1x89xi1> to vector<1x1x89xi1>
    %broadcast_in_dim3A_354 = vector.broadcast %broadcast_in_dim3A : vector<1x1x89xi1> to vector<32x100x89xi1>
    %broadcast_in_dim3A_355 = vector.broadcast %jit3A : f32 to vector<32x100x89xf32>
    %select_n3A = arith.select %broadcast_in_dim3A_354, %reshape3A, %broadcast_in_dim3A_355 : vector<32x100x89xi1>, vector<32x100x89xf32>
    %reduce_sum3A = arith.constant dense<0.000000e+00> : vector<32x100xf32>
    %reduce_sum3A_356 = vector.multi_reduction <add>, %select_n3A, %reduce_sum3A [2] : vector<32x100x89xf32> to vector<32x100xf32>
    %reduce_sum3A_357 = arith.constant dense<0.000000e+00> : vector<32xf32>
    %reduce_sum3A_358 = vector.multi_reduction <add>, %reduce_sum3A_356, %reduce_sum3A_357 [1] : vector<32x100xf32> to vector<32xf32>
    %swap3A_359 = arith.constant 0 : index
    %swap3A_360 = arith.constant 0 : index
    %swap3A_361 = arith.constant 0 : index
    %swap3A_362 = vector.load %arg5[%swap3A_359, %swap3A_360, %swap3A_361] : memref<1x2x32xf32, #tpu.memory_space<vmem>>, vector<1x1x32xf32>
    %swap3A_363 = vector.shape_cast %swap3A_362 : vector<1x1x32xf32> to vector<32xf32>
    %swap3A_364 = vector.shape_cast %reduce_sum3A_358 : vector<32xf32> to vector<1x1x32xf32>
    tpu.vector_store %arg5[%swap3A_359, %swap3A_360, %swap3A_361], %swap3A_364 {strides = array<i32>} : memref<1x2x32xf32, #tpu.memory_space<vmem>>, vector<1x1x32xf32>,
    %mul3A = arith.mulf %select_n3A, %select_n3A : vector<32x100x89xf32>
    %reduce_sum3A_365 = arith.constant dense<0.000000e+00> : vector<32x100xf32>
    %reduce_sum3A_366 = vector.multi_reduction <add>, %mul3A, %reduce_sum3A_365 [2] : vector<32x100x89xf32> to vector<32x100xf32>
    %reduce_sum3A_367 = arith.constant dense<0.000000e+00> : vector<32xf32>
    %reduce_sum3A_368 = vector.multi_reduction <add>, %reduce_sum3A_366, %reduce_sum3A_367 [1] : vector<32x100xf32> to vector<32xf32>
    %swap3A_369 = arith.constant 0 : index
    %swap3A_370 = arith.constant 1 : index
    %swap3A_371 = arith.constant 0 : index
    %swap3A_372 = vector.load %arg5[%swap3A_369, %swap3A_370, %swap3A_371] : memref<1x2x32xf32, #tpu.memory_space<vmem>>, vector<1x1x32xf32>
    %swap3A_373 = vector.shape_cast %swap3A_372 : vector<1x1x32xf32> to vector<32xf32>
    %swap3A_374 = vector.shape_cast %reduce_sum3A_368 : vector<32xf32> to vector<1x1x32xf32>
    tpu.vector_store %arg5[%swap3A_369, %swap3A_370, %swap3A_371], %swap3A_374 {strides = array<i32>} : memref<1x2x32xf32, #tpu.memory_space<vmem>>, vector<1x1x32xf32>,
    return
  }
  func.func @transform_0(%arg0: i32) -> (i32, i32, i32) {
    %c0_i32 = arith.constant 0 : i32
    %c0_i32_0 = arith.constant 0 : i32
    %c0_i32_1 = arith.constant 0 : i32
    %c0_i32_2 = arith.constant 0 : i32
    return %c0_i32, %c0_i32_0, %c0_i32_1 : i32, i32, i32
  }
  func.func @transform_1(%arg0: i32) -> (i32, i32, i32) {
    %add3A = arith.constant 0 : i32
    %add3A_0 = arith.addi %arg0, %add3A : i32
    %c0_i32 = arith.constant 0 : i32
    %c0_i32_1 = arith.constant 0 : i32
    %c0_i32_2 = arith.constant 0 : i32
    return %add3A_0, %c0_i32, %c0_i32_1 : i32, i32, i32
  }
  func.func @transform_2(%arg0: i32) -> (i32, i32, i32) {
    %add3A = arith.constant 1 : i32
    %add3A_0 = arith.addi %arg0, %add3A : i32
    %c0_i32 = arith.constant 0 : i32
    %c0_i32_1 = arith.constant 0 : i32
    %c0_i32_2 = arith.constant 0 : i32
    return %add3A_0, %c0_i32, %c0_i32_1 : i32, i32, i32
  }
  func.func @transform_3(%arg0: i32) -> (i32, i32, i32) {
    %c0_i32 = arith.constant 0 : i32
    %c0_i32_0 = arith.constant 0 : i32
    %c0_i32_1 = arith.constant 0 : i32
    return %arg0, %c0_i32, %c0_i32_0 : i32, i32, i32
  }
  func.func @transform_4(%arg0: i32) -> (i32, i32, i32) {
    %c0_i32 = arith.constant 0 : i32
    %c0_i32_0 = arith.constant 0 : i32
    %c0_i32_1 = arith.constant 0 : i32
    return %arg0, %c0_i32, %c0_i32_0 : i32, i32, i32
  }
}

module attributes {stable_mosaic.version = 14 : i64} {
  func.func @_affine_body(%arg0: i32, %arg1: memref<1x32x8800xf32, #tpu.memory_space<vmem>>, %arg2: memref<32x1xf32, #tpu.memory_space<vmem>>, %arg3: memref<32x1xf32, #tpu.memory_space<vmem>>, %arg4: memref<1x32x8800xf32, #tpu.memory_space<vmem>>) attributes {dimension_semantics = [#tpu.dimension_semantics<arbitrary>], iteration_bounds = array<i64: 11>, scalar_prefetch = 0 : i64, scratch_operands = 0 : i64, tpu.core_type = #tpu.core_type<tc>, window_params = [{transform_indices = @transform_0, window_bounds = array<i64: 1, 32, 8800>}, {pipeline_mode = #tpu.pipeline_mode<synchronous>, transform_indices = @transform_1, window_bounds = array<i64: 32, 1>}, {pipeline_mode = #tpu.pipeline_mode<synchronous>, transform_indices = @transform_2, window_bounds = array<i64: 32, 1>}, {transform_indices = @transform_3, window_bounds = array<i64: 1, 32, 8800>}]} {
    %get3A = arith.constant 0 : index
    %get3A_0 = arith.constant 0 : index
    %get3A_1 = arith.constant 0 : index
    %get3A_2 = vector.load %arg1[%get3A, %get3A_0, %get3A_1] : memref<1x32x8800xf32, #tpu.memory_space<vmem>>, vector<1x32x8800xf32>
    %get3A_3 = arith.constant 0 : index
    %get3A_4 = arith.constant 0 : index
    %get3A_5 = vector.load %arg2[%get3A_3, %get3A_4] : memref<32x1xf32, #tpu.memory_space<vmem>>, vector<32x1xf32>
    %broadcast_in_dim3A = vector.shape_cast %get3A_5 : vector<32x1xf32> to vector<1x32x1xf32>
    %mul3A = vector.broadcast %broadcast_in_dim3A : vector<1x32x1xf32> to vector<1x32x8800xf32>
    %mul3A_6 = arith.mulf %get3A_2, %mul3A : vector<1x32x8800xf32>
    %get3A_7 = arith.constant 0 : index
    %get3A_8 = arith.constant 0 : index
    %get3A_9 = vector.load %arg3[%get3A_7, %get3A_8] : memref<32x1xf32, #tpu.memory_space<vmem>>, vector<32x1xf32>
    %broadcast_in_dim3A_10 = vector.shape_cast %get3A_9 : vector<32x1xf32> to vector<1x32x1xf32>
    %add3A = vector.broadcast %broadcast_in_dim3A_10 : vector<1x32x1xf32> to vector<1x32x8800xf32>
    %add3A_11 = arith.addf %mul3A_6, %add3A : vector<1x32x8800xf32>
    %max3A = arith.constant 0.000000e+00 : f32
    %max3A_12 = vector.broadcast %max3A : f32 to vector<1x32x8800xf32>
    %max3A_13 = arith.maximumf %add3A_11, %max3A_12 : vector<1x32x8800xf32>
    %swap3A = arith.constant 0 : index
    %swap3A_14 = arith.constant 0 : index
    %swap3A_15 = arith.constant 0 : index
    %swap3A_16 = vector.load %arg4[%swap3A, %swap3A_14, %swap3A_15] : memref<1x32x8800xf32, #tpu.memory_space<vmem>>, vector<1x32x8800xf32>
    tpu.vector_store %arg4[%swap3A, %swap3A_14, %swap3A_15], %max3A_13 {strides = array<i32>} : memref<1x32x8800xf32, #tpu.memory_space<vmem>>, vector<1x32x8800xf32>,
    return
  }
  func.func @transform_0(%arg0: i32) -> (i32, i32, i32) {
    %c0_i32 = arith.constant 0 : i32
    %c0_i32_0 = arith.constant 0 : i32
    %c0_i32_1 = arith.constant 0 : i32
    return %arg0, %c0_i32, %c0_i32_0 : i32, i32, i32
  }
  func.func @transform_1(%arg0: i32) -> (i32, i32) {
    %c0_i32 = arith.constant 0 : i32
    %c0_i32_0 = arith.constant 0 : i32
    %c0_i32_1 = arith.constant 0 : i32
    return %c0_i32, %c0_i32_0 : i32, i32
  }
  func.func @transform_2(%arg0: i32) -> (i32, i32) {
    %c0_i32 = arith.constant 0 : i32
    %c0_i32_0 = arith.constant 0 : i32
    %c0_i32_1 = arith.constant 0 : i32
    return %c0_i32, %c0_i32_0 : i32, i32
  }
  func.func @transform_3(%arg0: i32) -> (i32, i32, i32) {
    %c0_i32 = arith.constant 0 : i32
    %c0_i32_0 = arith.constant 0 : i32
    %c0_i32_1 = arith.constant 0 : i32
    return %arg0, %c0_i32, %c0_i32_0 : i32, i32, i32
  }
}

module attributes {stable_mosaic.version = 14 : i64} {
  func.func @_conv_body(%arg0: i32, %arg1: memref<27x32x32xf32, #tpu.memory_space<vmem>>, %arg2: memref<1x32x9188xf32, #tpu.memory_space<vmem>>, %arg3: memref<1x32x9188xf32, #tpu.memory_space<vmem>>, %arg4: memref<1x32x9188xf32, #tpu.memory_space<vmem>>, %arg5: memref<1x32x9000xf32, #tpu.memory_space<vmem>>, %arg6: memref<1x2x32xf32, #tpu.memory_space<vmem>>) attributes {dimension_semantics = [#tpu.dimension_semantics<arbitrary>], iteration_bounds = array<i64: 11>, scalar_prefetch = 0 : i64, scratch_operands = 0 : i64, tpu.core_type = #tpu.core_type<tc>, window_params = [{pipeline_mode = #tpu.pipeline_mode<synchronous>, transform_indices = @transform_0, window_bounds = array<i64: 27, 32, 32>}, {transform_indices = @transform_1, window_bounds = array<i64: 1, 32, 9188>}, {transform_indices = @transform_2, window_bounds = array<i64: 1, 32, 9188>}, {transform_indices = @transform_3, window_bounds = array<i64: 1, 32, 9188>}, {transform_indices = @transform_4, window_bounds = array<i64: 1, 32, 9000>}, {transform_indices = @transform_5, window_bounds = array<i64: 1, 2, 32>}]} {
    %get3A = arith.constant 0 : index
    %get3A_0 = arith.constant 0 : index
    %get3A_1 = arith.constant 0 : index
    %get3A_2 = vector.load %arg2[%get3A, %get3A_0, %get3A_1] : memref<1x32x9188xf32, #tpu.memory_space<vmem>>, vector<1x32x9000xf32>
    %get3A_3 = vector.shape_cast %get3A_2 : vector<1x32x9000xf32> to vector<32x9000xf32>
    %get3A_4 = arith.constant 0 : index
    %get3A_5 = arith.constant 0 : index
    %get3A_6 = arith.constant 0 : index
    %get3A_7 = vector.load %arg1[%get3A_4, %get3A_5, %get3A_6] : memref<27x32x32xf32, #tpu.memory_space<vmem>>, vector<1x32x32xf32>
    %get3A_8 = vector.shape_cast %get3A_7 : vector<1x32x32xf32> to vector<32x32xf32>
    %dot_general3A = arith.constant dense<0.000000e+00> : vector<32x9000xf32>
    %dot_general3A_9 = tpu.matmul %get3A_8, %get3A_3, %dot_general3A {dimension_numbers = #tpu.dot_dimension_numbers<[1], [0], [0], [1], [0, 0, 1, 1], [], []>, transpose_lhs_hint = false} : vector<32x32xf32>, vector<32x9000xf32>, vector<32x9000xf32> -> vector<32x9000xf32>
    %get3A_10 = arith.constant 0 : index
    %get3A_11 = arith.constant 0 : index
    %get3A_12 = arith.constant 1 : index
    %get3A_13 = vector.load %arg2[%get3A_10, %get3A_11, %get3A_12] : memref<1x32x9188xf32, #tpu.memory_space<vmem>>, vector<1x32x9000xf32>
    %get3A_14 = vector.shape_cast %get3A_13 : vector<1x32x9000xf32> to vector<32x9000xf32>
    %get3A_15 = arith.constant 1 : index
    %get3A_16 = arith.constant 0 : index
    %get3A_17 = arith.constant 0 : index
    %get3A_18 = vector.load %arg1[%get3A_15, %get3A_16, %get3A_17] : memref<27x32x32xf32, #tpu.memory_space<vmem>>, vector<1x32x32xf32>
    %get3A_19 = vector.shape_cast %get3A_18 : vector<1x32x32xf32> to vector<32x32xf32>
    %dot_general3A_20 = arith.constant dense<0.000000e+00> : vector<32x9000xf32>
    %dot_general3A_21 = tpu.matmul %get3A_19, %get3A_14, %dot_general3A_20 {dimension_numbers = #tpu.dot_dimension_numbers<[1], [0], [0], [1], [0, 0, 1, 1], [], []>, transpose_lhs_hint = false} : vector<32x32xf32>, vector<32x9000xf32>, vector<32x9000xf32> -> vector<32x9000xf32>
    %add3A = arith.addf %dot_general3A_9, %dot_general3A_21 : vector<32x9000xf32>
    %get3A_22 = arith.constant 0 : index
    %get3A_23 = arith.constant 0 : index
    %get3A_24 = arith.constant 2 : index
    %get3A_25 = vector.load %arg2[%get3A_22, %get3A_23, %get3A_24] : memref<1x32x9188xf32, #tpu.memory_space<vmem>>, vector<1x32x9000xf32>
    %get3A_26 = vector.shape_cast %get3A_25 : vector<1x32x9000xf32> to vector<32x9000xf32>
    %get3A_27 = arith.constant 2 : index
    %get3A_28 = arith.constant 0 : index
    %get3A_29 = arith.constant 0 : index
    %get3A_30 = vector.load %arg1[%get3A_27, %get3A_28, %get3A_29] : memref<27x32x32xf32, #tpu.memory_space<vmem>>, vector<1x32x32xf32>
    %get3A_31 = vector.shape_cast %get3A_30 : vector<1x32x32xf32> to vector<32x32xf32>
    %dot_general3A_32 = arith.constant dense<0.000000e+00> : vector<32x9000xf32>
    %dot_general3A_33 = tpu.matmul %get3A_31, %get3A_26, %dot_general3A_32 {dimension_numbers = #tpu.dot_dimension_numbers<[1], [0], [0], [1], [0, 0, 1, 1], [], []>, transpose_lhs_hint = false} : vector<32x32xf32>, vector<32x9000xf32>, vector<32x9000xf32> -> vector<32x9000xf32>
    %add3A_34 = arith.addf %add3A, %dot_general3A_33 : vector<32x9000xf32>
    %get3A_35 = arith.constant 0 : index
    %get3A_36 = arith.constant 0 : index
    %get3A_37 = arith.constant 90 : index
    %get3A_38 = vector.load %arg2[%get3A_35, %get3A_36, %get3A_37] : memref<1x32x9188xf32, #tpu.memory_space<vmem>>, vector<1x32x9000xf32>
    %get3A_39 = vector.shape_cast %get3A_38 : vector<1x32x9000xf32> to vector<32x9000xf32>
    %get3A_40 = arith.constant 3 : index
    %get3A_41 = arith.constant 0 : index
    %get3A_42 = arith.constant 0 : index
    %get3A_43 = vector.load %arg1[%get3A_40, %get3A_41, %get3A_42] : memref<27x32x32xf32, #tpu.memory_space<vmem>>, vector<1x32x32xf32>
    %get3A_44 = vector.shape_cast %get3A_43 : vector<1x32x32xf32> to vector<32x32xf32>
    %dot_general3A_45 = arith.constant dense<0.000000e+00> : vector<32x9000xf32>
    %dot_general3A_46 = tpu.matmul %get3A_44, %get3A_39, %dot_general3A_45 {dimension_numbers = #tpu.dot_dimension_numbers<[1], [0], [0], [1], [0, 0, 1, 1], [], []>, transpose_lhs_hint = false} : vector<32x32xf32>, vector<32x9000xf32>, vector<32x9000xf32> -> vector<32x9000xf32>
    %add3A_47 = arith.addf %add3A_34, %dot_general3A_46 : vector<32x9000xf32>
    %get3A_48 = arith.constant 0 : index
    %get3A_49 = arith.constant 0 : index
    %get3A_50 = arith.constant 91 : index
    %get3A_51 = vector.load %arg2[%get3A_48, %get3A_49, %get3A_50] : memref<1x32x9188xf32, #tpu.memory_space<vmem>>, vector<1x32x9000xf32>
    %get3A_52 = vector.shape_cast %get3A_51 : vector<1x32x9000xf32> to vector<32x9000xf32>
    %get3A_53 = arith.constant 4 : index
    %get3A_54 = arith.constant 0 : index
    %get3A_55 = arith.constant 0 : index
    %get3A_56 = vector.load %arg1[%get3A_53, %get3A_54, %get3A_55] : memref<27x32x32xf32, #tpu.memory_space<vmem>>, vector<1x32x32xf32>
    %get3A_57 = vector.shape_cast %get3A_56 : vector<1x32x32xf32> to vector<32x32xf32>
    %dot_general3A_58 = arith.constant dense<0.000000e+00> : vector<32x9000xf32>
    %dot_general3A_59 = tpu.matmul %get3A_57, %get3A_52, %dot_general3A_58 {dimension_numbers = #tpu.dot_dimension_numbers<[1], [0], [0], [1], [0, 0, 1, 1], [], []>, transpose_lhs_hint = false} : vector<32x32xf32>, vector<32x9000xf32>, vector<32x9000xf32> -> vector<32x9000xf32>
    %add3A_60 = arith.addf %add3A_47, %dot_general3A_59 : vector<32x9000xf32>
    %get3A_61 = arith.constant 0 : index
    %get3A_62 = arith.constant 0 : index
    %get3A_63 = arith.constant 92 : index
    %get3A_64 = vector.load %arg2[%get3A_61, %get3A_62, %get3A_63] : memref<1x32x9188xf32, #tpu.memory_space<vmem>>, vector<1x32x9000xf32>
    %get3A_65 = vector.shape_cast %get3A_64 : vector<1x32x9000xf32> to vector<32x9000xf32>
    %get3A_66 = arith.constant 5 : index
    %get3A_67 = arith.constant 0 : index
    %get3A_68 = arith.constant 0 : index
    %get3A_69 = vector.load %arg1[%get3A_66, %get3A_67, %get3A_68] : memref<27x32x32xf32, #tpu.memory_space<vmem>>, vector<1x32x32xf32>
    %get3A_70 = vector.shape_cast %get3A_69 : vector<1x32x32xf32> to vector<32x32xf32>
    %dot_general3A_71 = arith.constant dense<0.000000e+00> : vector<32x9000xf32>
    %dot_general3A_72 = tpu.matmul %get3A_70, %get3A_65, %dot_general3A_71 {dimension_numbers = #tpu.dot_dimension_numbers<[1], [0], [0], [1], [0, 0, 1, 1], [], []>, transpose_lhs_hint = false} : vector<32x32xf32>, vector<32x9000xf32>, vector<32x9000xf32> -> vector<32x9000xf32>
    %add3A_73 = arith.addf %add3A_60, %dot_general3A_72 : vector<32x9000xf32>
    %get3A_74 = arith.constant 0 : index
    %get3A_75 = arith.constant 0 : index
    %get3A_76 = arith.constant 180 : index
    %get3A_77 = vector.load %arg2[%get3A_74, %get3A_75, %get3A_76] : memref<1x32x9188xf32, #tpu.memory_space<vmem>>, vector<1x32x9000xf32>
    %get3A_78 = vector.shape_cast %get3A_77 : vector<1x32x9000xf32> to vector<32x9000xf32>
    %get3A_79 = arith.constant 6 : index
    %get3A_80 = arith.constant 0 : index
    %get3A_81 = arith.constant 0 : index
    %get3A_82 = vector.load %arg1[%get3A_79, %get3A_80, %get3A_81] : memref<27x32x32xf32, #tpu.memory_space<vmem>>, vector<1x32x32xf32>
    %get3A_83 = vector.shape_cast %get3A_82 : vector<1x32x32xf32> to vector<32x32xf32>
    %dot_general3A_84 = arith.constant dense<0.000000e+00> : vector<32x9000xf32>
    %dot_general3A_85 = tpu.matmul %get3A_83, %get3A_78, %dot_general3A_84 {dimension_numbers = #tpu.dot_dimension_numbers<[1], [0], [0], [1], [0, 0, 1, 1], [], []>, transpose_lhs_hint = false} : vector<32x32xf32>, vector<32x9000xf32>, vector<32x9000xf32> -> vector<32x9000xf32>
    %add3A_86 = arith.addf %add3A_73, %dot_general3A_85 : vector<32x9000xf32>
    %get3A_87 = arith.constant 0 : index
    %get3A_88 = arith.constant 0 : index
    %get3A_89 = arith.constant 181 : index
    %get3A_90 = vector.load %arg2[%get3A_87, %get3A_88, %get3A_89] : memref<1x32x9188xf32, #tpu.memory_space<vmem>>, vector<1x32x9000xf32>
    %get3A_91 = vector.shape_cast %get3A_90 : vector<1x32x9000xf32> to vector<32x9000xf32>
    %get3A_92 = arith.constant 7 : index
    %get3A_93 = arith.constant 0 : index
    %get3A_94 = arith.constant 0 : index
    %get3A_95 = vector.load %arg1[%get3A_92, %get3A_93, %get3A_94] : memref<27x32x32xf32, #tpu.memory_space<vmem>>, vector<1x32x32xf32>
    %get3A_96 = vector.shape_cast %get3A_95 : vector<1x32x32xf32> to vector<32x32xf32>
    %dot_general3A_97 = arith.constant dense<0.000000e+00> : vector<32x9000xf32>
    %dot_general3A_98 = tpu.matmul %get3A_96, %get3A_91, %dot_general3A_97 {dimension_numbers = #tpu.dot_dimension_numbers<[1], [0], [0], [1], [0, 0, 1, 1], [], []>, transpose_lhs_hint = false} : vector<32x32xf32>, vector<32x9000xf32>, vector<32x9000xf32> -> vector<32x9000xf32>
    %add3A_99 = arith.addf %add3A_86, %dot_general3A_98 : vector<32x9000xf32>
    %get3A_100 = arith.constant 0 : index
    %get3A_101 = arith.constant 0 : index
    %get3A_102 = arith.constant 182 : index
    %get3A_103 = vector.load %arg2[%get3A_100, %get3A_101, %get3A_102] : memref<1x32x9188xf32, #tpu.memory_space<vmem>>, vector<1x32x9000xf32>
    %get3A_104 = vector.shape_cast %get3A_103 : vector<1x32x9000xf32> to vector<32x9000xf32>
    %get3A_105 = arith.constant 8 : index
    %get3A_106 = arith.constant 0 : index
    %get3A_107 = arith.constant 0 : index
    %get3A_108 = vector.load %arg1[%get3A_105, %get3A_106, %get3A_107] : memref<27x32x32xf32, #tpu.memory_space<vmem>>, vector<1x32x32xf32>
    %get3A_109 = vector.shape_cast %get3A_108 : vector<1x32x32xf32> to vector<32x32xf32>
    %dot_general3A_110 = arith.constant dense<0.000000e+00> : vector<32x9000xf32>
    %dot_general3A_111 = tpu.matmul %get3A_109, %get3A_104, %dot_general3A_110 {dimension_numbers = #tpu.dot_dimension_numbers<[1], [0], [0], [1], [0, 0, 1, 1], [], []>, transpose_lhs_hint = false} : vector<32x32xf32>, vector<32x9000xf32>, vector<32x9000xf32> -> vector<32x9000xf32>
    %add3A_112 = arith.addf %add3A_99, %dot_general3A_111 : vector<32x9000xf32>
    %get3A_113 = arith.constant 0 : index
    %get3A_114 = arith.constant 0 : index
    %get3A_115 = arith.constant 0 : index
    %get3A_116 = vector.load %arg3[%get3A_113, %get3A_114, %get3A_115] : memref<1x32x9188xf32, #tpu.memory_space<vmem>>, vector<1x32x9000xf32>
    %get3A_117 = vector.shape_cast %get3A_116 : vector<1x32x9000xf32> to vector<32x9000xf32>
    %get3A_118 = arith.constant 9 : index
    %get3A_119 = arith.constant 0 : index
    %get3A_120 = arith.constant 0 : index
    %get3A_121 = vector.load %arg1[%get3A_118, %get3A_119, %get3A_120] : memref<27x32x32xf32, #tpu.memory_space<vmem>>, vector<1x32x32xf32>
    %get3A_122 = vector.shape_cast %get3A_121 : vector<1x32x32xf32> to vector<32x32xf32>
    %dot_general3A_123 = arith.constant dense<0.000000e+00> : vector<32x9000xf32>
    %dot_general3A_124 = tpu.matmul %get3A_122, %get3A_117, %dot_general3A_123 {dimension_numbers = #tpu.dot_dimension_numbers<[1], [0], [0], [1], [0, 0, 1, 1], [], []>, transpose_lhs_hint = false} : vector<32x32xf32>, vector<32x9000xf32>, vector<32x9000xf32> -> vector<32x9000xf32>
    %add3A_125 = arith.addf %add3A_112, %dot_general3A_124 : vector<32x9000xf32>
    %get3A_126 = arith.constant 0 : index
    %get3A_127 = arith.constant 0 : index
    %get3A_128 = arith.constant 1 : index
    %get3A_129 = vector.load %arg3[%get3A_126, %get3A_127, %get3A_128] : memref<1x32x9188xf32, #tpu.memory_space<vmem>>, vector<1x32x9000xf32>
    %get3A_130 = vector.shape_cast %get3A_129 : vector<1x32x9000xf32> to vector<32x9000xf32>
    %get3A_131 = arith.constant 10 : index
    %get3A_132 = arith.constant 0 : index
    %get3A_133 = arith.constant 0 : index
    %get3A_134 = vector.load %arg1[%get3A_131, %get3A_132, %get3A_133] : memref<27x32x32xf32, #tpu.memory_space<vmem>>, vector<1x32x32xf32>
    %get3A_135 = vector.shape_cast %get3A_134 : vector<1x32x32xf32> to vector<32x32xf32>
    %dot_general3A_136 = arith.constant dense<0.000000e+00> : vector<32x9000xf32>
    %dot_general3A_137 = tpu.matmul %get3A_135, %get3A_130, %dot_general3A_136 {dimension_numbers = #tpu.dot_dimension_numbers<[1], [0], [0], [1], [0, 0, 1, 1], [], []>, transpose_lhs_hint = false} : vector<32x32xf32>, vector<32x9000xf32>, vector<32x9000xf32> -> vector<32x9000xf32>
    %add3A_138 = arith.addf %add3A_125, %dot_general3A_137 : vector<32x9000xf32>
    %get3A_139 = arith.constant 0 : index
    %get3A_140 = arith.constant 0 : index
    %get3A_141 = arith.constant 2 : index
    %get3A_142 = vector.load %arg3[%get3A_139, %get3A_140, %get3A_141] : memref<1x32x9188xf32, #tpu.memory_space<vmem>>, vector<1x32x9000xf32>
    %get3A_143 = vector.shape_cast %get3A_142 : vector<1x32x9000xf32> to vector<32x9000xf32>
    %get3A_144 = arith.constant 11 : index
    %get3A_145 = arith.constant 0 : index
    %get3A_146 = arith.constant 0 : index
    %get3A_147 = vector.load %arg1[%get3A_144, %get3A_145, %get3A_146] : memref<27x32x32xf32, #tpu.memory_space<vmem>>, vector<1x32x32xf32>
    %get3A_148 = vector.shape_cast %get3A_147 : vector<1x32x32xf32> to vector<32x32xf32>
    %dot_general3A_149 = arith.constant dense<0.000000e+00> : vector<32x9000xf32>
    %dot_general3A_150 = tpu.matmul %get3A_148, %get3A_143, %dot_general3A_149 {dimension_numbers = #tpu.dot_dimension_numbers<[1], [0], [0], [1], [0, 0, 1, 1], [], []>, transpose_lhs_hint = false} : vector<32x32xf32>, vector<32x9000xf32>, vector<32x9000xf32> -> vector<32x9000xf32>
    %add3A_151 = arith.addf %add3A_138, %dot_general3A_150 : vector<32x9000xf32>
    %get3A_152 = arith.constant 0 : index
    %get3A_153 = arith.constant 0 : index
    %get3A_154 = arith.constant 90 : index
    %get3A_155 = vector.load %arg3[%get3A_152, %get3A_153, %get3A_154] : memref<1x32x9188xf32, #tpu.memory_space<vmem>>, vector<1x32x9000xf32>
    %get3A_156 = vector.shape_cast %get3A_155 : vector<1x32x9000xf32> to vector<32x9000xf32>
    %get3A_157 = arith.constant 12 : index
    %get3A_158 = arith.constant 0 : index
    %get3A_159 = arith.constant 0 : index
    %get3A_160 = vector.load %arg1[%get3A_157, %get3A_158, %get3A_159] : memref<27x32x32xf32, #tpu.memory_space<vmem>>, vector<1x32x32xf32>
    %get3A_161 = vector.shape_cast %get3A_160 : vector<1x32x32xf32> to vector<32x32xf32>
    %dot_general3A_162 = arith.constant dense<0.000000e+00> : vector<32x9000xf32>
    %dot_general3A_163 = tpu.matmul %get3A_161, %get3A_156, %dot_general3A_162 {dimension_numbers = #tpu.dot_dimension_numbers<[1], [0], [0], [1], [0, 0, 1, 1], [], []>, transpose_lhs_hint = false} : vector<32x32xf32>, vector<32x9000xf32>, vector<32x9000xf32> -> vector<32x9000xf32>
    %add3A_164 = arith.addf %add3A_151, %dot_general3A_163 : vector<32x9000xf32>
    %get3A_165 = arith.constant 0 : index
    %get3A_166 = arith.constant 0 : index
    %get3A_167 = arith.constant 91 : index
    %get3A_168 = vector.load %arg3[%get3A_165, %get3A_166, %get3A_167] : memref<1x32x9188xf32, #tpu.memory_space<vmem>>, vector<1x32x9000xf32>
    %get3A_169 = vector.shape_cast %get3A_168 : vector<1x32x9000xf32> to vector<32x9000xf32>
    %get3A_170 = arith.constant 13 : index
    %get3A_171 = arith.constant 0 : index
    %get3A_172 = arith.constant 0 : index
    %get3A_173 = vector.load %arg1[%get3A_170, %get3A_171, %get3A_172] : memref<27x32x32xf32, #tpu.memory_space<vmem>>, vector<1x32x32xf32>
    %get3A_174 = vector.shape_cast %get3A_173 : vector<1x32x32xf32> to vector<32x32xf32>
    %dot_general3A_175 = arith.constant dense<0.000000e+00> : vector<32x9000xf32>
    %dot_general3A_176 = tpu.matmul %get3A_174, %get3A_169, %dot_general3A_175 {dimension_numbers = #tpu.dot_dimension_numbers<[1], [0], [0], [1], [0, 0, 1, 1], [], []>, transpose_lhs_hint = false} : vector<32x32xf32>, vector<32x9000xf32>, vector<32x9000xf32> -> vector<32x9000xf32>
    %add3A_177 = arith.addf %add3A_164, %dot_general3A_176 : vector<32x9000xf32>
    %get3A_178 = arith.constant 0 : index
    %get3A_179 = arith.constant 0 : index
    %get3A_180 = arith.constant 92 : index
    %get3A_181 = vector.load %arg3[%get3A_178, %get3A_179, %get3A_180] : memref<1x32x9188xf32, #tpu.memory_space<vmem>>, vector<1x32x9000xf32>
    %get3A_182 = vector.shape_cast %get3A_181 : vector<1x32x9000xf32> to vector<32x9000xf32>
    %get3A_183 = arith.constant 14 : index
    %get3A_184 = arith.constant 0 : index
    %get3A_185 = arith.constant 0 : index
    %get3A_186 = vector.load %arg1[%get3A_183, %get3A_184, %get3A_185] : memref<27x32x32xf32, #tpu.memory_space<vmem>>, vector<1x32x32xf32>
    %get3A_187 = vector.shape_cast %get3A_186 : vector<1x32x32xf32> to vector<32x32xf32>
    %dot_general3A_188 = arith.constant dense<0.000000e+00> : vector<32x9000xf32>
    %dot_general3A_189 = tpu.matmul %get3A_187, %get3A_182, %dot_general3A_188 {dimension_numbers = #tpu.dot_dimension_numbers<[1], [0], [0], [1], [0, 0, 1, 1], [], []>, transpose_lhs_hint = false} : vector<32x32xf32>, vector<32x9000xf32>, vector<32x9000xf32> -> vector<32x9000xf32>
    %add3A_190 = arith.addf %add3A_177, %dot_general3A_189 : vector<32x9000xf32>
    %get3A_191 = arith.constant 0 : index
    %get3A_192 = arith.constant 0 : index
    %get3A_193 = arith.constant 180 : index
    %get3A_194 = vector.load %arg3[%get3A_191, %get3A_192, %get3A_193] : memref<1x32x9188xf32, #tpu.memory_space<vmem>>, vector<1x32x9000xf32>
    %get3A_195 = vector.shape_cast %get3A_194 : vector<1x32x9000xf32> to vector<32x9000xf32>
    %get3A_196 = arith.constant 15 : index
    %get3A_197 = arith.constant 0 : index
    %get3A_198 = arith.constant 0 : index
    %get3A_199 = vector.load %arg1[%get3A_196, %get3A_197, %get3A_198] : memref<27x32x32xf32, #tpu.memory_space<vmem>>, vector<1x32x32xf32>
    %get3A_200 = vector.shape_cast %get3A_199 : vector<1x32x32xf32> to vector<32x32xf32>
    %dot_general3A_201 = arith.constant dense<0.000000e+00> : vector<32x9000xf32>
    %dot_general3A_202 = tpu.matmul %get3A_200, %get3A_195, %dot_general3A_201 {dimension_numbers = #tpu.dot_dimension_numbers<[1], [0], [0], [1], [0, 0, 1, 1], [], []>, transpose_lhs_hint = false} : vector<32x32xf32>, vector<32x9000xf32>, vector<32x9000xf32> -> vector<32x9000xf32>
    %add3A_203 = arith.addf %add3A_190, %dot_general3A_202 : vector<32x9000xf32>
    %get3A_204 = arith.constant 0 : index
    %get3A_205 = arith.constant 0 : index
    %get3A_206 = arith.constant 181 : index
    %get3A_207 = vector.load %arg3[%get3A_204, %get3A_205, %get3A_206] : memref<1x32x9188xf32, #tpu.memory_space<vmem>>, vector<1x32x9000xf32>
    %get3A_208 = vector.shape_cast %get3A_207 : vector<1x32x9000xf32> to vector<32x9000xf32>
    %get3A_209 = arith.constant 16 : index
    %get3A_210 = arith.constant 0 : index
    %get3A_211 = arith.constant 0 : index
    %get3A_212 = vector.load %arg1[%get3A_209, %get3A_210, %get3A_211] : memref<27x32x32xf32, #tpu.memory_space<vmem>>, vector<1x32x32xf32>
    %get3A_213 = vector.shape_cast %get3A_212 : vector<1x32x32xf32> to vector<32x32xf32>
    %dot_general3A_214 = arith.constant dense<0.000000e+00> : vector<32x9000xf32>
    %dot_general3A_215 = tpu.matmul %get3A_213, %get3A_208, %dot_general3A_214 {dimension_numbers = #tpu.dot_dimension_numbers<[1], [0], [0], [1], [0, 0, 1, 1], [], []>, transpose_lhs_hint = false} : vector<32x32xf32>, vector<32x9000xf32>, vector<32x9000xf32> -> vector<32x9000xf32>
    %add3A_216 = arith.addf %add3A_203, %dot_general3A_215 : vector<32x9000xf32>
    %get3A_217 = arith.constant 0 : index
    %get3A_218 = arith.constant 0 : index
    %get3A_219 = arith.constant 182 : index
    %get3A_220 = vector.load %arg3[%get3A_217, %get3A_218, %get3A_219] : memref<1x32x9188xf32, #tpu.memory_space<vmem>>, vector<1x32x9000xf32>
    %get3A_221 = vector.shape_cast %get3A_220 : vector<1x32x9000xf32> to vector<32x9000xf32>
    %get3A_222 = arith.constant 17 : index
    %get3A_223 = arith.constant 0 : index
    %get3A_224 = arith.constant 0 : index
    %get3A_225 = vector.load %arg1[%get3A_222, %get3A_223, %get3A_224] : memref<27x32x32xf32, #tpu.memory_space<vmem>>, vector<1x32x32xf32>
    %get3A_226 = vector.shape_cast %get3A_225 : vector<1x32x32xf32> to vector<32x32xf32>
    %dot_general3A_227 = arith.constant dense<0.000000e+00> : vector<32x9000xf32>
    %dot_general3A_228 = tpu.matmul %get3A_226, %get3A_221, %dot_general3A_227 {dimension_numbers = #tpu.dot_dimension_numbers<[1], [0], [0], [1], [0, 0, 1, 1], [], []>, transpose_lhs_hint = false} : vector<32x32xf32>, vector<32x9000xf32>, vector<32x9000xf32> -> vector<32x9000xf32>
    %add3A_229 = arith.addf %add3A_216, %dot_general3A_228 : vector<32x9000xf32>
    %get3A_230 = arith.constant 0 : index
    %get3A_231 = arith.constant 0 : index
    %get3A_232 = arith.constant 0 : index
    %get3A_233 = vector.load %arg4[%get3A_230, %get3A_231, %get3A_232] : memref<1x32x9188xf32, #tpu.memory_space<vmem>>, vector<1x32x9000xf32>
    %get3A_234 = vector.shape_cast %get3A_233 : vector<1x32x9000xf32> to vector<32x9000xf32>
    %get3A_235 = arith.constant 18 : index
    %get3A_236 = arith.constant 0 : index
    %get3A_237 = arith.constant 0 : index
    %get3A_238 = vector.load %arg1[%get3A_235, %get3A_236, %get3A_237] : memref<27x32x32xf32, #tpu.memory_space<vmem>>, vector<1x32x32xf32>
    %get3A_239 = vector.shape_cast %get3A_238 : vector<1x32x32xf32> to vector<32x32xf32>
    %dot_general3A_240 = arith.constant dense<0.000000e+00> : vector<32x9000xf32>
    %dot_general3A_241 = tpu.matmul %get3A_239, %get3A_234, %dot_general3A_240 {dimension_numbers = #tpu.dot_dimension_numbers<[1], [0], [0], [1], [0, 0, 1, 1], [], []>, transpose_lhs_hint = false} : vector<32x32xf32>, vector<32x9000xf32>, vector<32x9000xf32> -> vector<32x9000xf32>
    %add3A_242 = arith.addf %add3A_229, %dot_general3A_241 : vector<32x9000xf32>
    %get3A_243 = arith.constant 0 : index
    %get3A_244 = arith.constant 0 : index
    %get3A_245 = arith.constant 1 : index
    %get3A_246 = vector.load %arg4[%get3A_243, %get3A_244, %get3A_245] : memref<1x32x9188xf32, #tpu.memory_space<vmem>>, vector<1x32x9000xf32>
    %get3A_247 = vector.shape_cast %get3A_246 : vector<1x32x9000xf32> to vector<32x9000xf32>
    %get3A_248 = arith.constant 19 : index
    %get3A_249 = arith.constant 0 : index
    %get3A_250 = arith.constant 0 : index
    %get3A_251 = vector.load %arg1[%get3A_248, %get3A_249, %get3A_250] : memref<27x32x32xf32, #tpu.memory_space<vmem>>, vector<1x32x32xf32>
    %get3A_252 = vector.shape_cast %get3A_251 : vector<1x32x32xf32> to vector<32x32xf32>
    %dot_general3A_253 = arith.constant dense<0.000000e+00> : vector<32x9000xf32>
    %dot_general3A_254 = tpu.matmul %get3A_252, %get3A_247, %dot_general3A_253 {dimension_numbers = #tpu.dot_dimension_numbers<[1], [0], [0], [1], [0, 0, 1, 1], [], []>, transpose_lhs_hint = false} : vector<32x32xf32>, vector<32x9000xf32>, vector<32x9000xf32> -> vector<32x9000xf32>
    %add3A_255 = arith.addf %add3A_242, %dot_general3A_254 : vector<32x9000xf32>
    %get3A_256 = arith.constant 0 : index
    %get3A_257 = arith.constant 0 : index
    %get3A_258 = arith.constant 2 : index
    %get3A_259 = vector.load %arg4[%get3A_256, %get3A_257, %get3A_258] : memref<1x32x9188xf32, #tpu.memory_space<vmem>>, vector<1x32x9000xf32>
    %get3A_260 = vector.shape_cast %get3A_259 : vector<1x32x9000xf32> to vector<32x9000xf32>
    %get3A_261 = arith.constant 20 : index
    %get3A_262 = arith.constant 0 : index
    %get3A_263 = arith.constant 0 : index
    %get3A_264 = vector.load %arg1[%get3A_261, %get3A_262, %get3A_263] : memref<27x32x32xf32, #tpu.memory_space<vmem>>, vector<1x32x32xf32>
    %get3A_265 = vector.shape_cast %get3A_264 : vector<1x32x32xf32> to vector<32x32xf32>
    %dot_general3A_266 = arith.constant dense<0.000000e+00> : vector<32x9000xf32>
    %dot_general3A_267 = tpu.matmul %get3A_265, %get3A_260, %dot_general3A_266 {dimension_numbers = #tpu.dot_dimension_numbers<[1], [0], [0], [1], [0, 0, 1, 1], [], []>, transpose_lhs_hint = false} : vector<32x32xf32>, vector<32x9000xf32>, vector<32x9000xf32> -> vector<32x9000xf32>
    %add3A_268 = arith.addf %add3A_255, %dot_general3A_267 : vector<32x9000xf32>
    %get3A_269 = arith.constant 0 : index
    %get3A_270 = arith.constant 0 : index
    %get3A_271 = arith.constant 90 : index
    %get3A_272 = vector.load %arg4[%get3A_269, %get3A_270, %get3A_271] : memref<1x32x9188xf32, #tpu.memory_space<vmem>>, vector<1x32x9000xf32>
    %get3A_273 = vector.shape_cast %get3A_272 : vector<1x32x9000xf32> to vector<32x9000xf32>
    %get3A_274 = arith.constant 21 : index
    %get3A_275 = arith.constant 0 : index
    %get3A_276 = arith.constant 0 : index
    %get3A_277 = vector.load %arg1[%get3A_274, %get3A_275, %get3A_276] : memref<27x32x32xf32, #tpu.memory_space<vmem>>, vector<1x32x32xf32>
    %get3A_278 = vector.shape_cast %get3A_277 : vector<1x32x32xf32> to vector<32x32xf32>
    %dot_general3A_279 = arith.constant dense<0.000000e+00> : vector<32x9000xf32>
    %dot_general3A_280 = tpu.matmul %get3A_278, %get3A_273, %dot_general3A_279 {dimension_numbers = #tpu.dot_dimension_numbers<[1], [0], [0], [1], [0, 0, 1, 1], [], []>, transpose_lhs_hint = false} : vector<32x32xf32>, vector<32x9000xf32>, vector<32x9000xf32> -> vector<32x9000xf32>
    %add3A_281 = arith.addf %add3A_268, %dot_general3A_280 : vector<32x9000xf32>
    %get3A_282 = arith.constant 0 : index
    %get3A_283 = arith.constant 0 : index
    %get3A_284 = arith.constant 91 : index
    %get3A_285 = vector.load %arg4[%get3A_282, %get3A_283, %get3A_284] : memref<1x32x9188xf32, #tpu.memory_space<vmem>>, vector<1x32x9000xf32>
    %get3A_286 = vector.shape_cast %get3A_285 : vector<1x32x9000xf32> to vector<32x9000xf32>
    %get3A_287 = arith.constant 22 : index
    %get3A_288 = arith.constant 0 : index
    %get3A_289 = arith.constant 0 : index
    %get3A_290 = vector.load %arg1[%get3A_287, %get3A_288, %get3A_289] : memref<27x32x32xf32, #tpu.memory_space<vmem>>, vector<1x32x32xf32>
    %get3A_291 = vector.shape_cast %get3A_290 : vector<1x32x32xf32> to vector<32x32xf32>
    %dot_general3A_292 = arith.constant dense<0.000000e+00> : vector<32x9000xf32>
    %dot_general3A_293 = tpu.matmul %get3A_291, %get3A_286, %dot_general3A_292 {dimension_numbers = #tpu.dot_dimension_numbers<[1], [0], [0], [1], [0, 0, 1, 1], [], []>, transpose_lhs_hint = false} : vector<32x32xf32>, vector<32x9000xf32>, vector<32x9000xf32> -> vector<32x9000xf32>
    %add3A_294 = arith.addf %add3A_281, %dot_general3A_293 : vector<32x9000xf32>
    %get3A_295 = arith.constant 0 : index
    %get3A_296 = arith.constant 0 : index
    %get3A_297 = arith.constant 92 : index
    %get3A_298 = vector.load %arg4[%get3A_295, %get3A_296, %get3A_297] : memref<1x32x9188xf32, #tpu.memory_space<vmem>>, vector<1x32x9000xf32>
    %get3A_299 = vector.shape_cast %get3A_298 : vector<1x32x9000xf32> to vector<32x9000xf32>
    %get3A_300 = arith.constant 23 : index
    %get3A_301 = arith.constant 0 : index
    %get3A_302 = arith.constant 0 : index
    %get3A_303 = vector.load %arg1[%get3A_300, %get3A_301, %get3A_302] : memref<27x32x32xf32, #tpu.memory_space<vmem>>, vector<1x32x32xf32>
    %get3A_304 = vector.shape_cast %get3A_303 : vector<1x32x32xf32> to vector<32x32xf32>
    %dot_general3A_305 = arith.constant dense<0.000000e+00> : vector<32x9000xf32>
    %dot_general3A_306 = tpu.matmul %get3A_304, %get3A_299, %dot_general3A_305 {dimension_numbers = #tpu.dot_dimension_numbers<[1], [0], [0], [1], [0, 0, 1, 1], [], []>, transpose_lhs_hint = false} : vector<32x32xf32>, vector<32x9000xf32>, vector<32x9000xf32> -> vector<32x9000xf32>
    %add3A_307 = arith.addf %add3A_294, %dot_general3A_306 : vector<32x9000xf32>
    %get3A_308 = arith.constant 0 : index
    %get3A_309 = arith.constant 0 : index
    %get3A_310 = arith.constant 180 : index
    %get3A_311 = vector.load %arg4[%get3A_308, %get3A_309, %get3A_310] : memref<1x32x9188xf32, #tpu.memory_space<vmem>>, vector<1x32x9000xf32>
    %get3A_312 = vector.shape_cast %get3A_311 : vector<1x32x9000xf32> to vector<32x9000xf32>
    %get3A_313 = arith.constant 24 : index
    %get3A_314 = arith.constant 0 : index
    %get3A_315 = arith.constant 0 : index
    %get3A_316 = vector.load %arg1[%get3A_313, %get3A_314, %get3A_315] : memref<27x32x32xf32, #tpu.memory_space<vmem>>, vector<1x32x32xf32>
    %get3A_317 = vector.shape_cast %get3A_316 : vector<1x32x32xf32> to vector<32x32xf32>
    %dot_general3A_318 = arith.constant dense<0.000000e+00> : vector<32x9000xf32>
    %dot_general3A_319 = tpu.matmul %get3A_317, %get3A_312, %dot_general3A_318 {dimension_numbers = #tpu.dot_dimension_numbers<[1], [0], [0], [1], [0, 0, 1, 1], [], []>, transpose_lhs_hint = false} : vector<32x32xf32>, vector<32x9000xf32>, vector<32x9000xf32> -> vector<32x9000xf32>
    %add3A_320 = arith.addf %add3A_307, %dot_general3A_319 : vector<32x9000xf32>
    %get3A_321 = arith.constant 0 : index
    %get3A_322 = arith.constant 0 : index
    %get3A_323 = arith.constant 181 : index
    %get3A_324 = vector.load %arg4[%get3A_321, %get3A_322, %get3A_323] : memref<1x32x9188xf32, #tpu.memory_space<vmem>>, vector<1x32x9000xf32>
    %get3A_325 = vector.shape_cast %get3A_324 : vector<1x32x9000xf32> to vector<32x9000xf32>
    %get3A_326 = arith.constant 25 : index
    %get3A_327 = arith.constant 0 : index
    %get3A_328 = arith.constant 0 : index
    %get3A_329 = vector.load %arg1[%get3A_326, %get3A_327, %get3A_328] : memref<27x32x32xf32, #tpu.memory_space<vmem>>, vector<1x32x32xf32>
    %get3A_330 = vector.shape_cast %get3A_329 : vector<1x32x32xf32> to vector<32x32xf32>
    %dot_general3A_331 = arith.constant dense<0.000000e+00> : vector<32x9000xf32>
    %dot_general3A_332 = tpu.matmul %get3A_330, %get3A_325, %dot_general3A_331 {dimension_numbers = #tpu.dot_dimension_numbers<[1], [0], [0], [1], [0, 0, 1, 1], [], []>, transpose_lhs_hint = false} : vector<32x32xf32>, vector<32x9000xf32>, vector<32x9000xf32> -> vector<32x9000xf32>
    %add3A_333 = arith.addf %add3A_320, %dot_general3A_332 : vector<32x9000xf32>
    %get3A_334 = arith.constant 0 : index
    %get3A_335 = arith.constant 0 : index
    %get3A_336 = arith.constant 182 : index
    %get3A_337 = vector.load %arg4[%get3A_334, %get3A_335, %get3A_336] : memref<1x32x9188xf32, #tpu.memory_space<vmem>>, vector<1x32x9000xf32>
    %get3A_338 = vector.shape_cast %get3A_337 : vector<1x32x9000xf32> to vector<32x9000xf32>
    %get3A_339 = arith.constant 26 : index
    %get3A_340 = arith.constant 0 : index
    %get3A_341 = arith.constant 0 : index
    %get3A_342 = vector.load %arg1[%get3A_339, %get3A_340, %get3A_341] : memref<27x32x32xf32, #tpu.memory_space<vmem>>, vector<1x32x32xf32>
    %get3A_343 = vector.shape_cast %get3A_342 : vector<1x32x32xf32> to vector<32x32xf32>
    %dot_general3A_344 = arith.constant dense<0.000000e+00> : vector<32x9000xf32>
    %dot_general3A_345 = tpu.matmul %get3A_343, %get3A_338, %dot_general3A_344 {dimension_numbers = #tpu.dot_dimension_numbers<[1], [0], [0], [1], [0, 0, 1, 1], [], []>, transpose_lhs_hint = false} : vector<32x32xf32>, vector<32x9000xf32>, vector<32x9000xf32> -> vector<32x9000xf32>
    %add3A_346 = arith.addf %add3A_333, %dot_general3A_345 : vector<32x9000xf32>
    %swap3A = arith.constant 0 : index
    %swap3A_347 = arith.constant 0 : index
    %swap3A_348 = arith.constant 0 : index
    %swap3A_349 = vector.load %arg5[%swap3A, %swap3A_347, %swap3A_348] : memref<1x32x9000xf32, #tpu.memory_space<vmem>>, vector<1x32x9000xf32>
    %swap3A_350 = vector.shape_cast %swap3A_349 : vector<1x32x9000xf32> to vector<32x9000xf32>
    %swap3A_351 = vector.shape_cast %add3A_346 : vector<32x9000xf32> to vector<1x32x9000xf32>
    tpu.vector_store %arg5[%swap3A, %swap3A_347, %swap3A_348], %swap3A_351 {strides = array<i32>} : memref<1x32x9000xf32, #tpu.memory_space<vmem>>, vector<1x32x9000xf32>,
    %reshape3A = vector.shape_cast %add3A_346 : vector<32x9000xf32> to vector<32x100x90xf32>
    %iota3A = tpu.iota {dimensions = array<i32: 2>} : vector<1x1x90xi32>
    %lt3A = arith.constant 88 : i32
    %lt3A_352 = vector.broadcast %lt3A : i32 to vector<1x1x90xi32>
    %lt3A_353 = arith.cmpi slt, %iota3A, %lt3A_352 : vector<1x1x90xi32>
    %jit3A = arith.constant 0.000000e+00 : f32
    %broadcast_in_dim3A = vector.shape_cast %lt3A_353 : vector<1x1x90xi1> to vector<1x1x90xi1>
    %broadcast_in_dim3A_354 = vector.broadcast %broadcast_in_dim3A : vector<1x1x90xi1> to vector<32x100x90xi1>
    %broadcast_in_dim3A_355 = vector.broadcast %jit3A : f32 to vector<32x100x90xf32>
    %select_n3A = arith.select %broadcast_in_dim3A_354, %reshape3A, %broadcast_in_dim3A_355 : vector<32x100x90xi1>, vector<32x100x90xf32>
    %reduce_sum3A = arith.constant dense<0.000000e+00> : vector<32x100xf32>
    %reduce_sum3A_356 = vector.multi_reduction <add>, %select_n3A, %reduce_sum3A [2] : vector<32x100x90xf32> to vector<32x100xf32>
    %reduce_sum3A_357 = arith.constant dense<0.000000e+00> : vector<32xf32>
    %reduce_sum3A_358 = vector.multi_reduction <add>, %reduce_sum3A_356, %reduce_sum3A_357 [1] : vector<32x100xf32> to vector<32xf32>
    %swap3A_359 = arith.constant 0 : index
    %swap3A_360 = arith.constant 0 : index
    %swap3A_361 = arith.constant 0 : index
    %swap3A_362 = vector.load %arg6[%swap3A_359, %swap3A_360, %swap3A_361] : memref<1x2x32xf32, #tpu.memory_space<vmem>>, vector<1x1x32xf32>
    %swap3A_363 = vector.shape_cast %swap3A_362 : vector<1x1x32xf32> to vector<32xf32>
    %swap3A_364 = vector.shape_cast %reduce_sum3A_358 : vector<32xf32> to vector<1x1x32xf32>
    tpu.vector_store %arg6[%swap3A_359, %swap3A_360, %swap3A_361], %swap3A_364 {strides = array<i32>} : memref<1x2x32xf32, #tpu.memory_space<vmem>>, vector<1x1x32xf32>,
    %mul3A = arith.mulf %select_n3A, %select_n3A : vector<32x100x90xf32>
    %reduce_sum3A_365 = arith.constant dense<0.000000e+00> : vector<32x100xf32>
    %reduce_sum3A_366 = vector.multi_reduction <add>, %mul3A, %reduce_sum3A_365 [2] : vector<32x100x90xf32> to vector<32x100xf32>
    %reduce_sum3A_367 = arith.constant dense<0.000000e+00> : vector<32xf32>
    %reduce_sum3A_368 = vector.multi_reduction <add>, %reduce_sum3A_366, %reduce_sum3A_367 [1] : vector<32x100xf32> to vector<32xf32>
    %swap3A_369 = arith.constant 0 : index
    %swap3A_370 = arith.constant 1 : index
    %swap3A_371 = arith.constant 0 : index
    %swap3A_372 = vector.load %arg6[%swap3A_369, %swap3A_370, %swap3A_371] : memref<1x2x32xf32, #tpu.memory_space<vmem>>, vector<1x1x32xf32>
    %swap3A_373 = vector.shape_cast %swap3A_372 : vector<1x1x32xf32> to vector<32xf32>
    %swap3A_374 = vector.shape_cast %reduce_sum3A_368 : vector<32xf32> to vector<1x1x32xf32>
    tpu.vector_store %arg6[%swap3A_369, %swap3A_370, %swap3A_371], %swap3A_374 {strides = array<i32>} : memref<1x2x32xf32, #tpu.memory_space<vmem>>, vector<1x1x32xf32>,
    return
  }
  func.func @transform_0(%arg0: i32) -> (i32, i32, i32) {
    %c0_i32 = arith.constant 0 : i32
    %c0_i32_0 = arith.constant 0 : i32
    %c0_i32_1 = arith.constant 0 : i32
    %c0_i32_2 = arith.constant 0 : i32
    return %c0_i32, %c0_i32_0, %c0_i32_1 : i32, i32, i32
  }
  func.func @transform_1(%arg0: i32) -> (i32, i32, i32) {
    %add3A = arith.constant 0 : i32
    %add3A_0 = arith.addi %arg0, %add3A : i32
    %c0_i32 = arith.constant 0 : i32
    %c0_i32_1 = arith.constant 0 : i32
    %c0_i32_2 = arith.constant 0 : i32
    return %add3A_0, %c0_i32, %c0_i32_1 : i32, i32, i32
  }
  func.func @transform_2(%arg0: i32) -> (i32, i32, i32) {
    %add3A = arith.constant 1 : i32
    %add3A_0 = arith.addi %arg0, %add3A : i32
    %c0_i32 = arith.constant 0 : i32
    %c0_i32_1 = arith.constant 0 : i32
    %c0_i32_2 = arith.constant 0 : i32
    return %add3A_0, %c0_i32, %c0_i32_1 : i32, i32, i32
  }
  func.func @transform_3(%arg0: i32) -> (i32, i32, i32) {
    %add3A = arith.constant 2 : i32
    %add3A_0 = arith.addi %arg0, %add3A : i32
    %c0_i32 = arith.constant 0 : i32
    %c0_i32_1 = arith.constant 0 : i32
    %c0_i32_2 = arith.constant 0 : i32
    return %add3A_0, %c0_i32, %c0_i32_1 : i32, i32, i32
  }
  func.func @transform_4(%arg0: i32) -> (i32, i32, i32) {
    %c0_i32 = arith.constant 0 : i32
    %c0_i32_0 = arith.constant 0 : i32
    %c0_i32_1 = arith.constant 0 : i32
    return %arg0, %c0_i32, %c0_i32_0 : i32, i32, i32
  }
  func.func @transform_5(%arg0: i32) -> (i32, i32, i32) {
    %c0_i32 = arith.constant 0 : i32
    %c0_i32_0 = arith.constant 0 : i32
    %c0_i32_1 = arith.constant 0 : i32
    return %arg0, %c0_i32, %c0_i32_0 : i32, i32, i32
  }
}

module attributes {stable_mosaic.version = 14 : i64} {
  func.func @_affine_body(%arg0: i32, %arg1: memref<1x32x8800xf32, #tpu.memory_space<vmem>>, %arg2: memref<32x1xf32, #tpu.memory_space<vmem>>, %arg3: memref<32x1xf32, #tpu.memory_space<vmem>>, %arg4: memref<1x32x8800xf32, #tpu.memory_space<vmem>>, %arg5: memref<1x32x8800xf32, #tpu.memory_space<vmem>>) attributes {dimension_semantics = [#tpu.dimension_semantics<arbitrary>], iteration_bounds = array<i64: 11>, scalar_prefetch = 0 : i64, scratch_operands = 0 : i64, tpu.core_type = #tpu.core_type<tc>, window_params = [{transform_indices = @transform_0, window_bounds = array<i64: 1, 32, 8800>}, {pipeline_mode = #tpu.pipeline_mode<synchronous>, transform_indices = @transform_1, window_bounds = array<i64: 32, 1>}, {pipeline_mode = #tpu.pipeline_mode<synchronous>, transform_indices = @transform_2, window_bounds = array<i64: 32, 1>}, {transform_indices = @transform_3, window_bounds = array<i64: 1, 32, 8800>}, {transform_indices = @transform_4, window_bounds = array<i64: 1, 32, 8800>}]} {
    %get3A = arith.constant 0 : index
    %get3A_0 = arith.constant 0 : index
    %get3A_1 = arith.constant 0 : index
    %get3A_2 = vector.load %arg1[%get3A, %get3A_0, %get3A_1] : memref<1x32x8800xf32, #tpu.memory_space<vmem>>, vector<1x32x8800xf32>
    %get3A_3 = arith.constant 0 : index
    %get3A_4 = arith.constant 0 : index
    %get3A_5 = vector.load %arg2[%get3A_3, %get3A_4] : memref<32x1xf32, #tpu.memory_space<vmem>>, vector<32x1xf32>
    %broadcast_in_dim3A = vector.shape_cast %get3A_5 : vector<32x1xf32> to vector<1x32x1xf32>
    %mul3A = vector.broadcast %broadcast_in_dim3A : vector<1x32x1xf32> to vector<1x32x8800xf32>
    %mul3A_6 = arith.mulf %get3A_2, %mul3A : vector<1x32x8800xf32>
    %get3A_7 = arith.constant 0 : index
    %get3A_8 = arith.constant 0 : index
    %get3A_9 = vector.load %arg3[%get3A_7, %get3A_8] : memref<32x1xf32, #tpu.memory_space<vmem>>, vector<32x1xf32>
    %broadcast_in_dim3A_10 = vector.shape_cast %get3A_9 : vector<32x1xf32> to vector<1x32x1xf32>
    %add3A = vector.broadcast %broadcast_in_dim3A_10 : vector<1x32x1xf32> to vector<1x32x8800xf32>
    %add3A_11 = arith.addf %mul3A_6, %add3A : vector<1x32x8800xf32>
    %get3A_12 = arith.constant 0 : index
    %get3A_13 = arith.constant 0 : index
    %get3A_14 = arith.constant 0 : index
    %get3A_15 = vector.load %arg4[%get3A_12, %get3A_13, %get3A_14] : memref<1x32x8800xf32, #tpu.memory_space<vmem>>, vector<1x32x8800xf32>
    %add3A_16 = arith.addf %add3A_11, %get3A_15 : vector<1x32x8800xf32>
    %max3A = arith.constant 0.000000e+00 : f32
    %max3A_17 = vector.broadcast %max3A : f32 to vector<1x32x8800xf32>
    %max3A_18 = arith.maximumf %add3A_16, %max3A_17 : vector<1x32x8800xf32>
    %swap3A = arith.constant 0 : index
    %swap3A_19 = arith.constant 0 : index
    %swap3A_20 = arith.constant 0 : index
    %swap3A_21 = vector.load %arg5[%swap3A, %swap3A_19, %swap3A_20] : memref<1x32x8800xf32, #tpu.memory_space<vmem>>, vector<1x32x8800xf32>
    tpu.vector_store %arg5[%swap3A, %swap3A_19, %swap3A_20], %max3A_18 {strides = array<i32>} : memref<1x32x8800xf32, #tpu.memory_space<vmem>>, vector<1x32x8800xf32>,
    return
  }
  func.func @transform_0(%arg0: i32) -> (i32, i32, i32) {
    %c0_i32 = arith.constant 0 : i32
    %c0_i32_0 = arith.constant 0 : i32
    %c0_i32_1 = arith.constant 0 : i32
    return %arg0, %c0_i32, %c0_i32_0 : i32, i32, i32
  }
  func.func @transform_1(%arg0: i32) -> (i32, i32) {
    %c0_i32 = arith.constant 0 : i32
    %c0_i32_0 = arith.constant 0 : i32
    %c0_i32_1 = arith.constant 0 : i32
    return %c0_i32, %c0_i32_0 : i32, i32
  }
  func.func @transform_2(%arg0: i32) -> (i32, i32) {
    %c0_i32 = arith.constant 0 : i32
    %c0_i32_0 = arith.constant 0 : i32
    %c0_i32_1 = arith.constant 0 : i32
    return %c0_i32, %c0_i32_0 : i32, i32
  }
  func.func @transform_3(%arg0: i32) -> (i32, i32, i32) {
    %c0_i32 = arith.constant 0 : i32
    %c0_i32_0 = arith.constant 0 : i32
    %c0_i32_1 = arith.constant 0 : i32
    return %arg0, %c0_i32, %c0_i32_0 : i32, i32, i32
  }
  func.func @transform_4(%arg0: i32) -> (i32, i32, i32) {
    %c0_i32 = arith.constant 0 : i32
    %c0_i32_0 = arith.constant 0 : i32
    %c0_i32_1 = arith.constant 0 : i32
    return %arg0, %c0_i32, %c0_i32_0 : i32, i32, i32
  }
}

module attributes {stable_mosaic.version = 14 : i64} {
  func.func @_conv_body(%arg0: i32, %arg1: memref<27x32x32xf32, #tpu.memory_space<vmem>>, %arg2: memref<1x256x2303xf32, #tpu.memory_space<vmem>>, %arg3: memref<1x256x2303xf32, #tpu.memory_space<vmem>>, %arg4: memref<1x32x2250xf32, #tpu.memory_space<vmem>>, %arg5: memref<1x2x32xf32, #tpu.memory_space<vmem>>) attributes {dimension_semantics = [#tpu.dimension_semantics<arbitrary>], iteration_bounds = array<i64: 6>, scalar_prefetch = 0 : i64, scratch_operands = 0 : i64, tpu.core_type = #tpu.core_type<tc>, window_params = [{pipeline_mode = #tpu.pipeline_mode<synchronous>, transform_indices = @transform_0, window_bounds = array<i64: 27, 32, 32>}, {transform_indices = @transform_1, window_bounds = array<i64: 1, 256, 2303>}, {transform_indices = @transform_2, window_bounds = array<i64: 1, 256, 2303>}, {transform_indices = @transform_3, window_bounds = array<i64: 1, 32, 2250>}, {transform_indices = @transform_4, window_bounds = array<i64: 1, 2, 32>}]} {
    %get3A = arith.constant 0 : index
    %get3A_0 = arith.constant 0 : index
    %get3A_1 = arith.constant 0 : index
    %get3A_2 = vector.load %arg2[%get3A, %get3A_0, %get3A_1] : memref<1x256x2303xf32, #tpu.memory_space<vmem>>, vector<1x32x2250xf32>
    %get3A_3 = vector.shape_cast %get3A_2 : vector<1x32x2250xf32> to vector<32x2250xf32>
    %get3A_4 = arith.constant 0 : index
    %get3A_5 = arith.constant 0 : index
    %get3A_6 = arith.constant 0 : index
    %get3A_7 = vector.load %arg1[%get3A_4, %get3A_5, %get3A_6] : memref<27x32x32xf32, #tpu.memory_space<vmem>>, vector<1x32x32xf32>
    %get3A_8 = vector.shape_cast %get3A_7 : vector<1x32x32xf32> to vector<32x32xf32>
    %dot_general3A = arith.constant dense<0.000000e+00> : vector<32x2250xf32>
    %dot_general3A_9 = tpu.matmul %get3A_8, %get3A_3, %dot_general3A {dimension_numbers = #tpu.dot_dimension_numbers<[1], [0], [0], [1], [0, 0, 1, 1], [], []>, transpose_lhs_hint = false} : vector<32x32xf32>, vector<32x2250xf32>, vector<32x2250xf32> -> vector<32x2250xf32>
    %get3A_10 = arith.constant 0 : index
    %get3A_11 = arith.constant 32 : index
    %get3A_12 = arith.constant 0 : index
    %get3A_13 = vector.load %arg2[%get3A_10, %get3A_11, %get3A_12] : memref<1x256x2303xf32, #tpu.memory_space<vmem>>, vector<1x32x2250xf32>
    %get3A_14 = vector.shape_cast %get3A_13 : vector<1x32x2250xf32> to vector<32x2250xf32>
    %get3A_15 = arith.constant 1 : index
    %get3A_16 = arith.constant 0 : index
    %get3A_17 = arith.constant 0 : index
    %get3A_18 = vector.load %arg1[%get3A_15, %get3A_16, %get3A_17] : memref<27x32x32xf32, #tpu.memory_space<vmem>>, vector<1x32x32xf32>
    %get3A_19 = vector.shape_cast %get3A_18 : vector<1x32x32xf32> to vector<32x32xf32>
    %dot_general3A_20 = arith.constant dense<0.000000e+00> : vector<32x2250xf32>
    %dot_general3A_21 = tpu.matmul %get3A_19, %get3A_14, %dot_general3A_20 {dimension_numbers = #tpu.dot_dimension_numbers<[1], [0], [0], [1], [0, 0, 1, 1], [], []>, transpose_lhs_hint = false} : vector<32x32xf32>, vector<32x2250xf32>, vector<32x2250xf32> -> vector<32x2250xf32>
    %add3A = arith.addf %dot_general3A_9, %dot_general3A_21 : vector<32x2250xf32>
    %get3A_22 = arith.constant 0 : index
    %get3A_23 = arith.constant 0 : index
    %get3A_24 = arith.constant 1 : index
    %get3A_25 = vector.load %arg2[%get3A_22, %get3A_23, %get3A_24] : memref<1x256x2303xf32, #tpu.memory_space<vmem>>, vector<1x32x2250xf32>
    %get3A_26 = vector.shape_cast %get3A_25 : vector<1x32x2250xf32> to vector<32x2250xf32>
    %get3A_27 = arith.constant 2 : index
    %get3A_28 = arith.constant 0 : index
    %get3A_29 = arith.constant 0 : index
    %get3A_30 = vector.load %arg1[%get3A_27, %get3A_28, %get3A_29] : memref<27x32x32xf32, #tpu.memory_space<vmem>>, vector<1x32x32xf32>
    %get3A_31 = vector.shape_cast %get3A_30 : vector<1x32x32xf32> to vector<32x32xf32>
    %dot_general3A_32 = arith.constant dense<0.000000e+00> : vector<32x2250xf32>
    %dot_general3A_33 = tpu.matmul %get3A_31, %get3A_26, %dot_general3A_32 {dimension_numbers = #tpu.dot_dimension_numbers<[1], [0], [0], [1], [0, 0, 1, 1], [], []>, transpose_lhs_hint = false} : vector<32x32xf32>, vector<32x2250xf32>, vector<32x2250xf32> -> vector<32x2250xf32>
    %add3A_34 = arith.addf %add3A, %dot_general3A_33 : vector<32x2250xf32>
    %get3A_35 = arith.constant 0 : index
    %get3A_36 = arith.constant 64 : index
    %get3A_37 = arith.constant 0 : index
    %get3A_38 = vector.load %arg2[%get3A_35, %get3A_36, %get3A_37] : memref<1x256x2303xf32, #tpu.memory_space<vmem>>, vector<1x32x2250xf32>
    %get3A_39 = vector.shape_cast %get3A_38 : vector<1x32x2250xf32> to vector<32x2250xf32>
    %get3A_40 = arith.constant 3 : index
    %get3A_41 = arith.constant 0 : index
    %get3A_42 = arith.constant 0 : index
    %get3A_43 = vector.load %arg1[%get3A_40, %get3A_41, %get3A_42] : memref<27x32x32xf32, #tpu.memory_space<vmem>>, vector<1x32x32xf32>
    %get3A_44 = vector.shape_cast %get3A_43 : vector<1x32x32xf32> to vector<32x32xf32>
    %dot_general3A_45 = arith.constant dense<0.000000e+00> : vector<32x2250xf32>
    %dot_general3A_46 = tpu.matmul %get3A_44, %get3A_39, %dot_general3A_45 {dimension_numbers = #tpu.dot_dimension_numbers<[1], [0], [0], [1], [0, 0, 1, 1], [], []>, transpose_lhs_hint = false} : vector<32x32xf32>, vector<32x2250xf32>, vector<32x2250xf32> -> vector<32x2250xf32>
    %add3A_47 = arith.addf %add3A_34, %dot_general3A_46 : vector<32x2250xf32>
    %get3A_48 = arith.constant 0 : index
    %get3A_49 = arith.constant 96 : index
    %get3A_50 = arith.constant 0 : index
    %get3A_51 = vector.load %arg2[%get3A_48, %get3A_49, %get3A_50] : memref<1x256x2303xf32, #tpu.memory_space<vmem>>, vector<1x32x2250xf32>
    %get3A_52 = vector.shape_cast %get3A_51 : vector<1x32x2250xf32> to vector<32x2250xf32>
    %get3A_53 = arith.constant 4 : index
    %get3A_54 = arith.constant 0 : index
    %get3A_55 = arith.constant 0 : index
    %get3A_56 = vector.load %arg1[%get3A_53, %get3A_54, %get3A_55] : memref<27x32x32xf32, #tpu.memory_space<vmem>>, vector<1x32x32xf32>
    %get3A_57 = vector.shape_cast %get3A_56 : vector<1x32x32xf32> to vector<32x32xf32>
    %dot_general3A_58 = arith.constant dense<0.000000e+00> : vector<32x2250xf32>
    %dot_general3A_59 = tpu.matmul %get3A_57, %get3A_52, %dot_general3A_58 {dimension_numbers = #tpu.dot_dimension_numbers<[1], [0], [0], [1], [0, 0, 1, 1], [], []>, transpose_lhs_hint = false} : vector<32x32xf32>, vector<32x2250xf32>, vector<32x2250xf32> -> vector<32x2250xf32>
    %add3A_60 = arith.addf %add3A_47, %dot_general3A_59 : vector<32x2250xf32>
    %get3A_61 = arith.constant 0 : index
    %get3A_62 = arith.constant 64 : index
    %get3A_63 = arith.constant 1 : index
    %get3A_64 = vector.load %arg2[%get3A_61, %get3A_62, %get3A_63] : memref<1x256x2303xf32, #tpu.memory_space<vmem>>, vector<1x32x2250xf32>
    %get3A_65 = vector.shape_cast %get3A_64 : vector<1x32x2250xf32> to vector<32x2250xf32>
    %get3A_66 = arith.constant 5 : index
    %get3A_67 = arith.constant 0 : index
    %get3A_68 = arith.constant 0 : index
    %get3A_69 = vector.load %arg1[%get3A_66, %get3A_67, %get3A_68] : memref<27x32x32xf32, #tpu.memory_space<vmem>>, vector<1x32x32xf32>
    %get3A_70 = vector.shape_cast %get3A_69 : vector<1x32x32xf32> to vector<32x32xf32>
    %dot_general3A_71 = arith.constant dense<0.000000e+00> : vector<32x2250xf32>
    %dot_general3A_72 = tpu.matmul %get3A_70, %get3A_65, %dot_general3A_71 {dimension_numbers = #tpu.dot_dimension_numbers<[1], [0], [0], [1], [0, 0, 1, 1], [], []>, transpose_lhs_hint = false} : vector<32x32xf32>, vector<32x2250xf32>, vector<32x2250xf32> -> vector<32x2250xf32>
    %add3A_73 = arith.addf %add3A_60, %dot_general3A_72 : vector<32x2250xf32>
    %get3A_74 = arith.constant 0 : index
    %get3A_75 = arith.constant 0 : index
    %get3A_76 = arith.constant 45 : index
    %get3A_77 = vector.load %arg2[%get3A_74, %get3A_75, %get3A_76] : memref<1x256x2303xf32, #tpu.memory_space<vmem>>, vector<1x32x2250xf32>
    %get3A_78 = vector.shape_cast %get3A_77 : vector<1x32x2250xf32> to vector<32x2250xf32>
    %get3A_79 = arith.constant 6 : index
    %get3A_80 = arith.constant 0 : index
    %get3A_81 = arith.constant 0 : index
    %get3A_82 = vector.load %arg1[%get3A_79, %get3A_80, %get3A_81] : memref<27x32x32xf32, #tpu.memory_space<vmem>>, vector<1x32x32xf32>
    %get3A_83 = vector.shape_cast %get3A_82 : vector<1x32x32xf32> to vector<32x32xf32>
    %dot_general3A_84 = arith.constant dense<0.000000e+00> : vector<32x2250xf32>
    %dot_general3A_85 = tpu.matmul %get3A_83, %get3A_78, %dot_general3A_84 {dimension_numbers = #tpu.dot_dimension_numbers<[1], [0], [0], [1], [0, 0, 1, 1], [], []>, transpose_lhs_hint = false} : vector<32x32xf32>, vector<32x2250xf32>, vector<32x2250xf32> -> vector<32x2250xf32>
    %add3A_86 = arith.addf %add3A_73, %dot_general3A_85 : vector<32x2250xf32>
    %get3A_87 = arith.constant 0 : index
    %get3A_88 = arith.constant 32 : index
    %get3A_89 = arith.constant 45 : index
    %get3A_90 = vector.load %arg2[%get3A_87, %get3A_88, %get3A_89] : memref<1x256x2303xf32, #tpu.memory_space<vmem>>, vector<1x32x2250xf32>
    %get3A_91 = vector.shape_cast %get3A_90 : vector<1x32x2250xf32> to vector<32x2250xf32>
    %get3A_92 = arith.constant 7 : index
    %get3A_93 = arith.constant 0 : index
    %get3A_94 = arith.constant 0 : index
    %get3A_95 = vector.load %arg1[%get3A_92, %get3A_93, %get3A_94] : memref<27x32x32xf32, #tpu.memory_space<vmem>>, vector<1x32x32xf32>
    %get3A_96 = vector.shape_cast %get3A_95 : vector<1x32x32xf32> to vector<32x32xf32>
    %dot_general3A_97 = arith.constant dense<0.000000e+00> : vector<32x2250xf32>
    %dot_general3A_98 = tpu.matmul %get3A_96, %get3A_91, %dot_general3A_97 {dimension_numbers = #tpu.dot_dimension_numbers<[1], [0], [0], [1], [0, 0, 1, 1], [], []>, transpose_lhs_hint = false} : vector<32x32xf32>, vector<32x2250xf32>, vector<32x2250xf32> -> vector<32x2250xf32>
    %add3A_99 = arith.addf %add3A_86, %dot_general3A_98 : vector<32x2250xf32>
    %get3A_100 = arith.constant 0 : index
    %get3A_101 = arith.constant 0 : index
    %get3A_102 = arith.constant 46 : index
    %get3A_103 = vector.load %arg2[%get3A_100, %get3A_101, %get3A_102] : memref<1x256x2303xf32, #tpu.memory_space<vmem>>, vector<1x32x2250xf32>
    %get3A_104 = vector.shape_cast %get3A_103 : vector<1x32x2250xf32> to vector<32x2250xf32>
    %get3A_105 = arith.constant 8 : index
    %get3A_106 = arith.constant 0 : index
    %get3A_107 = arith.constant 0 : index
    %get3A_108 = vector.load %arg1[%get3A_105, %get3A_106, %get3A_107] : memref<27x32x32xf32, #tpu.memory_space<vmem>>, vector<1x32x32xf32>
    %get3A_109 = vector.shape_cast %get3A_108 : vector<1x32x32xf32> to vector<32x32xf32>
    %dot_general3A_110 = arith.constant dense<0.000000e+00> : vector<32x2250xf32>
    %dot_general3A_111 = tpu.matmul %get3A_109, %get3A_104, %dot_general3A_110 {dimension_numbers = #tpu.dot_dimension_numbers<[1], [0], [0], [1], [0, 0, 1, 1], [], []>, transpose_lhs_hint = false} : vector<32x32xf32>, vector<32x2250xf32>, vector<32x2250xf32> -> vector<32x2250xf32>
    %add3A_112 = arith.addf %add3A_99, %dot_general3A_111 : vector<32x2250xf32>
    %get3A_113 = arith.constant 0 : index
    %get3A_114 = arith.constant 128 : index
    %get3A_115 = arith.constant 0 : index
    %get3A_116 = vector.load %arg2[%get3A_113, %get3A_114, %get3A_115] : memref<1x256x2303xf32, #tpu.memory_space<vmem>>, vector<1x32x2250xf32>
    %get3A_117 = vector.shape_cast %get3A_116 : vector<1x32x2250xf32> to vector<32x2250xf32>
    %get3A_118 = arith.constant 9 : index
    %get3A_119 = arith.constant 0 : index
    %get3A_120 = arith.constant 0 : index
    %get3A_121 = vector.load %arg1[%get3A_118, %get3A_119, %get3A_120] : memref<27x32x32xf32, #tpu.memory_space<vmem>>, vector<1x32x32xf32>
    %get3A_122 = vector.shape_cast %get3A_121 : vector<1x32x32xf32> to vector<32x32xf32>
    %dot_general3A_123 = arith.constant dense<0.000000e+00> : vector<32x2250xf32>
    %dot_general3A_124 = tpu.matmul %get3A_122, %get3A_117, %dot_general3A_123 {dimension_numbers = #tpu.dot_dimension_numbers<[1], [0], [0], [1], [0, 0, 1, 1], [], []>, transpose_lhs_hint = false} : vector<32x32xf32>, vector<32x2250xf32>, vector<32x2250xf32> -> vector<32x2250xf32>
    %add3A_125 = arith.addf %add3A_112, %dot_general3A_124 : vector<32x2250xf32>
    %get3A_126 = arith.constant 0 : index
    %get3A_127 = arith.constant 160 : index
    %get3A_128 = arith.constant 0 : index
    %get3A_129 = vector.load %arg2[%get3A_126, %get3A_127, %get3A_128] : memref<1x256x2303xf32, #tpu.memory_space<vmem>>, vector<1x32x2250xf32>
    %get3A_130 = vector.shape_cast %get3A_129 : vector<1x32x2250xf32> to vector<32x2250xf32>
    %get3A_131 = arith.constant 10 : index
    %get3A_132 = arith.constant 0 : index
    %get3A_133 = arith.constant 0 : index
    %get3A_134 = vector.load %arg1[%get3A_131, %get3A_132, %get3A_133] : memref<27x32x32xf32, #tpu.memory_space<vmem>>, vector<1x32x32xf32>
    %get3A_135 = vector.shape_cast %get3A_134 : vector<1x32x32xf32> to vector<32x32xf32>
    %dot_general3A_136 = arith.constant dense<0.000000e+00> : vector<32x2250xf32>
    %dot_general3A_137 = tpu.matmul %get3A_135, %get3A_130, %dot_general3A_136 {dimension_numbers = #tpu.dot_dimension_numbers<[1], [0], [0], [1], [0, 0, 1, 1], [], []>, transpose_lhs_hint = false} : vector<32x32xf32>, vector<32x2250xf32>, vector<32x2250xf32> -> vector<32x2250xf32>
    %add3A_138 = arith.addf %add3A_125, %dot_general3A_137 : vector<32x2250xf32>
    %get3A_139 = arith.constant 0 : index
    %get3A_140 = arith.constant 128 : index
    %get3A_141 = arith.constant 1 : index
    %get3A_142 = vector.load %arg2[%get3A_139, %get3A_140, %get3A_141] : memref<1x256x2303xf32, #tpu.memory_space<vmem>>, vector<1x32x2250xf32>
    %get3A_143 = vector.shape_cast %get3A_142 : vector<1x32x2250xf32> to vector<32x2250xf32>
    %get3A_144 = arith.constant 11 : index
    %get3A_145 = arith.constant 0 : index
    %get3A_146 = arith.constant 0 : index
    %get3A_147 = vector.load %arg1[%get3A_144, %get3A_145, %get3A_146] : memref<27x32x32xf32, #tpu.memory_space<vmem>>, vector<1x32x32xf32>
    %get3A_148 = vector.shape_cast %get3A_147 : vector<1x32x32xf32> to vector<32x32xf32>
    %dot_general3A_149 = arith.constant dense<0.000000e+00> : vector<32x2250xf32>
    %dot_general3A_150 = tpu.matmul %get3A_148, %get3A_143, %dot_general3A_149 {dimension_numbers = #tpu.dot_dimension_numbers<[1], [0], [0], [1], [0, 0, 1, 1], [], []>, transpose_lhs_hint = false} : vector<32x32xf32>, vector<32x2250xf32>, vector<32x2250xf32> -> vector<32x2250xf32>
    %add3A_151 = arith.addf %add3A_138, %dot_general3A_150 : vector<32x2250xf32>
    %get3A_152 = arith.constant 0 : index
    %get3A_153 = arith.constant 192 : index
    %get3A_154 = arith.constant 0 : index
    %get3A_155 = vector.load %arg2[%get3A_152, %get3A_153, %get3A_154] : memref<1x256x2303xf32, #tpu.memory_space<vmem>>, vector<1x32x2250xf32>
    %get3A_156 = vector.shape_cast %get3A_155 : vector<1x32x2250xf32> to vector<32x2250xf32>
    %get3A_157 = arith.constant 12 : index
    %get3A_158 = arith.constant 0 : index
    %get3A_159 = arith.constant 0 : index
    %get3A_160 = vector.load %arg1[%get3A_157, %get3A_158, %get3A_159] : memref<27x32x32xf32, #tpu.memory_space<vmem>>, vector<1x32x32xf32>
    %get3A_161 = vector.shape_cast %get3A_160 : vector<1x32x32xf32> to vector<32x32xf32>
    %dot_general3A_162 = arith.constant dense<0.000000e+00> : vector<32x2250xf32>
    %dot_general3A_163 = tpu.matmul %get3A_161, %get3A_156, %dot_general3A_162 {dimension_numbers = #tpu.dot_dimension_numbers<[1], [0], [0], [1], [0, 0, 1, 1], [], []>, transpose_lhs_hint = false} : vector<32x32xf32>, vector<32x2250xf32>, vector<32x2250xf32> -> vector<32x2250xf32>
    %add3A_164 = arith.addf %add3A_151, %dot_general3A_163 : vector<32x2250xf32>
    %get3A_165 = arith.constant 0 : index
    %get3A_166 = arith.constant 224 : index
    %get3A_167 = arith.constant 0 : index
    %get3A_168 = vector.load %arg2[%get3A_165, %get3A_166, %get3A_167] : memref<1x256x2303xf32, #tpu.memory_space<vmem>>, vector<1x32x2250xf32>
    %get3A_169 = vector.shape_cast %get3A_168 : vector<1x32x2250xf32> to vector<32x2250xf32>
    %get3A_170 = arith.constant 13 : index
    %get3A_171 = arith.constant 0 : index
    %get3A_172 = arith.constant 0 : index
    %get3A_173 = vector.load %arg1[%get3A_170, %get3A_171, %get3A_172] : memref<27x32x32xf32, #tpu.memory_space<vmem>>, vector<1x32x32xf32>
    %get3A_174 = vector.shape_cast %get3A_173 : vector<1x32x32xf32> to vector<32x32xf32>
    %dot_general3A_175 = arith.constant dense<0.000000e+00> : vector<32x2250xf32>
    %dot_general3A_176 = tpu.matmul %get3A_174, %get3A_169, %dot_general3A_175 {dimension_numbers = #tpu.dot_dimension_numbers<[1], [0], [0], [1], [0, 0, 1, 1], [], []>, transpose_lhs_hint = false} : vector<32x32xf32>, vector<32x2250xf32>, vector<32x2250xf32> -> vector<32x2250xf32>
    %add3A_177 = arith.addf %add3A_164, %dot_general3A_176 : vector<32x2250xf32>
    %get3A_178 = arith.constant 0 : index
    %get3A_179 = arith.constant 192 : index
    %get3A_180 = arith.constant 1 : index
    %get3A_181 = vector.load %arg2[%get3A_178, %get3A_179, %get3A_180] : memref<1x256x2303xf32, #tpu.memory_space<vmem>>, vector<1x32x2250xf32>
    %get3A_182 = vector.shape_cast %get3A_181 : vector<1x32x2250xf32> to vector<32x2250xf32>
    %get3A_183 = arith.constant 14 : index
    %get3A_184 = arith.constant 0 : index
    %get3A_185 = arith.constant 0 : index
    %get3A_186 = vector.load %arg1[%get3A_183, %get3A_184, %get3A_185] : memref<27x32x32xf32, #tpu.memory_space<vmem>>, vector<1x32x32xf32>
    %get3A_187 = vector.shape_cast %get3A_186 : vector<1x32x32xf32> to vector<32x32xf32>
    %dot_general3A_188 = arith.constant dense<0.000000e+00> : vector<32x2250xf32>
    %dot_general3A_189 = tpu.matmul %get3A_187, %get3A_182, %dot_general3A_188 {dimension_numbers = #tpu.dot_dimension_numbers<[1], [0], [0], [1], [0, 0, 1, 1], [], []>, transpose_lhs_hint = false} : vector<32x32xf32>, vector<32x2250xf32>, vector<32x2250xf32> -> vector<32x2250xf32>
    %add3A_190 = arith.addf %add3A_177, %dot_general3A_189 : vector<32x2250xf32>
    %get3A_191 = arith.constant 0 : index
    %get3A_192 = arith.constant 128 : index
    %get3A_193 = arith.constant 45 : index
    %get3A_194 = vector.load %arg2[%get3A_191, %get3A_192, %get3A_193] : memref<1x256x2303xf32, #tpu.memory_space<vmem>>, vector<1x32x2250xf32>
    %get3A_195 = vector.shape_cast %get3A_194 : vector<1x32x2250xf32> to vector<32x2250xf32>
    %get3A_196 = arith.constant 15 : index
    %get3A_197 = arith.constant 0 : index
    %get3A_198 = arith.constant 0 : index
    %get3A_199 = vector.load %arg1[%get3A_196, %get3A_197, %get3A_198] : memref<27x32x32xf32, #tpu.memory_space<vmem>>, vector<1x32x32xf32>
    %get3A_200 = vector.shape_cast %get3A_199 : vector<1x32x32xf32> to vector<32x32xf32>
    %dot_general3A_201 = arith.constant dense<0.000000e+00> : vector<32x2250xf32>
    %dot_general3A_202 = tpu.matmul %get3A_200, %get3A_195, %dot_general3A_201 {dimension_numbers = #tpu.dot_dimension_numbers<[1], [0], [0], [1], [0, 0, 1, 1], [], []>, transpose_lhs_hint = false} : vector<32x32xf32>, vector<32x2250xf32>, vector<32x2250xf32> -> vector<32x2250xf32>
    %add3A_203 = arith.addf %add3A_190, %dot_general3A_202 : vector<32x2250xf32>
    %get3A_204 = arith.constant 0 : index
    %get3A_205 = arith.constant 160 : index
    %get3A_206 = arith.constant 45 : index
    %get3A_207 = vector.load %arg2[%get3A_204, %get3A_205, %get3A_206] : memref<1x256x2303xf32, #tpu.memory_space<vmem>>, vector<1x32x2250xf32>
    %get3A_208 = vector.shape_cast %get3A_207 : vector<1x32x2250xf32> to vector<32x2250xf32>
    %get3A_209 = arith.constant 16 : index
    %get3A_210 = arith.constant 0 : index
    %get3A_211 = arith.constant 0 : index
    %get3A_212 = vector.load %arg1[%get3A_209, %get3A_210, %get3A_211] : memref<27x32x32xf32, #tpu.memory_space<vmem>>, vector<1x32x32xf32>
    %get3A_213 = vector.shape_cast %get3A_212 : vector<1x32x32xf32> to vector<32x32xf32>
    %dot_general3A_214 = arith.constant dense<0.000000e+00> : vector<32x2250xf32>
    %dot_general3A_215 = tpu.matmul %get3A_213, %get3A_208, %dot_general3A_214 {dimension_numbers = #tpu.dot_dimension_numbers<[1], [0], [0], [1], [0, 0, 1, 1], [], []>, transpose_lhs_hint = false} : vector<32x32xf32>, vector<32x2250xf32>, vector<32x2250xf32> -> vector<32x2250xf32>
    %add3A_216 = arith.addf %add3A_203, %dot_general3A_215 : vector<32x2250xf32>
    %get3A_217 = arith.constant 0 : index
    %get3A_218 = arith.constant 128 : index
    %get3A_219 = arith.constant 46 : index
    %get3A_220 = vector.load %arg2[%get3A_217, %get3A_218, %get3A_219] : memref<1x256x2303xf32, #tpu.memory_space<vmem>>, vector<1x32x2250xf32>
    %get3A_221 = vector.shape_cast %get3A_220 : vector<1x32x2250xf32> to vector<32x2250xf32>
    %get3A_222 = arith.constant 17 : index
    %get3A_223 = arith.constant 0 : index
    %get3A_224 = arith.constant 0 : index
    %get3A_225 = vector.load %arg1[%get3A_222, %get3A_223, %get3A_224] : memref<27x32x32xf32, #tpu.memory_space<vmem>>, vector<1x32x32xf32>
    %get3A_226 = vector.shape_cast %get3A_225 : vector<1x32x32xf32> to vector<32x32xf32>
    %dot_general3A_227 = arith.constant dense<0.000000e+00> : vector<32x2250xf32>
    %dot_general3A_228 = tpu.matmul %get3A_226, %get3A_221, %dot_general3A_227 {dimension_numbers = #tpu.dot_dimension_numbers<[1], [0], [0], [1], [0, 0, 1, 1], [], []>, transpose_lhs_hint = false} : vector<32x32xf32>, vector<32x2250xf32>, vector<32x2250xf32> -> vector<32x2250xf32>
    %add3A_229 = arith.addf %add3A_216, %dot_general3A_228 : vector<32x2250xf32>
    %get3A_230 = arith.constant 0 : index
    %get3A_231 = arith.constant 0 : index
    %get3A_232 = arith.constant 0 : index
    %get3A_233 = vector.load %arg3[%get3A_230, %get3A_231, %get3A_232] : memref<1x256x2303xf32, #tpu.memory_space<vmem>>, vector<1x32x2250xf32>
    %get3A_234 = vector.shape_cast %get3A_233 : vector<1x32x2250xf32> to vector<32x2250xf32>
    %get3A_235 = arith.constant 18 : index
    %get3A_236 = arith.constant 0 : index
    %get3A_237 = arith.constant 0 : index
    %get3A_238 = vector.load %arg1[%get3A_235, %get3A_236, %get3A_237] : memref<27x32x32xf32, #tpu.memory_space<vmem>>, vector<1x32x32xf32>
    %get3A_239 = vector.shape_cast %get3A_238 : vector<1x32x32xf32> to vector<32x32xf32>
    %dot_general3A_240 = arith.constant dense<0.000000e+00> : vector<32x2250xf32>
    %dot_general3A_241 = tpu.matmul %get3A_239, %get3A_234, %dot_general3A_240 {dimension_numbers = #tpu.dot_dimension_numbers<[1], [0], [0], [1], [0, 0, 1, 1], [], []>, transpose_lhs_hint = false} : vector<32x32xf32>, vector<32x2250xf32>, vector<32x2250xf32> -> vector<32x2250xf32>
    %add3A_242 = arith.addf %add3A_229, %dot_general3A_241 : vector<32x2250xf32>
    %get3A_243 = arith.constant 0 : index
    %get3A_244 = arith.constant 32 : index
    %get3A_245 = arith.constant 0 : index
    %get3A_246 = vector.load %arg3[%get3A_243, %get3A_244, %get3A_245] : memref<1x256x2303xf32, #tpu.memory_space<vmem>>, vector<1x32x2250xf32>
    %get3A_247 = vector.shape_cast %get3A_246 : vector<1x32x2250xf32> to vector<32x2250xf32>
    %get3A_248 = arith.constant 19 : index
    %get3A_249 = arith.constant 0 : index
    %get3A_250 = arith.constant 0 : index
    %get3A_251 = vector.load %arg1[%get3A_248, %get3A_249, %get3A_250] : memref<27x32x32xf32, #tpu.memory_space<vmem>>, vector<1x32x32xf32>
    %get3A_252 = vector.shape_cast %get3A_251 : vector<1x32x32xf32> to vector<32x32xf32>
    %dot_general3A_253 = arith.constant dense<0.000000e+00> : vector<32x2250xf32>
    %dot_general3A_254 = tpu.matmul %get3A_252, %get3A_247, %dot_general3A_253 {dimension_numbers = #tpu.dot_dimension_numbers<[1], [0], [0], [1], [0, 0, 1, 1], [], []>, transpose_lhs_hint = false} : vector<32x32xf32>, vector<32x2250xf32>, vector<32x2250xf32> -> vector<32x2250xf32>
    %add3A_255 = arith.addf %add3A_242, %dot_general3A_254 : vector<32x2250xf32>
    %get3A_256 = arith.constant 0 : index
    %get3A_257 = arith.constant 0 : index
    %get3A_258 = arith.constant 1 : index
    %get3A_259 = vector.load %arg3[%get3A_256, %get3A_257, %get3A_258] : memref<1x256x2303xf32, #tpu.memory_space<vmem>>, vector<1x32x2250xf32>
    %get3A_260 = vector.shape_cast %get3A_259 : vector<1x32x2250xf32> to vector<32x2250xf32>
    %get3A_261 = arith.constant 20 : index
    %get3A_262 = arith.constant 0 : index
    %get3A_263 = arith.constant 0 : index
    %get3A_264 = vector.load %arg1[%get3A_261, %get3A_262, %get3A_263] : memref<27x32x32xf32, #tpu.memory_space<vmem>>, vector<1x32x32xf32>
    %get3A_265 = vector.shape_cast %get3A_264 : vector<1x32x32xf32> to vector<32x32xf32>
    %dot_general3A_266 = arith.constant dense<0.000000e+00> : vector<32x2250xf32>
    %dot_general3A_267 = tpu.matmul %get3A_265, %get3A_260, %dot_general3A_266 {dimension_numbers = #tpu.dot_dimension_numbers<[1], [0], [0], [1], [0, 0, 1, 1], [], []>, transpose_lhs_hint = false} : vector<32x32xf32>, vector<32x2250xf32>, vector<32x2250xf32> -> vector<32x2250xf32>
    %add3A_268 = arith.addf %add3A_255, %dot_general3A_267 : vector<32x2250xf32>
    %get3A_269 = arith.constant 0 : index
    %get3A_270 = arith.constant 64 : index
    %get3A_271 = arith.constant 0 : index
    %get3A_272 = vector.load %arg3[%get3A_269, %get3A_270, %get3A_271] : memref<1x256x2303xf32, #tpu.memory_space<vmem>>, vector<1x32x2250xf32>
    %get3A_273 = vector.shape_cast %get3A_272 : vector<1x32x2250xf32> to vector<32x2250xf32>
    %get3A_274 = arith.constant 21 : index
    %get3A_275 = arith.constant 0 : index
    %get3A_276 = arith.constant 0 : index
    %get3A_277 = vector.load %arg1[%get3A_274, %get3A_275, %get3A_276] : memref<27x32x32xf32, #tpu.memory_space<vmem>>, vector<1x32x32xf32>
    %get3A_278 = vector.shape_cast %get3A_277 : vector<1x32x32xf32> to vector<32x32xf32>
    %dot_general3A_279 = arith.constant dense<0.000000e+00> : vector<32x2250xf32>
    %dot_general3A_280 = tpu.matmul %get3A_278, %get3A_273, %dot_general3A_279 {dimension_numbers = #tpu.dot_dimension_numbers<[1], [0], [0], [1], [0, 0, 1, 1], [], []>, transpose_lhs_hint = false} : vector<32x32xf32>, vector<32x2250xf32>, vector<32x2250xf32> -> vector<32x2250xf32>
    %add3A_281 = arith.addf %add3A_268, %dot_general3A_280 : vector<32x2250xf32>
    %get3A_282 = arith.constant 0 : index
    %get3A_283 = arith.constant 96 : index
    %get3A_284 = arith.constant 0 : index
    %get3A_285 = vector.load %arg3[%get3A_282, %get3A_283, %get3A_284] : memref<1x256x2303xf32, #tpu.memory_space<vmem>>, vector<1x32x2250xf32>
    %get3A_286 = vector.shape_cast %get3A_285 : vector<1x32x2250xf32> to vector<32x2250xf32>
    %get3A_287 = arith.constant 22 : index
    %get3A_288 = arith.constant 0 : index
    %get3A_289 = arith.constant 0 : index
    %get3A_290 = vector.load %arg1[%get3A_287, %get3A_288, %get3A_289] : memref<27x32x32xf32, #tpu.memory_space<vmem>>, vector<1x32x32xf32>
    %get3A_291 = vector.shape_cast %get3A_290 : vector<1x32x32xf32> to vector<32x32xf32>
    %dot_general3A_292 = arith.constant dense<0.000000e+00> : vector<32x2250xf32>
    %dot_general3A_293 = tpu.matmul %get3A_291, %get3A_286, %dot_general3A_292 {dimension_numbers = #tpu.dot_dimension_numbers<[1], [0], [0], [1], [0, 0, 1, 1], [], []>, transpose_lhs_hint = false} : vector<32x32xf32>, vector<32x2250xf32>, vector<32x2250xf32> -> vector<32x2250xf32>
    %add3A_294 = arith.addf %add3A_281, %dot_general3A_293 : vector<32x2250xf32>
    %get3A_295 = arith.constant 0 : index
    %get3A_296 = arith.constant 64 : index
    %get3A_297 = arith.constant 1 : index
    %get3A_298 = vector.load %arg3[%get3A_295, %get3A_296, %get3A_297] : memref<1x256x2303xf32, #tpu.memory_space<vmem>>, vector<1x32x2250xf32>
    %get3A_299 = vector.shape_cast %get3A_298 : vector<1x32x2250xf32> to vector<32x2250xf32>
    %get3A_300 = arith.constant 23 : index
    %get3A_301 = arith.constant 0 : index
    %get3A_302 = arith.constant 0 : index
    %get3A_303 = vector.load %arg1[%get3A_300, %get3A_301, %get3A_302] : memref<27x32x32xf32, #tpu.memory_space<vmem>>, vector<1x32x32xf32>
    %get3A_304 = vector.shape_cast %get3A_303 : vector<1x32x32xf32> to vector<32x32xf32>
    %dot_general3A_305 = arith.constant dense<0.000000e+00> : vector<32x2250xf32>
    %dot_general3A_306 = tpu.matmul %get3A_304, %get3A_299, %dot_general3A_305 {dimension_numbers = #tpu.dot_dimension_numbers<[1], [0], [0], [1], [0, 0, 1, 1], [], []>, transpose_lhs_hint = false} : vector<32x32xf32>, vector<32x2250xf32>, vector<32x2250xf32> -> vector<32x2250xf32>
    %add3A_307 = arith.addf %add3A_294, %dot_general3A_306 : vector<32x2250xf32>
    %get3A_308 = arith.constant 0 : index
    %get3A_309 = arith.constant 0 : index
    %get3A_310 = arith.constant 45 : index
    %get3A_311 = vector.load %arg3[%get3A_308, %get3A_309, %get3A_310] : memref<1x256x2303xf32, #tpu.memory_space<vmem>>, vector<1x32x2250xf32>
    %get3A_312 = vector.shape_cast %get3A_311 : vector<1x32x2250xf32> to vector<32x2250xf32>
    %get3A_313 = arith.constant 24 : index
    %get3A_314 = arith.constant 0 : index
    %get3A_315 = arith.constant 0 : index
    %get3A_316 = vector.load %arg1[%get3A_313, %get3A_314, %get3A_315] : memref<27x32x32xf32, #tpu.memory_space<vmem>>, vector<1x32x32xf32>
    %get3A_317 = vector.shape_cast %get3A_316 : vector<1x32x32xf32> to vector<32x32xf32>
    %dot_general3A_318 = arith.constant dense<0.000000e+00> : vector<32x2250xf32>
    %dot_general3A_319 = tpu.matmul %get3A_317, %get3A_312, %dot_general3A_318 {dimension_numbers = #tpu.dot_dimension_numbers<[1], [0], [0], [1], [0, 0, 1, 1], [], []>, transpose_lhs_hint = false} : vector<32x32xf32>, vector<32x2250xf32>, vector<32x2250xf32> -> vector<32x2250xf32>
    %add3A_320 = arith.addf %add3A_307, %dot_general3A_319 : vector<32x2250xf32>
    %get3A_321 = arith.constant 0 : index
    %get3A_322 = arith.constant 32 : index
    %get3A_323 = arith.constant 45 : index
    %get3A_324 = vector.load %arg3[%get3A_321, %get3A_322, %get3A_323] : memref<1x256x2303xf32, #tpu.memory_space<vmem>>, vector<1x32x2250xf32>
    %get3A_325 = vector.shape_cast %get3A_324 : vector<1x32x2250xf32> to vector<32x2250xf32>
    %get3A_326 = arith.constant 25 : index
    %get3A_327 = arith.constant 0 : index
    %get3A_328 = arith.constant 0 : index
    %get3A_329 = vector.load %arg1[%get3A_326, %get3A_327, %get3A_328] : memref<27x32x32xf32, #tpu.memory_space<vmem>>, vector<1x32x32xf32>
    %get3A_330 = vector.shape_cast %get3A_329 : vector<1x32x32xf32> to vector<32x32xf32>
    %dot_general3A_331 = arith.constant dense<0.000000e+00> : vector<32x2250xf32>
    %dot_general3A_332 = tpu.matmul %get3A_330, %get3A_325, %dot_general3A_331 {dimension_numbers = #tpu.dot_dimension_numbers<[1], [0], [0], [1], [0, 0, 1, 1], [], []>, transpose_lhs_hint = false} : vector<32x32xf32>, vector<32x2250xf32>, vector<32x2250xf32> -> vector<32x2250xf32>
    %add3A_333 = arith.addf %add3A_320, %dot_general3A_332 : vector<32x2250xf32>
    %get3A_334 = arith.constant 0 : index
    %get3A_335 = arith.constant 0 : index
    %get3A_336 = arith.constant 46 : index
    %get3A_337 = vector.load %arg3[%get3A_334, %get3A_335, %get3A_336] : memref<1x256x2303xf32, #tpu.memory_space<vmem>>, vector<1x32x2250xf32>
    %get3A_338 = vector.shape_cast %get3A_337 : vector<1x32x2250xf32> to vector<32x2250xf32>
    %get3A_339 = arith.constant 26 : index
    %get3A_340 = arith.constant 0 : index
    %get3A_341 = arith.constant 0 : index
    %get3A_342 = vector.load %arg1[%get3A_339, %get3A_340, %get3A_341] : memref<27x32x32xf32, #tpu.memory_space<vmem>>, vector<1x32x32xf32>
    %get3A_343 = vector.shape_cast %get3A_342 : vector<1x32x32xf32> to vector<32x32xf32>
    %dot_general3A_344 = arith.constant dense<0.000000e+00> : vector<32x2250xf32>
    %dot_general3A_345 = tpu.matmul %get3A_343, %get3A_338, %dot_general3A_344 {dimension_numbers = #tpu.dot_dimension_numbers<[1], [0], [0], [1], [0, 0, 1, 1], [], []>, transpose_lhs_hint = false} : vector<32x32xf32>, vector<32x2250xf32>, vector<32x2250xf32> -> vector<32x2250xf32>
    %add3A_346 = arith.addf %add3A_333, %dot_general3A_345 : vector<32x2250xf32>
    %swap3A = arith.constant 0 : index
    %swap3A_347 = arith.constant 0 : index
    %swap3A_348 = arith.constant 0 : index
    %swap3A_349 = vector.load %arg4[%swap3A, %swap3A_347, %swap3A_348] : memref<1x32x2250xf32, #tpu.memory_space<vmem>>, vector<1x32x2250xf32>
    %swap3A_350 = vector.shape_cast %swap3A_349 : vector<1x32x2250xf32> to vector<32x2250xf32>
    %swap3A_351 = vector.shape_cast %add3A_346 : vector<32x2250xf32> to vector<1x32x2250xf32>
    tpu.vector_store %arg4[%swap3A, %swap3A_347, %swap3A_348], %swap3A_351 {strides = array<i32>} : memref<1x32x2250xf32, #tpu.memory_space<vmem>>, vector<1x32x2250xf32>,
    %reshape3A = vector.shape_cast %add3A_346 : vector<32x2250xf32> to vector<32x50x45xf32>
    %iota3A = tpu.iota {dimensions = array<i32: 2>} : vector<1x1x45xi32>
    %lt3A = arith.constant 44 : i32
    %lt3A_352 = vector.broadcast %lt3A : i32 to vector<1x1x45xi32>
    %lt3A_353 = arith.cmpi slt, %iota3A, %lt3A_352 : vector<1x1x45xi32>
    %jit3A = arith.constant 0.000000e+00 : f32
    %broadcast_in_dim3A = vector.shape_cast %lt3A_353 : vector<1x1x45xi1> to vector<1x1x45xi1>
    %broadcast_in_dim3A_354 = vector.broadcast %broadcast_in_dim3A : vector<1x1x45xi1> to vector<32x50x45xi1>
    %broadcast_in_dim3A_355 = vector.broadcast %jit3A : f32 to vector<32x50x45xf32>
    %select_n3A = arith.select %broadcast_in_dim3A_354, %reshape3A, %broadcast_in_dim3A_355 : vector<32x50x45xi1>, vector<32x50x45xf32>
    %reduce_sum3A = arith.constant dense<0.000000e+00> : vector<32x50xf32>
    %reduce_sum3A_356 = vector.multi_reduction <add>, %select_n3A, %reduce_sum3A [2] : vector<32x50x45xf32> to vector<32x50xf32>
    %reduce_sum3A_357 = arith.constant dense<0.000000e+00> : vector<32xf32>
    %reduce_sum3A_358 = vector.multi_reduction <add>, %reduce_sum3A_356, %reduce_sum3A_357 [1] : vector<32x50xf32> to vector<32xf32>
    %swap3A_359 = arith.constant 0 : index
    %swap3A_360 = arith.constant 0 : index
    %swap3A_361 = arith.constant 0 : index
    %swap3A_362 = vector.load %arg5[%swap3A_359, %swap3A_360, %swap3A_361] : memref<1x2x32xf32, #tpu.memory_space<vmem>>, vector<1x1x32xf32>
    %swap3A_363 = vector.shape_cast %swap3A_362 : vector<1x1x32xf32> to vector<32xf32>
    %swap3A_364 = vector.shape_cast %reduce_sum3A_358 : vector<32xf32> to vector<1x1x32xf32>
    tpu.vector_store %arg5[%swap3A_359, %swap3A_360, %swap3A_361], %swap3A_364 {strides = array<i32>} : memref<1x2x32xf32, #tpu.memory_space<vmem>>, vector<1x1x32xf32>,
    %mul3A = arith.mulf %select_n3A, %select_n3A : vector<32x50x45xf32>
    %reduce_sum3A_365 = arith.constant dense<0.000000e+00> : vector<32x50xf32>
    %reduce_sum3A_366 = vector.multi_reduction <add>, %mul3A, %reduce_sum3A_365 [2] : vector<32x50x45xf32> to vector<32x50xf32>
    %reduce_sum3A_367 = arith.constant dense<0.000000e+00> : vector<32xf32>
    %reduce_sum3A_368 = vector.multi_reduction <add>, %reduce_sum3A_366, %reduce_sum3A_367 [1] : vector<32x50xf32> to vector<32xf32>
    %swap3A_369 = arith.constant 0 : index
    %swap3A_370 = arith.constant 1 : index
    %swap3A_371 = arith.constant 0 : index
    %swap3A_372 = vector.load %arg5[%swap3A_369, %swap3A_370, %swap3A_371] : memref<1x2x32xf32, #tpu.memory_space<vmem>>, vector<1x1x32xf32>
    %swap3A_373 = vector.shape_cast %swap3A_372 : vector<1x1x32xf32> to vector<32xf32>
    %swap3A_374 = vector.shape_cast %reduce_sum3A_368 : vector<32xf32> to vector<1x1x32xf32>
    tpu.vector_store %arg5[%swap3A_369, %swap3A_370, %swap3A_371], %swap3A_374 {strides = array<i32>} : memref<1x2x32xf32, #tpu.memory_space<vmem>>, vector<1x1x32xf32>,
    return
  }
  func.func @transform_0(%arg0: i32) -> (i32, i32, i32) {
    %c0_i32 = arith.constant 0 : i32
    %c0_i32_0 = arith.constant 0 : i32
    %c0_i32_1 = arith.constant 0 : i32
    %c0_i32_2 = arith.constant 0 : i32
    return %c0_i32, %c0_i32_0, %c0_i32_1 : i32, i32, i32
  }
  func.func @transform_1(%arg0: i32) -> (i32, i32, i32) {
    %add3A = arith.constant 0 : i32
    %add3A_0 = arith.addi %arg0, %add3A : i32
    %c0_i32 = arith.constant 0 : i32
    %c0_i32_1 = arith.constant 0 : i32
    %c0_i32_2 = arith.constant 0 : i32
    return %add3A_0, %c0_i32, %c0_i32_1 : i32, i32, i32
  }
  func.func @transform_2(%arg0: i32) -> (i32, i32, i32) {
    %add3A = arith.constant 1 : i32
    %add3A_0 = arith.addi %arg0, %add3A : i32
    %c0_i32 = arith.constant 0 : i32
    %c0_i32_1 = arith.constant 0 : i32
    %c0_i32_2 = arith.constant 0 : i32
    return %add3A_0, %c0_i32, %c0_i32_1 : i32, i32, i32
  }
  func.func @transform_3(%arg0: i32) -> (i32, i32, i32) {
    %c0_i32 = arith.constant 0 : i32
    %c0_i32_0 = arith.constant 0 : i32
    %c0_i32_1 = arith.constant 0 : i32
    return %arg0, %c0_i32, %c0_i32_0 : i32, i32, i32
  }
  func.func @transform_4(%arg0: i32) -> (i32, i32, i32) {
    %c0_i32 = arith.constant 0 : i32
    %c0_i32_0 = arith.constant 0 : i32
    %c0_i32_1 = arith.constant 0 : i32
    return %arg0, %c0_i32, %c0_i32_0 : i32, i32, i32
  }
}

module attributes {stable_mosaic.version = 14 : i64} {
  func.func @_affine_body(%arg0: i32, %arg1: memref<1x32x2200xf32, #tpu.memory_space<vmem>>, %arg2: memref<32x1xf32, #tpu.memory_space<vmem>>, %arg3: memref<32x1xf32, #tpu.memory_space<vmem>>, %arg4: memref<1x32x2200xf32, #tpu.memory_space<vmem>>) attributes {dimension_semantics = [#tpu.dimension_semantics<arbitrary>], iteration_bounds = array<i64: 6>, scalar_prefetch = 0 : i64, scratch_operands = 0 : i64, tpu.core_type = #tpu.core_type<tc>, window_params = [{transform_indices = @transform_0, window_bounds = array<i64: 1, 32, 2200>}, {pipeline_mode = #tpu.pipeline_mode<synchronous>, transform_indices = @transform_1, window_bounds = array<i64: 32, 1>}, {pipeline_mode = #tpu.pipeline_mode<synchronous>, transform_indices = @transform_2, window_bounds = array<i64: 32, 1>}, {transform_indices = @transform_3, window_bounds = array<i64: 1, 32, 2200>}]} {
    %get3A = arith.constant 0 : index
    %get3A_0 = arith.constant 0 : index
    %get3A_1 = arith.constant 0 : index
    %get3A_2 = vector.load %arg1[%get3A, %get3A_0, %get3A_1] : memref<1x32x2200xf32, #tpu.memory_space<vmem>>, vector<1x32x2200xf32>
    %get3A_3 = arith.constant 0 : index
    %get3A_4 = arith.constant 0 : index
    %get3A_5 = vector.load %arg2[%get3A_3, %get3A_4] : memref<32x1xf32, #tpu.memory_space<vmem>>, vector<32x1xf32>
    %broadcast_in_dim3A = vector.shape_cast %get3A_5 : vector<32x1xf32> to vector<1x32x1xf32>
    %mul3A = vector.broadcast %broadcast_in_dim3A : vector<1x32x1xf32> to vector<1x32x2200xf32>
    %mul3A_6 = arith.mulf %get3A_2, %mul3A : vector<1x32x2200xf32>
    %get3A_7 = arith.constant 0 : index
    %get3A_8 = arith.constant 0 : index
    %get3A_9 = vector.load %arg3[%get3A_7, %get3A_8] : memref<32x1xf32, #tpu.memory_space<vmem>>, vector<32x1xf32>
    %broadcast_in_dim3A_10 = vector.shape_cast %get3A_9 : vector<32x1xf32> to vector<1x32x1xf32>
    %add3A = vector.broadcast %broadcast_in_dim3A_10 : vector<1x32x1xf32> to vector<1x32x2200xf32>
    %add3A_11 = arith.addf %mul3A_6, %add3A : vector<1x32x2200xf32>
    %max3A = arith.constant 0.000000e+00 : f32
    %max3A_12 = vector.broadcast %max3A : f32 to vector<1x32x2200xf32>
    %max3A_13 = arith.maximumf %add3A_11, %max3A_12 : vector<1x32x2200xf32>
    %swap3A = arith.constant 0 : index
    %swap3A_14 = arith.constant 0 : index
    %swap3A_15 = arith.constant 0 : index
    %swap3A_16 = vector.load %arg4[%swap3A, %swap3A_14, %swap3A_15] : memref<1x32x2200xf32, #tpu.memory_space<vmem>>, vector<1x32x2200xf32>
    tpu.vector_store %arg4[%swap3A, %swap3A_14, %swap3A_15], %max3A_13 {strides = array<i32>} : memref<1x32x2200xf32, #tpu.memory_space<vmem>>, vector<1x32x2200xf32>,
    return
  }
  func.func @transform_0(%arg0: i32) -> (i32, i32, i32) {
    %c0_i32 = arith.constant 0 : i32
    %c0_i32_0 = arith.constant 0 : i32
    %c0_i32_1 = arith.constant 0 : i32
    return %arg0, %c0_i32, %c0_i32_0 : i32, i32, i32
  }
  func.func @transform_1(%arg0: i32) -> (i32, i32) {
    %c0_i32 = arith.constant 0 : i32
    %c0_i32_0 = arith.constant 0 : i32
    %c0_i32_1 = arith.constant 0 : i32
    return %c0_i32, %c0_i32_0 : i32, i32
  }
  func.func @transform_2(%arg0: i32) -> (i32, i32) {
    %c0_i32 = arith.constant 0 : i32
    %c0_i32_0 = arith.constant 0 : i32
    %c0_i32_1 = arith.constant 0 : i32
    return %c0_i32, %c0_i32_0 : i32, i32
  }
  func.func @transform_3(%arg0: i32) -> (i32, i32, i32) {
    %c0_i32 = arith.constant 0 : i32
    %c0_i32_0 = arith.constant 0 : i32
    %c0_i32_1 = arith.constant 0 : i32
    return %arg0, %c0_i32, %c0_i32_0 : i32, i32, i32
  }
}

module attributes {stable_mosaic.version = 14 : i64} {
  func.func @_conv_body(%arg0: i32, %arg1: memref<27x32x32xf32, #tpu.memory_space<vmem>>, %arg2: memref<1x32x2400xf32, #tpu.memory_space<vmem>>, %arg3: memref<1x32x2400xf32, #tpu.memory_space<vmem>>, %arg4: memref<1x32x2400xf32, #tpu.memory_space<vmem>>, %arg5: memref<1x32x2300xf32, #tpu.memory_space<vmem>>, %arg6: memref<1x2x32xf32, #tpu.memory_space<vmem>>) attributes {dimension_semantics = [#tpu.dimension_semantics<arbitrary>], iteration_bounds = array<i64: 6>, scalar_prefetch = 0 : i64, scratch_operands = 0 : i64, tpu.core_type = #tpu.core_type<tc>, window_params = [{pipeline_mode = #tpu.pipeline_mode<synchronous>, transform_indices = @transform_0, window_bounds = array<i64: 27, 32, 32>}, {transform_indices = @transform_1, window_bounds = array<i64: 1, 32, 2400>}, {transform_indices = @transform_2, window_bounds = array<i64: 1, 32, 2400>}, {transform_indices = @transform_3, window_bounds = array<i64: 1, 32, 2400>}, {transform_indices = @transform_4, window_bounds = array<i64: 1, 32, 2300>}, {transform_indices = @transform_5, window_bounds = array<i64: 1, 2, 32>}]} {
    %get3A = arith.constant 0 : index
    %get3A_0 = arith.constant 0 : index
    %get3A_1 = arith.constant 0 : index
    %get3A_2 = vector.load %arg2[%get3A, %get3A_0, %get3A_1] : memref<1x32x2400xf32, #tpu.memory_space<vmem>>, vector<1x32x2300xf32>
    %get3A_3 = vector.shape_cast %get3A_2 : vector<1x32x2300xf32> to vector<32x2300xf32>
    %get3A_4 = arith.constant 0 : index
    %get3A_5 = arith.constant 0 : index
    %get3A_6 = arith.constant 0 : index
    %get3A_7 = vector.load %arg1[%get3A_4, %get3A_5, %get3A_6] : memref<27x32x32xf32, #tpu.memory_space<vmem>>, vector<1x32x32xf32>
    %get3A_8 = vector.shape_cast %get3A_7 : vector<1x32x32xf32> to vector<32x32xf32>
    %dot_general3A = arith.constant dense<0.000000e+00> : vector<32x2300xf32>
    %dot_general3A_9 = tpu.matmul %get3A_8, %get3A_3, %dot_general3A {dimension_numbers = #tpu.dot_dimension_numbers<[1], [0], [0], [1], [0, 0, 1, 1], [], []>, transpose_lhs_hint = false} : vector<32x32xf32>, vector<32x2300xf32>, vector<32x2300xf32> -> vector<32x2300xf32>
    %get3A_10 = arith.constant 0 : index
    %get3A_11 = arith.constant 0 : index
    %get3A_12 = arith.constant 1 : index
    %get3A_13 = vector.load %arg2[%get3A_10, %get3A_11, %get3A_12] : memref<1x32x2400xf32, #tpu.memory_space<vmem>>, vector<1x32x2300xf32>
    %get3A_14 = vector.shape_cast %get3A_13 : vector<1x32x2300xf32> to vector<32x2300xf32>
    %get3A_15 = arith.constant 1 : index
    %get3A_16 = arith.constant 0 : index
    %get3A_17 = arith.constant 0 : index
    %get3A_18 = vector.load %arg1[%get3A_15, %get3A_16, %get3A_17] : memref<27x32x32xf32, #tpu.memory_space<vmem>>, vector<1x32x32xf32>
    %get3A_19 = vector.shape_cast %get3A_18 : vector<1x32x32xf32> to vector<32x32xf32>
    %dot_general3A_20 = arith.constant dense<0.000000e+00> : vector<32x2300xf32>
    %dot_general3A_21 = tpu.matmul %get3A_19, %get3A_14, %dot_general3A_20 {dimension_numbers = #tpu.dot_dimension_numbers<[1], [0], [0], [1], [0, 0, 1, 1], [], []>, transpose_lhs_hint = false} : vector<32x32xf32>, vector<32x2300xf32>, vector<32x2300xf32> -> vector<32x2300xf32>
    %add3A = arith.addf %dot_general3A_9, %dot_general3A_21 : vector<32x2300xf32>
    %get3A_22 = arith.constant 0 : index
    %get3A_23 = arith.constant 0 : index
    %get3A_24 = arith.constant 2 : index
    %get3A_25 = vector.load %arg2[%get3A_22, %get3A_23, %get3A_24] : memref<1x32x2400xf32, #tpu.memory_space<vmem>>, vector<1x32x2300xf32>
    %get3A_26 = vector.shape_cast %get3A_25 : vector<1x32x2300xf32> to vector<32x2300xf32>
    %get3A_27 = arith.constant 2 : index
    %get3A_28 = arith.constant 0 : index
    %get3A_29 = arith.constant 0 : index
    %get3A_30 = vector.load %arg1[%get3A_27, %get3A_28, %get3A_29] : memref<27x32x32xf32, #tpu.memory_space<vmem>>, vector<1x32x32xf32>
    %get3A_31 = vector.shape_cast %get3A_30 : vector<1x32x32xf32> to vector<32x32xf32>
    %dot_general3A_32 = arith.constant dense<0.000000e+00> : vector<32x2300xf32>
    %dot_general3A_33 = tpu.matmul %get3A_31, %get3A_26, %dot_general3A_32 {dimension_numbers = #tpu.dot_dimension_numbers<[1], [0], [0], [1], [0, 0, 1, 1], [], []>, transpose_lhs_hint = false} : vector<32x32xf32>, vector<32x2300xf32>, vector<32x2300xf32> -> vector<32x2300xf32>
    %add3A_34 = arith.addf %add3A, %dot_general3A_33 : vector<32x2300xf32>
    %get3A_35 = arith.constant 0 : index
    %get3A_36 = arith.constant 0 : index
    %get3A_37 = arith.constant 46 : index
    %get3A_38 = vector.load %arg2[%get3A_35, %get3A_36, %get3A_37] : memref<1x32x2400xf32, #tpu.memory_space<vmem>>, vector<1x32x2300xf32>
    %get3A_39 = vector.shape_cast %get3A_38 : vector<1x32x2300xf32> to vector<32x2300xf32>
    %get3A_40 = arith.constant 3 : index
    %get3A_41 = arith.constant 0 : index
    %get3A_42 = arith.constant 0 : index
    %get3A_43 = vector.load %arg1[%get3A_40, %get3A_41, %get3A_42] : memref<27x32x32xf32, #tpu.memory_space<vmem>>, vector<1x32x32xf32>
    %get3A_44 = vector.shape_cast %get3A_43 : vector<1x32x32xf32> to vector<32x32xf32>
    %dot_general3A_45 = arith.constant dense<0.000000e+00> : vector<32x2300xf32>
    %dot_general3A_46 = tpu.matmul %get3A_44, %get3A_39, %dot_general3A_45 {dimension_numbers = #tpu.dot_dimension_numbers<[1], [0], [0], [1], [0, 0, 1, 1], [], []>, transpose_lhs_hint = false} : vector<32x32xf32>, vector<32x2300xf32>, vector<32x2300xf32> -> vector<32x2300xf32>
    %add3A_47 = arith.addf %add3A_34, %dot_general3A_46 : vector<32x2300xf32>
    %get3A_48 = arith.constant 0 : index
    %get3A_49 = arith.constant 0 : index
    %get3A_50 = arith.constant 47 : index
    %get3A_51 = vector.load %arg2[%get3A_48, %get3A_49, %get3A_50] : memref<1x32x2400xf32, #tpu.memory_space<vmem>>, vector<1x32x2300xf32>
    %get3A_52 = vector.shape_cast %get3A_51 : vector<1x32x2300xf32> to vector<32x2300xf32>
    %get3A_53 = arith.constant 4 : index
    %get3A_54 = arith.constant 0 : index
    %get3A_55 = arith.constant 0 : index
    %get3A_56 = vector.load %arg1[%get3A_53, %get3A_54, %get3A_55] : memref<27x32x32xf32, #tpu.memory_space<vmem>>, vector<1x32x32xf32>
    %get3A_57 = vector.shape_cast %get3A_56 : vector<1x32x32xf32> to vector<32x32xf32>
    %dot_general3A_58 = arith.constant dense<0.000000e+00> : vector<32x2300xf32>
    %dot_general3A_59 = tpu.matmul %get3A_57, %get3A_52, %dot_general3A_58 {dimension_numbers = #tpu.dot_dimension_numbers<[1], [0], [0], [1], [0, 0, 1, 1], [], []>, transpose_lhs_hint = false} : vector<32x32xf32>, vector<32x2300xf32>, vector<32x2300xf32> -> vector<32x2300xf32>
    %add3A_60 = arith.addf %add3A_47, %dot_general3A_59 : vector<32x2300xf32>
    %get3A_61 = arith.constant 0 : index
    %get3A_62 = arith.constant 0 : index
    %get3A_63 = arith.constant 48 : index
    %get3A_64 = vector.load %arg2[%get3A_61, %get3A_62, %get3A_63] : memref<1x32x2400xf32, #tpu.memory_space<vmem>>, vector<1x32x2300xf32>
    %get3A_65 = vector.shape_cast %get3A_64 : vector<1x32x2300xf32> to vector<32x2300xf32>
    %get3A_66 = arith.constant 5 : index
    %get3A_67 = arith.constant 0 : index
    %get3A_68 = arith.constant 0 : index
    %get3A_69 = vector.load %arg1[%get3A_66, %get3A_67, %get3A_68] : memref<27x32x32xf32, #tpu.memory_space<vmem>>, vector<1x32x32xf32>
    %get3A_70 = vector.shape_cast %get3A_69 : vector<1x32x32xf32> to vector<32x32xf32>
    %dot_general3A_71 = arith.constant dense<0.000000e+00> : vector<32x2300xf32>
    %dot_general3A_72 = tpu.matmul %get3A_70, %get3A_65, %dot_general3A_71 {dimension_numbers = #tpu.dot_dimension_numbers<[1], [0], [0], [1], [0, 0, 1, 1], [], []>, transpose_lhs_hint = false} : vector<32x32xf32>, vector<32x2300xf32>, vector<32x2300xf32> -> vector<32x2300xf32>
    %add3A_73 = arith.addf %add3A_60, %dot_general3A_72 : vector<32x2300xf32>
    %get3A_74 = arith.constant 0 : index
    %get3A_75 = arith.constant 0 : index
    %get3A_76 = arith.constant 92 : index
    %get3A_77 = vector.load %arg2[%get3A_74, %get3A_75, %get3A_76] : memref<1x32x2400xf32, #tpu.memory_space<vmem>>, vector<1x32x2300xf32>
    %get3A_78 = vector.shape_cast %get3A_77 : vector<1x32x2300xf32> to vector<32x2300xf32>
    %get3A_79 = arith.constant 6 : index
    %get3A_80 = arith.constant 0 : index
    %get3A_81 = arith.constant 0 : index
    %get3A_82 = vector.load %arg1[%get3A_79, %get3A_80, %get3A_81] : memref<27x32x32xf32, #tpu.memory_space<vmem>>, vector<1x32x32xf32>
    %get3A_83 = vector.shape_cast %get3A_82 : vector<1x32x32xf32> to vector<32x32xf32>
    %dot_general3A_84 = arith.constant dense<0.000000e+00> : vector<32x2300xf32>
    %dot_general3A_85 = tpu.matmul %get3A_83, %get3A_78, %dot_general3A_84 {dimension_numbers = #tpu.dot_dimension_numbers<[1], [0], [0], [1], [0, 0, 1, 1], [], []>, transpose_lhs_hint = false} : vector<32x32xf32>, vector<32x2300xf32>, vector<32x2300xf32> -> vector<32x2300xf32>
    %add3A_86 = arith.addf %add3A_73, %dot_general3A_85 : vector<32x2300xf32>
    %get3A_87 = arith.constant 0 : index
    %get3A_88 = arith.constant 0 : index
    %get3A_89 = arith.constant 93 : index
    %get3A_90 = vector.load %arg2[%get3A_87, %get3A_88, %get3A_89] : memref<1x32x2400xf32, #tpu.memory_space<vmem>>, vector<1x32x2300xf32>
    %get3A_91 = vector.shape_cast %get3A_90 : vector<1x32x2300xf32> to vector<32x2300xf32>
    %get3A_92 = arith.constant 7 : index
    %get3A_93 = arith.constant 0 : index
    %get3A_94 = arith.constant 0 : index
    %get3A_95 = vector.load %arg1[%get3A_92, %get3A_93, %get3A_94] : memref<27x32x32xf32, #tpu.memory_space<vmem>>, vector<1x32x32xf32>
    %get3A_96 = vector.shape_cast %get3A_95 : vector<1x32x32xf32> to vector<32x32xf32>
    %dot_general3A_97 = arith.constant dense<0.000000e+00> : vector<32x2300xf32>
    %dot_general3A_98 = tpu.matmul %get3A_96, %get3A_91, %dot_general3A_97 {dimension_numbers = #tpu.dot_dimension_numbers<[1], [0], [0], [1], [0, 0, 1, 1], [], []>, transpose_lhs_hint = false} : vector<32x32xf32>, vector<32x2300xf32>, vector<32x2300xf32> -> vector<32x2300xf32>
    %add3A_99 = arith.addf %add3A_86, %dot_general3A_98 : vector<32x2300xf32>
    %get3A_100 = arith.constant 0 : index
    %get3A_101 = arith.constant 0 : index
    %get3A_102 = arith.constant 94 : index
    %get3A_103 = vector.load %arg2[%get3A_100, %get3A_101, %get3A_102] : memref<1x32x2400xf32, #tpu.memory_space<vmem>>, vector<1x32x2300xf32>
    %get3A_104 = vector.shape_cast %get3A_103 : vector<1x32x2300xf32> to vector<32x2300xf32>
    %get3A_105 = arith.constant 8 : index
    %get3A_106 = arith.constant 0 : index
    %get3A_107 = arith.constant 0 : index
    %get3A_108 = vector.load %arg1[%get3A_105, %get3A_106, %get3A_107] : memref<27x32x32xf32, #tpu.memory_space<vmem>>, vector<1x32x32xf32>
    %get3A_109 = vector.shape_cast %get3A_108 : vector<1x32x32xf32> to vector<32x32xf32>
    %dot_general3A_110 = arith.constant dense<0.000000e+00> : vector<32x2300xf32>
    %dot_general3A_111 = tpu.matmul %get3A_109, %get3A_104, %dot_general3A_110 {dimension_numbers = #tpu.dot_dimension_numbers<[1], [0], [0], [1], [0, 0, 1, 1], [], []>, transpose_lhs_hint = false} : vector<32x32xf32>, vector<32x2300xf32>, vector<32x2300xf32> -> vector<32x2300xf32>
    %add3A_112 = arith.addf %add3A_99, %dot_general3A_111 : vector<32x2300xf32>
    %get3A_113 = arith.constant 0 : index
    %get3A_114 = arith.constant 0 : index
    %get3A_115 = arith.constant 0 : index
    %get3A_116 = vector.load %arg3[%get3A_113, %get3A_114, %get3A_115] : memref<1x32x2400xf32, #tpu.memory_space<vmem>>, vector<1x32x2300xf32>
    %get3A_117 = vector.shape_cast %get3A_116 : vector<1x32x2300xf32> to vector<32x2300xf32>
    %get3A_118 = arith.constant 9 : index
    %get3A_119 = arith.constant 0 : index
    %get3A_120 = arith.constant 0 : index
    %get3A_121 = vector.load %arg1[%get3A_118, %get3A_119, %get3A_120] : memref<27x32x32xf32, #tpu.memory_space<vmem>>, vector<1x32x32xf32>
    %get3A_122 = vector.shape_cast %get3A_121 : vector<1x32x32xf32> to vector<32x32xf32>
    %dot_general3A_123 = arith.constant dense<0.000000e+00> : vector<32x2300xf32>
    %dot_general3A_124 = tpu.matmul %get3A_122, %get3A_117, %dot_general3A_123 {dimension_numbers = #tpu.dot_dimension_numbers<[1], [0], [0], [1], [0, 0, 1, 1], [], []>, transpose_lhs_hint = false} : vector<32x32xf32>, vector<32x2300xf32>, vector<32x2300xf32> -> vector<32x2300xf32>
    %add3A_125 = arith.addf %add3A_112, %dot_general3A_124 : vector<32x2300xf32>
    %get3A_126 = arith.constant 0 : index
    %get3A_127 = arith.constant 0 : index
    %get3A_128 = arith.constant 1 : index
    %get3A_129 = vector.load %arg3[%get3A_126, %get3A_127, %get3A_128] : memref<1x32x2400xf32, #tpu.memory_space<vmem>>, vector<1x32x2300xf32>
    %get3A_130 = vector.shape_cast %get3A_129 : vector<1x32x2300xf32> to vector<32x2300xf32>
    %get3A_131 = arith.constant 10 : index
    %get3A_132 = arith.constant 0 : index
    %get3A_133 = arith.constant 0 : index
    %get3A_134 = vector.load %arg1[%get3A_131, %get3A_132, %get3A_133] : memref<27x32x32xf32, #tpu.memory_space<vmem>>, vector<1x32x32xf32>
    %get3A_135 = vector.shape_cast %get3A_134 : vector<1x32x32xf32> to vector<32x32xf32>
    %dot_general3A_136 = arith.constant dense<0.000000e+00> : vector<32x2300xf32>
    %dot_general3A_137 = tpu.matmul %get3A_135, %get3A_130, %dot_general3A_136 {dimension_numbers = #tpu.dot_dimension_numbers<[1], [0], [0], [1], [0, 0, 1, 1], [], []>, transpose_lhs_hint = false} : vector<32x32xf32>, vector<32x2300xf32>, vector<32x2300xf32> -> vector<32x2300xf32>
    %add3A_138 = arith.addf %add3A_125, %dot_general3A_137 : vector<32x2300xf32>
    %get3A_139 = arith.constant 0 : index
    %get3A_140 = arith.constant 0 : index
    %get3A_141 = arith.constant 2 : index
    %get3A_142 = vector.load %arg3[%get3A_139, %get3A_140, %get3A_141] : memref<1x32x2400xf32, #tpu.memory_space<vmem>>, vector<1x32x2300xf32>
    %get3A_143 = vector.shape_cast %get3A_142 : vector<1x32x2300xf32> to vector<32x2300xf32>
    %get3A_144 = arith.constant 11 : index
    %get3A_145 = arith.constant 0 : index
    %get3A_146 = arith.constant 0 : index
    %get3A_147 = vector.load %arg1[%get3A_144, %get3A_145, %get3A_146] : memref<27x32x32xf32, #tpu.memory_space<vmem>>, vector<1x32x32xf32>
    %get3A_148 = vector.shape_cast %get3A_147 : vector<1x32x32xf32> to vector<32x32xf32>
    %dot_general3A_149 = arith.constant dense<0.000000e+00> : vector<32x2300xf32>
    %dot_general3A_150 = tpu.matmul %get3A_148, %get3A_143, %dot_general3A_149 {dimension_numbers = #tpu.dot_dimension_numbers<[1], [0], [0], [1], [0, 0, 1, 1], [], []>, transpose_lhs_hint = false} : vector<32x32xf32>, vector<32x2300xf32>, vector<32x2300xf32> -> vector<32x2300xf32>
    %add3A_151 = arith.addf %add3A_138, %dot_general3A_150 : vector<32x2300xf32>
    %get3A_152 = arith.constant 0 : index
    %get3A_153 = arith.constant 0 : index
    %get3A_154 = arith.constant 46 : index
    %get3A_155 = vector.load %arg3[%get3A_152, %get3A_153, %get3A_154] : memref<1x32x2400xf32, #tpu.memory_space<vmem>>, vector<1x32x2300xf32>
    %get3A_156 = vector.shape_cast %get3A_155 : vector<1x32x2300xf32> to vector<32x2300xf32>
    %get3A_157 = arith.constant 12 : index
    %get3A_158 = arith.constant 0 : index
    %get3A_159 = arith.constant 0 : index
    %get3A_160 = vector.load %arg1[%get3A_157, %get3A_158, %get3A_159] : memref<27x32x32xf32, #tpu.memory_space<vmem>>, vector<1x32x32xf32>
    %get3A_161 = vector.shape_cast %get3A_160 : vector<1x32x32xf32> to vector<32x32xf32>
    %dot_general3A_162 = arith.constant dense<0.000000e+00> : vector<32x2300xf32>
    %dot_general3A_163 = tpu.matmul %get3A_161, %get3A_156, %dot_general3A_162 {dimension_numbers = #tpu.dot_dimension_numbers<[1], [0], [0], [1], [0, 0, 1, 1], [], []>, transpose_lhs_hint = false} : vector<32x32xf32>, vector<32x2300xf32>, vector<32x2300xf32> -> vector<32x2300xf32>
    %add3A_164 = arith.addf %add3A_151, %dot_general3A_163 : vector<32x2300xf32>
    %get3A_165 = arith.constant 0 : index
    %get3A_166 = arith.constant 0 : index
    %get3A_167 = arith.constant 47 : index
    %get3A_168 = vector.load %arg3[%get3A_165, %get3A_166, %get3A_167] : memref<1x32x2400xf32, #tpu.memory_space<vmem>>, vector<1x32x2300xf32>
    %get3A_169 = vector.shape_cast %get3A_168 : vector<1x32x2300xf32> to vector<32x2300xf32>
    %get3A_170 = arith.constant 13 : index
    %get3A_171 = arith.constant 0 : index
    %get3A_172 = arith.constant 0 : index
    %get3A_173 = vector.load %arg1[%get3A_170, %get3A_171, %get3A_172] : memref<27x32x32xf32, #tpu.memory_space<vmem>>, vector<1x32x32xf32>
    %get3A_174 = vector.shape_cast %get3A_173 : vector<1x32x32xf32> to vector<32x32xf32>
    %dot_general3A_175 = arith.constant dense<0.000000e+00> : vector<32x2300xf32>
    %dot_general3A_176 = tpu.matmul %get3A_174, %get3A_169, %dot_general3A_175 {dimension_numbers = #tpu.dot_dimension_numbers<[1], [0], [0], [1], [0, 0, 1, 1], [], []>, transpose_lhs_hint = false} : vector<32x32xf32>, vector<32x2300xf32>, vector<32x2300xf32> -> vector<32x2300xf32>
    %add3A_177 = arith.addf %add3A_164, %dot_general3A_176 : vector<32x2300xf32>
    %get3A_178 = arith.constant 0 : index
    %get3A_179 = arith.constant 0 : index
    %get3A_180 = arith.constant 48 : index
    %get3A_181 = vector.load %arg3[%get3A_178, %get3A_179, %get3A_180] : memref<1x32x2400xf32, #tpu.memory_space<vmem>>, vector<1x32x2300xf32>
    %get3A_182 = vector.shape_cast %get3A_181 : vector<1x32x2300xf32> to vector<32x2300xf32>
    %get3A_183 = arith.constant 14 : index
    %get3A_184 = arith.constant 0 : index
    %get3A_185 = arith.constant 0 : index
    %get3A_186 = vector.load %arg1[%get3A_183, %get3A_184, %get3A_185] : memref<27x32x32xf32, #tpu.memory_space<vmem>>, vector<1x32x32xf32>
    %get3A_187 = vector.shape_cast %get3A_186 : vector<1x32x32xf32> to vector<32x32xf32>
    %dot_general3A_188 = arith.constant dense<0.000000e+00> : vector<32x2300xf32>
    %dot_general3A_189 = tpu.matmul %get3A_187, %get3A_182, %dot_general3A_188 {dimension_numbers = #tpu.dot_dimension_numbers<[1], [0], [0], [1], [0, 0, 1, 1], [], []>, transpose_lhs_hint = false} : vector<32x32xf32>, vector<32x2300xf32>, vector<32x2300xf32> -> vector<32x2300xf32>
    %add3A_190 = arith.addf %add3A_177, %dot_general3A_189 : vector<32x2300xf32>
    %get3A_191 = arith.constant 0 : index
    %get3A_192 = arith.constant 0 : index
    %get3A_193 = arith.constant 92 : index
    %get3A_194 = vector.load %arg3[%get3A_191, %get3A_192, %get3A_193] : memref<1x32x2400xf32, #tpu.memory_space<vmem>>, vector<1x32x2300xf32>
    %get3A_195 = vector.shape_cast %get3A_194 : vector<1x32x2300xf32> to vector<32x2300xf32>
    %get3A_196 = arith.constant 15 : index
    %get3A_197 = arith.constant 0 : index
    %get3A_198 = arith.constant 0 : index
    %get3A_199 = vector.load %arg1[%get3A_196, %get3A_197, %get3A_198] : memref<27x32x32xf32, #tpu.memory_space<vmem>>, vector<1x32x32xf32>
    %get3A_200 = vector.shape_cast %get3A_199 : vector<1x32x32xf32> to vector<32x32xf32>
    %dot_general3A_201 = arith.constant dense<0.000000e+00> : vector<32x2300xf32>
    %dot_general3A_202 = tpu.matmul %get3A_200, %get3A_195, %dot_general3A_201 {dimension_numbers = #tpu.dot_dimension_numbers<[1], [0], [0], [1], [0, 0, 1, 1], [], []>, transpose_lhs_hint = false} : vector<32x32xf32>, vector<32x2300xf32>, vector<32x2300xf32> -> vector<32x2300xf32>
    %add3A_203 = arith.addf %add3A_190, %dot_general3A_202 : vector<32x2300xf32>
    %get3A_204 = arith.constant 0 : index
    %get3A_205 = arith.constant 0 : index
    %get3A_206 = arith.constant 93 : index
    %get3A_207 = vector.load %arg3[%get3A_204, %get3A_205, %get3A_206] : memref<1x32x2400xf32, #tpu.memory_space<vmem>>, vector<1x32x2300xf32>
    %get3A_208 = vector.shape_cast %get3A_207 : vector<1x32x2300xf32> to vector<32x2300xf32>
    %get3A_209 = arith.constant 16 : index
    %get3A_210 = arith.constant 0 : index
    %get3A_211 = arith.constant 0 : index
    %get3A_212 = vector.load %arg1[%get3A_209, %get3A_210, %get3A_211] : memref<27x32x32xf32, #tpu.memory_space<vmem>>, vector<1x32x32xf32>
    %get3A_213 = vector.shape_cast %get3A_212 : vector<1x32x32xf32> to vector<32x32xf32>
    %dot_general3A_214 = arith.constant dense<0.000000e+00> : vector<32x2300xf32>
    %dot_general3A_215 = tpu.matmul %get3A_213, %get3A_208, %dot_general3A_214 {dimension_numbers = #tpu.dot_dimension_numbers<[1], [0], [0], [1], [0, 0, 1, 1], [], []>, transpose_lhs_hint = false} : vector<32x32xf32>, vector<32x2300xf32>, vector<32x2300xf32> -> vector<32x2300xf32>
    %add3A_216 = arith.addf %add3A_203, %dot_general3A_215 : vector<32x2300xf32>
    %get3A_217 = arith.constant 0 : index
    %get3A_218 = arith.constant 0 : index
    %get3A_219 = arith.constant 94 : index
    %get3A_220 = vector.load %arg3[%get3A_217, %get3A_218, %get3A_219] : memref<1x32x2400xf32, #tpu.memory_space<vmem>>, vector<1x32x2300xf32>
    %get3A_221 = vector.shape_cast %get3A_220 : vector<1x32x2300xf32> to vector<32x2300xf32>
    %get3A_222 = arith.constant 17 : index
    %get3A_223 = arith.constant 0 : index
    %get3A_224 = arith.constant 0 : index
    %get3A_225 = vector.load %arg1[%get3A_222, %get3A_223, %get3A_224] : memref<27x32x32xf32, #tpu.memory_space<vmem>>, vector<1x32x32xf32>
    %get3A_226 = vector.shape_cast %get3A_225 : vector<1x32x32xf32> to vector<32x32xf32>
    %dot_general3A_227 = arith.constant dense<0.000000e+00> : vector<32x2300xf32>
    %dot_general3A_228 = tpu.matmul %get3A_226, %get3A_221, %dot_general3A_227 {dimension_numbers = #tpu.dot_dimension_numbers<[1], [0], [0], [1], [0, 0, 1, 1], [], []>, transpose_lhs_hint = false} : vector<32x32xf32>, vector<32x2300xf32>, vector<32x2300xf32> -> vector<32x2300xf32>
    %add3A_229 = arith.addf %add3A_216, %dot_general3A_228 : vector<32x2300xf32>
    %get3A_230 = arith.constant 0 : index
    %get3A_231 = arith.constant 0 : index
    %get3A_232 = arith.constant 0 : index
    %get3A_233 = vector.load %arg4[%get3A_230, %get3A_231, %get3A_232] : memref<1x32x2400xf32, #tpu.memory_space<vmem>>, vector<1x32x2300xf32>
    %get3A_234 = vector.shape_cast %get3A_233 : vector<1x32x2300xf32> to vector<32x2300xf32>
    %get3A_235 = arith.constant 18 : index
    %get3A_236 = arith.constant 0 : index
    %get3A_237 = arith.constant 0 : index
    %get3A_238 = vector.load %arg1[%get3A_235, %get3A_236, %get3A_237] : memref<27x32x32xf32, #tpu.memory_space<vmem>>, vector<1x32x32xf32>
    %get3A_239 = vector.shape_cast %get3A_238 : vector<1x32x32xf32> to vector<32x32xf32>
    %dot_general3A_240 = arith.constant dense<0.000000e+00> : vector<32x2300xf32>
    %dot_general3A_241 = tpu.matmul %get3A_239, %get3A_234, %dot_general3A_240 {dimension_numbers = #tpu.dot_dimension_numbers<[1], [0], [0], [1], [0, 0, 1, 1], [], []>, transpose_lhs_hint = false} : vector<32x32xf32>, vector<32x2300xf32>, vector<32x2300xf32> -> vector<32x2300xf32>
    %add3A_242 = arith.addf %add3A_229, %dot_general3A_241 : vector<32x2300xf32>
    %get3A_243 = arith.constant 0 : index
    %get3A_244 = arith.constant 0 : index
    %get3A_245 = arith.constant 1 : index
    %get3A_246 = vector.load %arg4[%get3A_243, %get3A_244, %get3A_245] : memref<1x32x2400xf32, #tpu.memory_space<vmem>>, vector<1x32x2300xf32>
    %get3A_247 = vector.shape_cast %get3A_246 : vector<1x32x2300xf32> to vector<32x2300xf32>
    %get3A_248 = arith.constant 19 : index
    %get3A_249 = arith.constant 0 : index
    %get3A_250 = arith.constant 0 : index
    %get3A_251 = vector.load %arg1[%get3A_248, %get3A_249, %get3A_250] : memref<27x32x32xf32, #tpu.memory_space<vmem>>, vector<1x32x32xf32>
    %get3A_252 = vector.shape_cast %get3A_251 : vector<1x32x32xf32> to vector<32x32xf32>
    %dot_general3A_253 = arith.constant dense<0.000000e+00> : vector<32x2300xf32>
    %dot_general3A_254 = tpu.matmul %get3A_252, %get3A_247, %dot_general3A_253 {dimension_numbers = #tpu.dot_dimension_numbers<[1], [0], [0], [1], [0, 0, 1, 1], [], []>, transpose_lhs_hint = false} : vector<32x32xf32>, vector<32x2300xf32>, vector<32x2300xf32> -> vector<32x2300xf32>
    %add3A_255 = arith.addf %add3A_242, %dot_general3A_254 : vector<32x2300xf32>
    %get3A_256 = arith.constant 0 : index
    %get3A_257 = arith.constant 0 : index
    %get3A_258 = arith.constant 2 : index
    %get3A_259 = vector.load %arg4[%get3A_256, %get3A_257, %get3A_258] : memref<1x32x2400xf32, #tpu.memory_space<vmem>>, vector<1x32x2300xf32>
    %get3A_260 = vector.shape_cast %get3A_259 : vector<1x32x2300xf32> to vector<32x2300xf32>
    %get3A_261 = arith.constant 20 : index
    %get3A_262 = arith.constant 0 : index
    %get3A_263 = arith.constant 0 : index
    %get3A_264 = vector.load %arg1[%get3A_261, %get3A_262, %get3A_263] : memref<27x32x32xf32, #tpu.memory_space<vmem>>, vector<1x32x32xf32>
    %get3A_265 = vector.shape_cast %get3A_264 : vector<1x32x32xf32> to vector<32x32xf32>
    %dot_general3A_266 = arith.constant dense<0.000000e+00> : vector<32x2300xf32>
    %dot_general3A_267 = tpu.matmul %get3A_265, %get3A_260, %dot_general3A_266 {dimension_numbers = #tpu.dot_dimension_numbers<[1], [0], [0], [1], [0, 0, 1, 1], [], []>, transpose_lhs_hint = false} : vector<32x32xf32>, vector<32x2300xf32>, vector<32x2300xf32> -> vector<32x2300xf32>
    %add3A_268 = arith.addf %add3A_255, %dot_general3A_267 : vector<32x2300xf32>
    %get3A_269 = arith.constant 0 : index
    %get3A_270 = arith.constant 0 : index
    %get3A_271 = arith.constant 46 : index
    %get3A_272 = vector.load %arg4[%get3A_269, %get3A_270, %get3A_271] : memref<1x32x2400xf32, #tpu.memory_space<vmem>>, vector<1x32x2300xf32>
    %get3A_273 = vector.shape_cast %get3A_272 : vector<1x32x2300xf32> to vector<32x2300xf32>
    %get3A_274 = arith.constant 21 : index
    %get3A_275 = arith.constant 0 : index
    %get3A_276 = arith.constant 0 : index
    %get3A_277 = vector.load %arg1[%get3A_274, %get3A_275, %get3A_276] : memref<27x32x32xf32, #tpu.memory_space<vmem>>, vector<1x32x32xf32>
    %get3A_278 = vector.shape_cast %get3A_277 : vector<1x32x32xf32> to vector<32x32xf32>
    %dot_general3A_279 = arith.constant dense<0.000000e+00> : vector<32x2300xf32>
    %dot_general3A_280 = tpu.matmul %get3A_278, %get3A_273, %dot_general3A_279 {dimension_numbers = #tpu.dot_dimension_numbers<[1], [0], [0], [1], [0, 0, 1, 1], [], []>, transpose_lhs_hint = false} : vector<32x32xf32>, vector<32x2300xf32>, vector<32x2300xf32> -> vector<32x2300xf32>
    %add3A_281 = arith.addf %add3A_268, %dot_general3A_280 : vector<32x2300xf32>
    %get3A_282 = arith.constant 0 : index
    %get3A_283 = arith.constant 0 : index
    %get3A_284 = arith.constant 47 : index
    %get3A_285 = vector.load %arg4[%get3A_282, %get3A_283, %get3A_284] : memref<1x32x2400xf32, #tpu.memory_space<vmem>>, vector<1x32x2300xf32>
    %get3A_286 = vector.shape_cast %get3A_285 : vector<1x32x2300xf32> to vector<32x2300xf32>
    %get3A_287 = arith.constant 22 : index
    %get3A_288 = arith.constant 0 : index
    %get3A_289 = arith.constant 0 : index
    %get3A_290 = vector.load %arg1[%get3A_287, %get3A_288, %get3A_289] : memref<27x32x32xf32, #tpu.memory_space<vmem>>, vector<1x32x32xf32>
    %get3A_291 = vector.shape_cast %get3A_290 : vector<1x32x32xf32> to vector<32x32xf32>
    %dot_general3A_292 = arith.constant dense<0.000000e+00> : vector<32x2300xf32>
    %dot_general3A_293 = tpu.matmul %get3A_291, %get3A_286, %dot_general3A_292 {dimension_numbers = #tpu.dot_dimension_numbers<[1], [0], [0], [1], [0, 0, 1, 1], [], []>, transpose_lhs_hint = false} : vector<32x32xf32>, vector<32x2300xf32>, vector<32x2300xf32> -> vector<32x2300xf32>
    %add3A_294 = arith.addf %add3A_281, %dot_general3A_293 : vector<32x2300xf32>
    %get3A_295 = arith.constant 0 : index
    %get3A_296 = arith.constant 0 : index
    %get3A_297 = arith.constant 48 : index
    %get3A_298 = vector.load %arg4[%get3A_295, %get3A_296, %get3A_297] : memref<1x32x2400xf32, #tpu.memory_space<vmem>>, vector<1x32x2300xf32>
    %get3A_299 = vector.shape_cast %get3A_298 : vector<1x32x2300xf32> to vector<32x2300xf32>
    %get3A_300 = arith.constant 23 : index
    %get3A_301 = arith.constant 0 : index
    %get3A_302 = arith.constant 0 : index
    %get3A_303 = vector.load %arg1[%get3A_300, %get3A_301, %get3A_302] : memref<27x32x32xf32, #tpu.memory_space<vmem>>, vector<1x32x32xf32>
    %get3A_304 = vector.shape_cast %get3A_303 : vector<1x32x32xf32> to vector<32x32xf32>
    %dot_general3A_305 = arith.constant dense<0.000000e+00> : vector<32x2300xf32>
    %dot_general3A_306 = tpu.matmul %get3A_304, %get3A_299, %dot_general3A_305 {dimension_numbers = #tpu.dot_dimension_numbers<[1], [0], [0], [1], [0, 0, 1, 1], [], []>, transpose_lhs_hint = false} : vector<32x32xf32>, vector<32x2300xf32>, vector<32x2300xf32> -> vector<32x2300xf32>
    %add3A_307 = arith.addf %add3A_294, %dot_general3A_306 : vector<32x2300xf32>
    %get3A_308 = arith.constant 0 : index
    %get3A_309 = arith.constant 0 : index
    %get3A_310 = arith.constant 92 : index
    %get3A_311 = vector.load %arg4[%get3A_308, %get3A_309, %get3A_310] : memref<1x32x2400xf32, #tpu.memory_space<vmem>>, vector<1x32x2300xf32>
    %get3A_312 = vector.shape_cast %get3A_311 : vector<1x32x2300xf32> to vector<32x2300xf32>
    %get3A_313 = arith.constant 24 : index
    %get3A_314 = arith.constant 0 : index
    %get3A_315 = arith.constant 0 : index
    %get3A_316 = vector.load %arg1[%get3A_313, %get3A_314, %get3A_315] : memref<27x32x32xf32, #tpu.memory_space<vmem>>, vector<1x32x32xf32>
    %get3A_317 = vector.shape_cast %get3A_316 : vector<1x32x32xf32> to vector<32x32xf32>
    %dot_general3A_318 = arith.constant dense<0.000000e+00> : vector<32x2300xf32>
    %dot_general3A_319 = tpu.matmul %get3A_317, %get3A_312, %dot_general3A_318 {dimension_numbers = #tpu.dot_dimension_numbers<[1], [0], [0], [1], [0, 0, 1, 1], [], []>, transpose_lhs_hint = false} : vector<32x32xf32>, vector<32x2300xf32>, vector<32x2300xf32> -> vector<32x2300xf32>
    %add3A_320 = arith.addf %add3A_307, %dot_general3A_319 : vector<32x2300xf32>
    %get3A_321 = arith.constant 0 : index
    %get3A_322 = arith.constant 0 : index
    %get3A_323 = arith.constant 93 : index
    %get3A_324 = vector.load %arg4[%get3A_321, %get3A_322, %get3A_323] : memref<1x32x2400xf32, #tpu.memory_space<vmem>>, vector<1x32x2300xf32>
    %get3A_325 = vector.shape_cast %get3A_324 : vector<1x32x2300xf32> to vector<32x2300xf32>
    %get3A_326 = arith.constant 25 : index
    %get3A_327 = arith.constant 0 : index
    %get3A_328 = arith.constant 0 : index
    %get3A_329 = vector.load %arg1[%get3A_326, %get3A_327, %get3A_328] : memref<27x32x32xf32, #tpu.memory_space<vmem>>, vector<1x32x32xf32>
    %get3A_330 = vector.shape_cast %get3A_329 : vector<1x32x32xf32> to vector<32x32xf32>
    %dot_general3A_331 = arith.constant dense<0.000000e+00> : vector<32x2300xf32>
    %dot_general3A_332 = tpu.matmul %get3A_330, %get3A_325, %dot_general3A_331 {dimension_numbers = #tpu.dot_dimension_numbers<[1], [0], [0], [1], [0, 0, 1, 1], [], []>, transpose_lhs_hint = false} : vector<32x32xf32>, vector<32x2300xf32>, vector<32x2300xf32> -> vector<32x2300xf32>
    %add3A_333 = arith.addf %add3A_320, %dot_general3A_332 : vector<32x2300xf32>
    %get3A_334 = arith.constant 0 : index
    %get3A_335 = arith.constant 0 : index
    %get3A_336 = arith.constant 94 : index
    %get3A_337 = vector.load %arg4[%get3A_334, %get3A_335, %get3A_336] : memref<1x32x2400xf32, #tpu.memory_space<vmem>>, vector<1x32x2300xf32>
    %get3A_338 = vector.shape_cast %get3A_337 : vector<1x32x2300xf32> to vector<32x2300xf32>
    %get3A_339 = arith.constant 26 : index
    %get3A_340 = arith.constant 0 : index
    %get3A_341 = arith.constant 0 : index
    %get3A_342 = vector.load %arg1[%get3A_339, %get3A_340, %get3A_341] : memref<27x32x32xf32, #tpu.memory_space<vmem>>, vector<1x32x32xf32>
    %get3A_343 = vector.shape_cast %get3A_342 : vector<1x32x32xf32> to vector<32x32xf32>
    %dot_general3A_344 = arith.constant dense<0.000000e+00> : vector<32x2300xf32>
    %dot_general3A_345 = tpu.matmul %get3A_343, %get3A_338, %dot_general3A_344 {dimension_numbers = #tpu.dot_dimension_numbers<[1], [0], [0], [1], [0, 0, 1, 1], [], []>, transpose_lhs_hint = false} : vector<32x32xf32>, vector<32x2300xf32>, vector<32x2300xf32> -> vector<32x2300xf32>
    %add3A_346 = arith.addf %add3A_333, %dot_general3A_345 : vector<32x2300xf32>
    %swap3A = arith.constant 0 : index
    %swap3A_347 = arith.constant 0 : index
    %swap3A_348 = arith.constant 0 : index
    %swap3A_349 = vector.load %arg5[%swap3A, %swap3A_347, %swap3A_348] : memref<1x32x2300xf32, #tpu.memory_space<vmem>>, vector<1x32x2300xf32>
    %swap3A_350 = vector.shape_cast %swap3A_349 : vector<1x32x2300xf32> to vector<32x2300xf32>
    %swap3A_351 = vector.shape_cast %add3A_346 : vector<32x2300xf32> to vector<1x32x2300xf32>
    tpu.vector_store %arg5[%swap3A, %swap3A_347, %swap3A_348], %swap3A_351 {strides = array<i32>} : memref<1x32x2300xf32, #tpu.memory_space<vmem>>, vector<1x32x2300xf32>,
    %reshape3A = vector.shape_cast %add3A_346 : vector<32x2300xf32> to vector<32x50x46xf32>
    %iota3A = tpu.iota {dimensions = array<i32: 2>} : vector<1x1x46xi32>
    %lt3A = arith.constant 44 : i32
    %lt3A_352 = vector.broadcast %lt3A : i32 to vector<1x1x46xi32>
    %lt3A_353 = arith.cmpi slt, %iota3A, %lt3A_352 : vector<1x1x46xi32>
    %jit3A = arith.constant 0.000000e+00 : f32
    %broadcast_in_dim3A = vector.shape_cast %lt3A_353 : vector<1x1x46xi1> to vector<1x1x46xi1>
    %broadcast_in_dim3A_354 = vector.broadcast %broadcast_in_dim3A : vector<1x1x46xi1> to vector<32x50x46xi1>
    %broadcast_in_dim3A_355 = vector.broadcast %jit3A : f32 to vector<32x50x46xf32>
    %select_n3A = arith.select %broadcast_in_dim3A_354, %reshape3A, %broadcast_in_dim3A_355 : vector<32x50x46xi1>, vector<32x50x46xf32>
    %reduce_sum3A = arith.constant dense<0.000000e+00> : vector<32x50xf32>
    %reduce_sum3A_356 = vector.multi_reduction <add>, %select_n3A, %reduce_sum3A [2] : vector<32x50x46xf32> to vector<32x50xf32>
    %reduce_sum3A_357 = arith.constant dense<0.000000e+00> : vector<32xf32>
    %reduce_sum3A_358 = vector.multi_reduction <add>, %reduce_sum3A_356, %reduce_sum3A_357 [1] : vector<32x50xf32> to vector<32xf32>
    %swap3A_359 = arith.constant 0 : index
    %swap3A_360 = arith.constant 0 : index
    %swap3A_361 = arith.constant 0 : index
    %swap3A_362 = vector.load %arg6[%swap3A_359, %swap3A_360, %swap3A_361] : memref<1x2x32xf32, #tpu.memory_space<vmem>>, vector<1x1x32xf32>
    %swap3A_363 = vector.shape_cast %swap3A_362 : vector<1x1x32xf32> to vector<32xf32>
    %swap3A_364 = vector.shape_cast %reduce_sum3A_358 : vector<32xf32> to vector<1x1x32xf32>
    tpu.vector_store %arg6[%swap3A_359, %swap3A_360, %swap3A_361], %swap3A_364 {strides = array<i32>} : memref<1x2x32xf32, #tpu.memory_space<vmem>>, vector<1x1x32xf32>,
    %mul3A = arith.mulf %select_n3A, %select_n3A : vector<32x50x46xf32>
    %reduce_sum3A_365 = arith.constant dense<0.000000e+00> : vector<32x50xf32>
    %reduce_sum3A_366 = vector.multi_reduction <add>, %mul3A, %reduce_sum3A_365 [2] : vector<32x50x46xf32> to vector<32x50xf32>
    %reduce_sum3A_367 = arith.constant dense<0.000000e+00> : vector<32xf32>
    %reduce_sum3A_368 = vector.multi_reduction <add>, %reduce_sum3A_366, %reduce_sum3A_367 [1] : vector<32x50xf32> to vector<32xf32>
    %swap3A_369 = arith.constant 0 : index
    %swap3A_370 = arith.constant 1 : index
    %swap3A_371 = arith.constant 0 : index
    %swap3A_372 = vector.load %arg6[%swap3A_369, %swap3A_370, %swap3A_371] : memref<1x2x32xf32, #tpu.memory_space<vmem>>, vector<1x1x32xf32>
    %swap3A_373 = vector.shape_cast %swap3A_372 : vector<1x1x32xf32> to vector<32xf32>
    %swap3A_374 = vector.shape_cast %reduce_sum3A_368 : vector<32xf32> to vector<1x1x32xf32>
    tpu.vector_store %arg6[%swap3A_369, %swap3A_370, %swap3A_371], %swap3A_374 {strides = array<i32>} : memref<1x2x32xf32, #tpu.memory_space<vmem>>, vector<1x1x32xf32>,
    return
  }
  func.func @transform_0(%arg0: i32) -> (i32, i32, i32) {
    %c0_i32 = arith.constant 0 : i32
    %c0_i32_0 = arith.constant 0 : i32
    %c0_i32_1 = arith.constant 0 : i32
    %c0_i32_2 = arith.constant 0 : i32
    return %c0_i32, %c0_i32_0, %c0_i32_1 : i32, i32, i32
  }
  func.func @transform_1(%arg0: i32) -> (i32, i32, i32) {
    %add3A = arith.constant 0 : i32
    %add3A_0 = arith.addi %arg0, %add3A : i32
    %c0_i32 = arith.constant 0 : i32
    %c0_i32_1 = arith.constant 0 : i32
    %c0_i32_2 = arith.constant 0 : i32
    return %add3A_0, %c0_i32, %c0_i32_1 : i32, i32, i32
  }
  func.func @transform_2(%arg0: i32) -> (i32, i32, i32) {
    %add3A = arith.constant 1 : i32
    %add3A_0 = arith.addi %arg0, %add3A : i32
    %c0_i32 = arith.constant 0 : i32
    %c0_i32_1 = arith.constant 0 : i32
    %c0_i32_2 = arith.constant 0 : i32
    return %add3A_0, %c0_i32, %c0_i32_1 : i32, i32, i32
  }
  func.func @transform_3(%arg0: i32) -> (i32, i32, i32) {
    %add3A = arith.constant 2 : i32
    %add3A_0 = arith.addi %arg0, %add3A : i32
    %c0_i32 = arith.constant 0 : i32
    %c0_i32_1 = arith.constant 0 : i32
    %c0_i32_2 = arith.constant 0 : i32
    return %add3A_0, %c0_i32, %c0_i32_1 : i32, i32, i32
  }
  func.func @transform_4(%arg0: i32) -> (i32, i32, i32) {
    %c0_i32 = arith.constant 0 : i32
    %c0_i32_0 = arith.constant 0 : i32
    %c0_i32_1 = arith.constant 0 : i32
    return %arg0, %c0_i32, %c0_i32_0 : i32, i32, i32
  }
  func.func @transform_5(%arg0: i32) -> (i32, i32, i32) {
    %c0_i32 = arith.constant 0 : i32
    %c0_i32_0 = arith.constant 0 : i32
    %c0_i32_1 = arith.constant 0 : i32
    return %arg0, %c0_i32, %c0_i32_0 : i32, i32, i32
  }
}

module attributes {stable_mosaic.version = 14 : i64} {
  func.func @_affine_body(%arg0: i32, %arg1: memref<1x32x2200xf32, #tpu.memory_space<vmem>>, %arg2: memref<32x1xf32, #tpu.memory_space<vmem>>, %arg3: memref<32x1xf32, #tpu.memory_space<vmem>>, %arg4: memref<1x32x2200xf32, #tpu.memory_space<vmem>>, %arg5: memref<1x32x2200xf32, #tpu.memory_space<vmem>>) attributes {dimension_semantics = [#tpu.dimension_semantics<arbitrary>], iteration_bounds = array<i64: 6>, scalar_prefetch = 0 : i64, scratch_operands = 0 : i64, tpu.core_type = #tpu.core_type<tc>, window_params = [{transform_indices = @transform_0, window_bounds = array<i64: 1, 32, 2200>}, {pipeline_mode = #tpu.pipeline_mode<synchronous>, transform_indices = @transform_1, window_bounds = array<i64: 32, 1>}, {pipeline_mode = #tpu.pipeline_mode<synchronous>, transform_indices = @transform_2, window_bounds = array<i64: 32, 1>}, {transform_indices = @transform_3, window_bounds = array<i64: 1, 32, 2200>}, {transform_indices = @transform_4, window_bounds = array<i64: 1, 32, 2200>}]} {
    %get3A = arith.constant 0 : index
    %get3A_0 = arith.constant 0 : index
    %get3A_1 = arith.constant 0 : index
    %get3A_2 = vector.load %arg1[%get3A, %get3A_0, %get3A_1] : memref<1x32x2200xf32, #tpu.memory_space<vmem>>, vector<1x32x2200xf32>
    %get3A_3 = arith.constant 0 : index
    %get3A_4 = arith.constant 0 : index
    %get3A_5 = vector.load %arg2[%get3A_3, %get3A_4] : memref<32x1xf32, #tpu.memory_space<vmem>>, vector<32x1xf32>
    %broadcast_in_dim3A = vector.shape_cast %get3A_5 : vector<32x1xf32> to vector<1x32x1xf32>
    %mul3A = vector.broadcast %broadcast_in_dim3A : vector<1x32x1xf32> to vector<1x32x2200xf32>
    %mul3A_6 = arith.mulf %get3A_2, %mul3A : vector<1x32x2200xf32>
    %get3A_7 = arith.constant 0 : index
    %get3A_8 = arith.constant 0 : index
    %get3A_9 = vector.load %arg3[%get3A_7, %get3A_8] : memref<32x1xf32, #tpu.memory_space<vmem>>, vector<32x1xf32>
    %broadcast_in_dim3A_10 = vector.shape_cast %get3A_9 : vector<32x1xf32> to vector<1x32x1xf32>
    %add3A = vector.broadcast %broadcast_in_dim3A_10 : vector<1x32x1xf32> to vector<1x32x2200xf32>
    %add3A_11 = arith.addf %mul3A_6, %add3A : vector<1x32x2200xf32>
    %get3A_12 = arith.constant 0 : index
    %get3A_13 = arith.constant 0 : index
    %get3A_14 = arith.constant 0 : index
    %get3A_15 = vector.load %arg4[%get3A_12, %get3A_13, %get3A_14] : memref<1x32x2200xf32, #tpu.memory_space<vmem>>, vector<1x32x2200xf32>
    %add3A_16 = arith.addf %add3A_11, %get3A_15 : vector<1x32x2200xf32>
    %max3A = arith.constant 0.000000e+00 : f32
    %max3A_17 = vector.broadcast %max3A : f32 to vector<1x32x2200xf32>
    %max3A_18 = arith.maximumf %add3A_16, %max3A_17 : vector<1x32x2200xf32>
    %swap3A = arith.constant 0 : index
    %swap3A_19 = arith.constant 0 : index
    %swap3A_20 = arith.constant 0 : index
    %swap3A_21 = vector.load %arg5[%swap3A, %swap3A_19, %swap3A_20] : memref<1x32x2200xf32, #tpu.memory_space<vmem>>, vector<1x32x2200xf32>
    tpu.vector_store %arg5[%swap3A, %swap3A_19, %swap3A_20], %max3A_18 {strides = array<i32>} : memref<1x32x2200xf32, #tpu.memory_space<vmem>>, vector<1x32x2200xf32>,
    return
  }
  func.func @transform_0(%arg0: i32) -> (i32, i32, i32) {
    %c0_i32 = arith.constant 0 : i32
    %c0_i32_0 = arith.constant 0 : i32
    %c0_i32_1 = arith.constant 0 : i32
    return %arg0, %c0_i32, %c0_i32_0 : i32, i32, i32
  }
  func.func @transform_1(%arg0: i32) -> (i32, i32) {
    %c0_i32 = arith.constant 0 : i32
    %c0_i32_0 = arith.constant 0 : i32
    %c0_i32_1 = arith.constant 0 : i32
    return %c0_i32, %c0_i32_0 : i32, i32
  }
  func.func @transform_2(%arg0: i32) -> (i32, i32) {
    %c0_i32 = arith.constant 0 : i32
    %c0_i32_0 = arith.constant 0 : i32
    %c0_i32_1 = arith.constant 0 : i32
    return %c0_i32, %c0_i32_0 : i32, i32
  }
  func.func @transform_3(%arg0: i32) -> (i32, i32, i32) {
    %c0_i32 = arith.constant 0 : i32
    %c0_i32_0 = arith.constant 0 : i32
    %c0_i32_1 = arith.constant 0 : i32
    return %arg0, %c0_i32, %c0_i32_0 : i32, i32, i32
  }
  func.func @transform_4(%arg0: i32) -> (i32, i32, i32) {
    %c0_i32 = arith.constant 0 : i32
    %c0_i32_0 = arith.constant 0 : i32
    %c0_i32_1 = arith.constant 0 : i32
    return %arg0, %c0_i32, %c0_i32_0 : i32, i32, i32
  }
}

module attributes {stable_mosaic.version = 14 : i64} {
  func.func @_conv_body(%arg0: i32, %arg1: memref<27x64x32xf32, #tpu.memory_space<vmem>>, %arg2: memref<1x256x606xf32, #tpu.memory_space<vmem>>, %arg3: memref<1x256x606xf32, #tpu.memory_space<vmem>>, %arg4: memref<1x64x575xf32, #tpu.memory_space<vmem>>, %arg5: memref<1x2x64xf32, #tpu.memory_space<vmem>>) attributes {dimension_semantics = [#tpu.dimension_semantics<arbitrary>], iteration_bounds = array<i64: 3>, scalar_prefetch = 0 : i64, scratch_operands = 0 : i64, tpu.core_type = #tpu.core_type<tc>, window_params = [{pipeline_mode = #tpu.pipeline_mode<synchronous>, transform_indices = @transform_0, window_bounds = array<i64: 27, 64, 32>}, {transform_indices = @transform_1, window_bounds = array<i64: 1, 256, 606>}, {transform_indices = @transform_2, window_bounds = array<i64: 1, 256, 606>}, {transform_indices = @transform_3, window_bounds = array<i64: 1, 64, 575>}, {transform_indices = @transform_4, window_bounds = array<i64: 1, 2, 64>}]} {
    %get3A = arith.constant 0 : index
    %get3A_0 = arith.constant 0 : index
    %get3A_1 = arith.constant 0 : index
    %get3A_2 = vector.load %arg2[%get3A, %get3A_0, %get3A_1] : memref<1x256x606xf32, #tpu.memory_space<vmem>>, vector<1x32x575xf32>
    %get3A_3 = vector.shape_cast %get3A_2 : vector<1x32x575xf32> to vector<32x575xf32>
    %get3A_4 = arith.constant 0 : index
    %get3A_5 = arith.constant 0 : index
    %get3A_6 = arith.constant 0 : index
    %get3A_7 = vector.load %arg1[%get3A_4, %get3A_5, %get3A_6] : memref<27x64x32xf32, #tpu.memory_space<vmem>>, vector<1x64x32xf32>
    %get3A_8 = vector.shape_cast %get3A_7 : vector<1x64x32xf32> to vector<64x32xf32>
    %dot_general3A = arith.constant dense<0.000000e+00> : vector<64x575xf32>
    %dot_general3A_9 = tpu.matmul %get3A_8, %get3A_3, %dot_general3A {dimension_numbers = #tpu.dot_dimension_numbers<[1], [0], [0], [1], [0, 0, 1, 1], [], []>, transpose_lhs_hint = false} : vector<64x32xf32>, vector<32x575xf32>, vector<64x575xf32> -> vector<64x575xf32>
    %get3A_10 = arith.constant 0 : index
    %get3A_11 = arith.constant 32 : index
    %get3A_12 = arith.constant 0 : index
    %get3A_13 = vector.load %arg2[%get3A_10, %get3A_11, %get3A_12] : memref<1x256x606xf32, #tpu.memory_space<vmem>>, vector<1x32x575xf32>
    %get3A_14 = vector.shape_cast %get3A_13 : vector<1x32x575xf32> to vector<32x575xf32>
    %get3A_15 = arith.constant 1 : index
    %get3A_16 = arith.constant 0 : index
    %get3A_17 = arith.constant 0 : index
    %get3A_18 = vector.load %arg1[%get3A_15, %get3A_16, %get3A_17] : memref<27x64x32xf32, #tpu.memory_space<vmem>>, vector<1x64x32xf32>
    %get3A_19 = vector.shape_cast %get3A_18 : vector<1x64x32xf32> to vector<64x32xf32>
    %dot_general3A_20 = arith.constant dense<0.000000e+00> : vector<64x575xf32>
    %dot_general3A_21 = tpu.matmul %get3A_19, %get3A_14, %dot_general3A_20 {dimension_numbers = #tpu.dot_dimension_numbers<[1], [0], [0], [1], [0, 0, 1, 1], [], []>, transpose_lhs_hint = false} : vector<64x32xf32>, vector<32x575xf32>, vector<64x575xf32> -> vector<64x575xf32>
    %add3A = arith.addf %dot_general3A_9, %dot_general3A_21 : vector<64x575xf32>
    %get3A_22 = arith.constant 0 : index
    %get3A_23 = arith.constant 0 : index
    %get3A_24 = arith.constant 1 : index
    %get3A_25 = vector.load %arg2[%get3A_22, %get3A_23, %get3A_24] : memref<1x256x606xf32, #tpu.memory_space<vmem>>, vector<1x32x575xf32>
    %get3A_26 = vector.shape_cast %get3A_25 : vector<1x32x575xf32> to vector<32x575xf32>
    %get3A_27 = arith.constant 2 : index
    %get3A_28 = arith.constant 0 : index
    %get3A_29 = arith.constant 0 : index
    %get3A_30 = vector.load %arg1[%get3A_27, %get3A_28, %get3A_29] : memref<27x64x32xf32, #tpu.memory_space<vmem>>, vector<1x64x32xf32>
    %get3A_31 = vector.shape_cast %get3A_30 : vector<1x64x32xf32> to vector<64x32xf32>
    %dot_general3A_32 = arith.constant dense<0.000000e+00> : vector<64x575xf32>
    %dot_general3A_33 = tpu.matmul %get3A_31, %get3A_26, %dot_general3A_32 {dimension_numbers = #tpu.dot_dimension_numbers<[1], [0], [0], [1], [0, 0, 1, 1], [], []>, transpose_lhs_hint = false} : vector<64x32xf32>, vector<32x575xf32>, vector<64x575xf32> -> vector<64x575xf32>
    %add3A_34 = arith.addf %add3A, %dot_general3A_33 : vector<64x575xf32>
    %get3A_35 = arith.constant 0 : index
    %get3A_36 = arith.constant 64 : index
    %get3A_37 = arith.constant 0 : index
    %get3A_38 = vector.load %arg2[%get3A_35, %get3A_36, %get3A_37] : memref<1x256x606xf32, #tpu.memory_space<vmem>>, vector<1x32x575xf32>
    %get3A_39 = vector.shape_cast %get3A_38 : vector<1x32x575xf32> to vector<32x575xf32>
    %get3A_40 = arith.constant 3 : index
    %get3A_41 = arith.constant 0 : index
    %get3A_42 = arith.constant 0 : index
    %get3A_43 = vector.load %arg1[%get3A_40, %get3A_41, %get3A_42] : memref<27x64x32xf32, #tpu.memory_space<vmem>>, vector<1x64x32xf32>
    %get3A_44 = vector.shape_cast %get3A_43 : vector<1x64x32xf32> to vector<64x32xf32>
    %dot_general3A_45 = arith.constant dense<0.000000e+00> : vector<64x575xf32>
    %dot_general3A_46 = tpu.matmul %get3A_44, %get3A_39, %dot_general3A_45 {dimension_numbers = #tpu.dot_dimension_numbers<[1], [0], [0], [1], [0, 0, 1, 1], [], []>, transpose_lhs_hint = false} : vector<64x32xf32>, vector<32x575xf32>, vector<64x575xf32> -> vector<64x575xf32>
    %add3A_47 = arith.addf %add3A_34, %dot_general3A_46 : vector<64x575xf32>
    %get3A_48 = arith.constant 0 : index
    %get3A_49 = arith.constant 96 : index
    %get3A_50 = arith.constant 0 : index
    %get3A_51 = vector.load %arg2[%get3A_48, %get3A_49, %get3A_50] : memref<1x256x606xf32, #tpu.memory_space<vmem>>, vector<1x32x575xf32>
    %get3A_52 = vector.shape_cast %get3A_51 : vector<1x32x575xf32> to vector<32x575xf32>
    %get3A_53 = arith.constant 4 : index
    %get3A_54 = arith.constant 0 : index
    %get3A_55 = arith.constant 0 : index
    %get3A_56 = vector.load %arg1[%get3A_53, %get3A_54, %get3A_55] : memref<27x64x32xf32, #tpu.memory_space<vmem>>, vector<1x64x32xf32>
    %get3A_57 = vector.shape_cast %get3A_56 : vector<1x64x32xf32> to vector<64x32xf32>
    %dot_general3A_58 = arith.constant dense<0.000000e+00> : vector<64x575xf32>
    %dot_general3A_59 = tpu.matmul %get3A_57, %get3A_52, %dot_general3A_58 {dimension_numbers = #tpu.dot_dimension_numbers<[1], [0], [0], [1], [0, 0, 1, 1], [], []>, transpose_lhs_hint = false} : vector<64x32xf32>, vector<32x575xf32>, vector<64x575xf32> -> vector<64x575xf32>
    %add3A_60 = arith.addf %add3A_47, %dot_general3A_59 : vector<64x575xf32>
    %get3A_61 = arith.constant 0 : index
    %get3A_62 = arith.constant 64 : index
    %get3A_63 = arith.constant 1 : index
    %get3A_64 = vector.load %arg2[%get3A_61, %get3A_62, %get3A_63] : memref<1x256x606xf32, #tpu.memory_space<vmem>>, vector<1x32x575xf32>
    %get3A_65 = vector.shape_cast %get3A_64 : vector<1x32x575xf32> to vector<32x575xf32>
    %get3A_66 = arith.constant 5 : index
    %get3A_67 = arith.constant 0 : index
    %get3A_68 = arith.constant 0 : index
    %get3A_69 = vector.load %arg1[%get3A_66, %get3A_67, %get3A_68] : memref<27x64x32xf32, #tpu.memory_space<vmem>>, vector<1x64x32xf32>
    %get3A_70 = vector.shape_cast %get3A_69 : vector<1x64x32xf32> to vector<64x32xf32>
    %dot_general3A_71 = arith.constant dense<0.000000e+00> : vector<64x575xf32>
    %dot_general3A_72 = tpu.matmul %get3A_70, %get3A_65, %dot_general3A_71 {dimension_numbers = #tpu.dot_dimension_numbers<[1], [0], [0], [1], [0, 0, 1, 1], [], []>, transpose_lhs_hint = false} : vector<64x32xf32>, vector<32x575xf32>, vector<64x575xf32> -> vector<64x575xf32>
    %add3A_73 = arith.addf %add3A_60, %dot_general3A_72 : vector<64x575xf32>
    %get3A_74 = arith.constant 0 : index
    %get3A_75 = arith.constant 0 : index
    %get3A_76 = arith.constant 23 : index
    %get3A_77 = vector.load %arg2[%get3A_74, %get3A_75, %get3A_76] : memref<1x256x606xf32, #tpu.memory_space<vmem>>, vector<1x32x575xf32>
    %get3A_78 = vector.shape_cast %get3A_77 : vector<1x32x575xf32> to vector<32x575xf32>
    %get3A_79 = arith.constant 6 : index
    %get3A_80 = arith.constant 0 : index
    %get3A_81 = arith.constant 0 : index
    %get3A_82 = vector.load %arg1[%get3A_79, %get3A_80, %get3A_81] : memref<27x64x32xf32, #tpu.memory_space<vmem>>, vector<1x64x32xf32>
    %get3A_83 = vector.shape_cast %get3A_82 : vector<1x64x32xf32> to vector<64x32xf32>
    %dot_general3A_84 = arith.constant dense<0.000000e+00> : vector<64x575xf32>
    %dot_general3A_85 = tpu.matmul %get3A_83, %get3A_78, %dot_general3A_84 {dimension_numbers = #tpu.dot_dimension_numbers<[1], [0], [0], [1], [0, 0, 1, 1], [], []>, transpose_lhs_hint = false} : vector<64x32xf32>, vector<32x575xf32>, vector<64x575xf32> -> vector<64x575xf32>
    %add3A_86 = arith.addf %add3A_73, %dot_general3A_85 : vector<64x575xf32>
    %get3A_87 = arith.constant 0 : index
    %get3A_88 = arith.constant 32 : index
    %get3A_89 = arith.constant 23 : index
    %get3A_90 = vector.load %arg2[%get3A_87, %get3A_88, %get3A_89] : memref<1x256x606xf32, #tpu.memory_space<vmem>>, vector<1x32x575xf32>
    %get3A_91 = vector.shape_cast %get3A_90 : vector<1x32x575xf32> to vector<32x575xf32>
    %get3A_92 = arith.constant 7 : index
    %get3A_93 = arith.constant 0 : index
    %get3A_94 = arith.constant 0 : index
    %get3A_95 = vector.load %arg1[%get3A_92, %get3A_93, %get3A_94] : memref<27x64x32xf32, #tpu.memory_space<vmem>>, vector<1x64x32xf32>
    %get3A_96 = vector.shape_cast %get3A_95 : vector<1x64x32xf32> to vector<64x32xf32>
    %dot_general3A_97 = arith.constant dense<0.000000e+00> : vector<64x575xf32>
    %dot_general3A_98 = tpu.matmul %get3A_96, %get3A_91, %dot_general3A_97 {dimension_numbers = #tpu.dot_dimension_numbers<[1], [0], [0], [1], [0, 0, 1, 1], [], []>, transpose_lhs_hint = false} : vector<64x32xf32>, vector<32x575xf32>, vector<64x575xf32> -> vector<64x575xf32>
    %add3A_99 = arith.addf %add3A_86, %dot_general3A_98 : vector<64x575xf32>
    %get3A_100 = arith.constant 0 : index
    %get3A_101 = arith.constant 0 : index
    %get3A_102 = arith.constant 24 : index
    %get3A_103 = vector.load %arg2[%get3A_100, %get3A_101, %get3A_102] : memref<1x256x606xf32, #tpu.memory_space<vmem>>, vector<1x32x575xf32>
    %get3A_104 = vector.shape_cast %get3A_103 : vector<1x32x575xf32> to vector<32x575xf32>
    %get3A_105 = arith.constant 8 : index
    %get3A_106 = arith.constant 0 : index
    %get3A_107 = arith.constant 0 : index
    %get3A_108 = vector.load %arg1[%get3A_105, %get3A_106, %get3A_107] : memref<27x64x32xf32, #tpu.memory_space<vmem>>, vector<1x64x32xf32>
    %get3A_109 = vector.shape_cast %get3A_108 : vector<1x64x32xf32> to vector<64x32xf32>
    %dot_general3A_110 = arith.constant dense<0.000000e+00> : vector<64x575xf32>
    %dot_general3A_111 = tpu.matmul %get3A_109, %get3A_104, %dot_general3A_110 {dimension_numbers = #tpu.dot_dimension_numbers<[1], [0], [0], [1], [0, 0, 1, 1], [], []>, transpose_lhs_hint = false} : vector<64x32xf32>, vector<32x575xf32>, vector<64x575xf32> -> vector<64x575xf32>
    %add3A_112 = arith.addf %add3A_99, %dot_general3A_111 : vector<64x575xf32>
    %get3A_113 = arith.constant 0 : index
    %get3A_114 = arith.constant 128 : index
    %get3A_115 = arith.constant 0 : index
    %get3A_116 = vector.load %arg2[%get3A_113, %get3A_114, %get3A_115] : memref<1x256x606xf32, #tpu.memory_space<vmem>>, vector<1x32x575xf32>
    %get3A_117 = vector.shape_cast %get3A_116 : vector<1x32x575xf32> to vector<32x575xf32>
    %get3A_118 = arith.constant 9 : index
    %get3A_119 = arith.constant 0 : index
    %get3A_120 = arith.constant 0 : index
    %get3A_121 = vector.load %arg1[%get3A_118, %get3A_119, %get3A_120] : memref<27x64x32xf32, #tpu.memory_space<vmem>>, vector<1x64x32xf32>
    %get3A_122 = vector.shape_cast %get3A_121 : vector<1x64x32xf32> to vector<64x32xf32>
    %dot_general3A_123 = arith.constant dense<0.000000e+00> : vector<64x575xf32>
    %dot_general3A_124 = tpu.matmul %get3A_122, %get3A_117, %dot_general3A_123 {dimension_numbers = #tpu.dot_dimension_numbers<[1], [0], [0], [1], [0, 0, 1, 1], [], []>, transpose_lhs_hint = false} : vector<64x32xf32>, vector<32x575xf32>, vector<64x575xf32> -> vector<64x575xf32>
    %add3A_125 = arith.addf %add3A_112, %dot_general3A_124 : vector<64x575xf32>
    %get3A_126 = arith.constant 0 : index
    %get3A_127 = arith.constant 160 : index
    %get3A_128 = arith.constant 0 : index
    %get3A_129 = vector.load %arg2[%get3A_126, %get3A_127, %get3A_128] : memref<1x256x606xf32, #tpu.memory_space<vmem>>, vector<1x32x575xf32>
    %get3A_130 = vector.shape_cast %get3A_129 : vector<1x32x575xf32> to vector<32x575xf32>
    %get3A_131 = arith.constant 10 : index
    %get3A_132 = arith.constant 0 : index
    %get3A_133 = arith.constant 0 : index
    %get3A_134 = vector.load %arg1[%get3A_131, %get3A_132, %get3A_133] : memref<27x64x32xf32, #tpu.memory_space<vmem>>, vector<1x64x32xf32>
    %get3A_135 = vector.shape_cast %get3A_134 : vector<1x64x32xf32> to vector<64x32xf32>
    %dot_general3A_136 = arith.constant dense<0.000000e+00> : vector<64x575xf32>
    %dot_general3A_137 = tpu.matmul %get3A_135, %get3A_130, %dot_general3A_136 {dimension_numbers = #tpu.dot_dimension_numbers<[1], [0], [0], [1], [0, 0, 1, 1], [], []>, transpose_lhs_hint = false} : vector<64x32xf32>, vector<32x575xf32>, vector<64x575xf32> -> vector<64x575xf32>
    %add3A_138 = arith.addf %add3A_125, %dot_general3A_137 : vector<64x575xf32>
    %get3A_139 = arith.constant 0 : index
    %get3A_140 = arith.constant 128 : index
    %get3A_141 = arith.constant 1 : index
    %get3A_142 = vector.load %arg2[%get3A_139, %get3A_140, %get3A_141] : memref<1x256x606xf32, #tpu.memory_space<vmem>>, vector<1x32x575xf32>
    %get3A_143 = vector.shape_cast %get3A_142 : vector<1x32x575xf32> to vector<32x575xf32>
    %get3A_144 = arith.constant 11 : index
    %get3A_145 = arith.constant 0 : index
    %get3A_146 = arith.constant 0 : index
    %get3A_147 = vector.load %arg1[%get3A_144, %get3A_145, %get3A_146] : memref<27x64x32xf32, #tpu.memory_space<vmem>>, vector<1x64x32xf32>
    %get3A_148 = vector.shape_cast %get3A_147 : vector<1x64x32xf32> to vector<64x32xf32>
    %dot_general3A_149 = arith.constant dense<0.000000e+00> : vector<64x575xf32>
    %dot_general3A_150 = tpu.matmul %get3A_148, %get3A_143, %dot_general3A_149 {dimension_numbers = #tpu.dot_dimension_numbers<[1], [0], [0], [1], [0, 0, 1, 1], [], []>, transpose_lhs_hint = false} : vector<64x32xf32>, vector<32x575xf32>, vector<64x575xf32> -> vector<64x575xf32>
    %add3A_151 = arith.addf %add3A_138, %dot_general3A_150 : vector<64x575xf32>
    %get3A_152 = arith.constant 0 : index
    %get3A_153 = arith.constant 192 : index
    %get3A_154 = arith.constant 0 : index
    %get3A_155 = vector.load %arg2[%get3A_152, %get3A_153, %get3A_154] : memref<1x256x606xf32, #tpu.memory_space<vmem>>, vector<1x32x575xf32>
    %get3A_156 = vector.shape_cast %get3A_155 : vector<1x32x575xf32> to vector<32x575xf32>
    %get3A_157 = arith.constant 12 : index
    %get3A_158 = arith.constant 0 : index
    %get3A_159 = arith.constant 0 : index
    %get3A_160 = vector.load %arg1[%get3A_157, %get3A_158, %get3A_159] : memref<27x64x32xf32, #tpu.memory_space<vmem>>, vector<1x64x32xf32>
    %get3A_161 = vector.shape_cast %get3A_160 : vector<1x64x32xf32> to vector<64x32xf32>
    %dot_general3A_162 = arith.constant dense<0.000000e+00> : vector<64x575xf32>
    %dot_general3A_163 = tpu.matmul %get3A_161, %get3A_156, %dot_general3A_162 {dimension_numbers = #tpu.dot_dimension_numbers<[1], [0], [0], [1], [0, 0, 1, 1], [], []>, transpose_lhs_hint = false} : vector<64x32xf32>, vector<32x575xf32>, vector<64x575xf32> -> vector<64x575xf32>
    %add3A_164 = arith.addf %add3A_151, %dot_general3A_163 : vector<64x575xf32>
    %get3A_165 = arith.constant 0 : index
    %get3A_166 = arith.constant 224 : index
    %get3A_167 = arith.constant 0 : index
    %get3A_168 = vector.load %arg2[%get3A_165, %get3A_166, %get3A_167] : memref<1x256x606xf32, #tpu.memory_space<vmem>>, vector<1x32x575xf32>
    %get3A_169 = vector.shape_cast %get3A_168 : vector<1x32x575xf32> to vector<32x575xf32>
    %get3A_170 = arith.constant 13 : index
    %get3A_171 = arith.constant 0 : index
    %get3A_172 = arith.constant 0 : index
    %get3A_173 = vector.load %arg1[%get3A_170, %get3A_171, %get3A_172] : memref<27x64x32xf32, #tpu.memory_space<vmem>>, vector<1x64x32xf32>
    %get3A_174 = vector.shape_cast %get3A_173 : vector<1x64x32xf32> to vector<64x32xf32>
    %dot_general3A_175 = arith.constant dense<0.000000e+00> : vector<64x575xf32>
    %dot_general3A_176 = tpu.matmul %get3A_174, %get3A_169, %dot_general3A_175 {dimension_numbers = #tpu.dot_dimension_numbers<[1], [0], [0], [1], [0, 0, 1, 1], [], []>, transpose_lhs_hint = false} : vector<64x32xf32>, vector<32x575xf32>, vector<64x575xf32> -> vector<64x575xf32>
    %add3A_177 = arith.addf %add3A_164, %dot_general3A_176 : vector<64x575xf32>
    %get3A_178 = arith.constant 0 : index
    %get3A_179 = arith.constant 192 : index
    %get3A_180 = arith.constant 1 : index
    %get3A_181 = vector.load %arg2[%get3A_178, %get3A_179, %get3A_180] : memref<1x256x606xf32, #tpu.memory_space<vmem>>, vector<1x32x575xf32>
    %get3A_182 = vector.shape_cast %get3A_181 : vector<1x32x575xf32> to vector<32x575xf32>
    %get3A_183 = arith.constant 14 : index
    %get3A_184 = arith.constant 0 : index
    %get3A_185 = arith.constant 0 : index
    %get3A_186 = vector.load %arg1[%get3A_183, %get3A_184, %get3A_185] : memref<27x64x32xf32, #tpu.memory_space<vmem>>, vector<1x64x32xf32>
    %get3A_187 = vector.shape_cast %get3A_186 : vector<1x64x32xf32> to vector<64x32xf32>
    %dot_general3A_188 = arith.constant dense<0.000000e+00> : vector<64x575xf32>
    %dot_general3A_189 = tpu.matmul %get3A_187, %get3A_182, %dot_general3A_188 {dimension_numbers = #tpu.dot_dimension_numbers<[1], [0], [0], [1], [0, 0, 1, 1], [], []>, transpose_lhs_hint = false} : vector<64x32xf32>, vector<32x575xf32>, vector<64x575xf32> -> vector<64x575xf32>
    %add3A_190 = arith.addf %add3A_177, %dot_general3A_189 : vector<64x575xf32>
    %get3A_191 = arith.constant 0 : index
    %get3A_192 = arith.constant 128 : index
    %get3A_193 = arith.constant 23 : index
    %get3A_194 = vector.load %arg2[%get3A_191, %get3A_192, %get3A_193] : memref<1x256x606xf32, #tpu.memory_space<vmem>>, vector<1x32x575xf32>
    %get3A_195 = vector.shape_cast %get3A_194 : vector<1x32x575xf32> to vector<32x575xf32>
    %get3A_196 = arith.constant 15 : index
    %get3A_197 = arith.constant 0 : index
    %get3A_198 = arith.constant 0 : index
    %get3A_199 = vector.load %arg1[%get3A_196, %get3A_197, %get3A_198] : memref<27x64x32xf32, #tpu.memory_space<vmem>>, vector<1x64x32xf32>
    %get3A_200 = vector.shape_cast %get3A_199 : vector<1x64x32xf32> to vector<64x32xf32>
    %dot_general3A_201 = arith.constant dense<0.000000e+00> : vector<64x575xf32>
    %dot_general3A_202 = tpu.matmul %get3A_200, %get3A_195, %dot_general3A_201 {dimension_numbers = #tpu.dot_dimension_numbers<[1], [0], [0], [1], [0, 0, 1, 1], [], []>, transpose_lhs_hint = false} : vector<64x32xf32>, vector<32x575xf32>, vector<64x575xf32> -> vector<64x575xf32>
    %add3A_203 = arith.addf %add3A_190, %dot_general3A_202 : vector<64x575xf32>
    %get3A_204 = arith.constant 0 : index
    %get3A_205 = arith.constant 160 : index
    %get3A_206 = arith.constant 23 : index
    %get3A_207 = vector.load %arg2[%get3A_204, %get3A_205, %get3A_206] : memref<1x256x606xf32, #tpu.memory_space<vmem>>, vector<1x32x575xf32>
    %get3A_208 = vector.shape_cast %get3A_207 : vector<1x32x575xf32> to vector<32x575xf32>
    %get3A_209 = arith.constant 16 : index
    %get3A_210 = arith.constant 0 : index
    %get3A_211 = arith.constant 0 : index
    %get3A_212 = vector.load %arg1[%get3A_209, %get3A_210, %get3A_211] : memref<27x64x32xf32, #tpu.memory_space<vmem>>, vector<1x64x32xf32>
    %get3A_213 = vector.shape_cast %get3A_212 : vector<1x64x32xf32> to vector<64x32xf32>
    %dot_general3A_214 = arith.constant dense<0.000000e+00> : vector<64x575xf32>
    %dot_general3A_215 = tpu.matmul %get3A_213, %get3A_208, %dot_general3A_214 {dimension_numbers = #tpu.dot_dimension_numbers<[1], [0], [0], [1], [0, 0, 1, 1], [], []>, transpose_lhs_hint = false} : vector<64x32xf32>, vector<32x575xf32>, vector<64x575xf32> -> vector<64x575xf32>
    %add3A_216 = arith.addf %add3A_203, %dot_general3A_215 : vector<64x575xf32>
    %get3A_217 = arith.constant 0 : index
    %get3A_218 = arith.constant 128 : index
    %get3A_219 = arith.constant 24 : index
    %get3A_220 = vector.load %arg2[%get3A_217, %get3A_218, %get3A_219] : memref<1x256x606xf32, #tpu.memory_space<vmem>>, vector<1x32x575xf32>
    %get3A_221 = vector.shape_cast %get3A_220 : vector<1x32x575xf32> to vector<32x575xf32>
    %get3A_222 = arith.constant 17 : index
    %get3A_223 = arith.constant 0 : index
    %get3A_224 = arith.constant 0 : index
    %get3A_225 = vector.load %arg1[%get3A_222, %get3A_223, %get3A_224] : memref<27x64x32xf32, #tpu.memory_space<vmem>>, vector<1x64x32xf32>
    %get3A_226 = vector.shape_cast %get3A_225 : vector<1x64x32xf32> to vector<64x32xf32>
    %dot_general3A_227 = arith.constant dense<0.000000e+00> : vector<64x575xf32>
    %dot_general3A_228 = tpu.matmul %get3A_226, %get3A_221, %dot_general3A_227 {dimension_numbers = #tpu.dot_dimension_numbers<[1], [0], [0], [1], [0, 0, 1, 1], [], []>, transpose_lhs_hint = false} : vector<64x32xf32>, vector<32x575xf32>, vector<64x575xf32> -> vector<64x575xf32>
    %add3A_229 = arith.addf %add3A_216, %dot_general3A_228 : vector<64x575xf32>
    %get3A_230 = arith.constant 0 : index
    %get3A_231 = arith.constant 0 : index
    %get3A_232 = arith.constant 0 : index
    %get3A_233 = vector.load %arg3[%get3A_230, %get3A_231, %get3A_232] : memref<1x256x606xf32, #tpu.memory_space<vmem>>, vector<1x32x575xf32>
    %get3A_234 = vector.shape_cast %get3A_233 : vector<1x32x575xf32> to vector<32x575xf32>
    %get3A_235 = arith.constant 18 : index
    %get3A_236 = arith.constant 0 : index
    %get3A_237 = arith.constant 0 : index
    %get3A_238 = vector.load %arg1[%get3A_235, %get3A_236, %get3A_237] : memref<27x64x32xf32, #tpu.memory_space<vmem>>, vector<1x64x32xf32>
    %get3A_239 = vector.shape_cast %get3A_238 : vector<1x64x32xf32> to vector<64x32xf32>
    %dot_general3A_240 = arith.constant dense<0.000000e+00> : vector<64x575xf32>
    %dot_general3A_241 = tpu.matmul %get3A_239, %get3A_234, %dot_general3A_240 {dimension_numbers = #tpu.dot_dimension_numbers<[1], [0], [0], [1], [0, 0, 1, 1], [], []>, transpose_lhs_hint = false} : vector<64x32xf32>, vector<32x575xf32>, vector<64x575xf32> -> vector<64x575xf32>
    %add3A_242 = arith.addf %add3A_229, %dot_general3A_241 : vector<64x575xf32>
    %get3A_243 = arith.constant 0 : index
    %get3A_244 = arith.constant 32 : index
    %get3A_245 = arith.constant 0 : index
    %get3A_246 = vector.load %arg3[%get3A_243, %get3A_244, %get3A_245] : memref<1x256x606xf32, #tpu.memory_space<vmem>>, vector<1x32x575xf32>
    %get3A_247 = vector.shape_cast %get3A_246 : vector<1x32x575xf32> to vector<32x575xf32>
    %get3A_248 = arith.constant 19 : index
    %get3A_249 = arith.constant 0 : index
    %get3A_250 = arith.constant 0 : index
    %get3A_251 = vector.load %arg1[%get3A_248, %get3A_249, %get3A_250] : memref<27x64x32xf32, #tpu.memory_space<vmem>>, vector<1x64x32xf32>
    %get3A_252 = vector.shape_cast %get3A_251 : vector<1x64x32xf32> to vector<64x32xf32>
    %dot_general3A_253 = arith.constant dense<0.000000e+00> : vector<64x575xf32>
    %dot_general3A_254 = tpu.matmul %get3A_252, %get3A_247, %dot_general3A_253 {dimension_numbers = #tpu.dot_dimension_numbers<[1], [0], [0], [1], [0, 0, 1, 1], [], []>, transpose_lhs_hint = false} : vector<64x32xf32>, vector<32x575xf32>, vector<64x575xf32> -> vector<64x575xf32>
    %add3A_255 = arith.addf %add3A_242, %dot_general3A_254 : vector<64x575xf32>
    %get3A_256 = arith.constant 0 : index
    %get3A_257 = arith.constant 0 : index
    %get3A_258 = arith.constant 1 : index
    %get3A_259 = vector.load %arg3[%get3A_256, %get3A_257, %get3A_258] : memref<1x256x606xf32, #tpu.memory_space<vmem>>, vector<1x32x575xf32>
    %get3A_260 = vector.shape_cast %get3A_259 : vector<1x32x575xf32> to vector<32x575xf32>
    %get3A_261 = arith.constant 20 : index
    %get3A_262 = arith.constant 0 : index
    %get3A_263 = arith.constant 0 : index
    %get3A_264 = vector.load %arg1[%get3A_261, %get3A_262, %get3A_263] : memref<27x64x32xf32, #tpu.memory_space<vmem>>, vector<1x64x32xf32>
    %get3A_265 = vector.shape_cast %get3A_264 : vector<1x64x32xf32> to vector<64x32xf32>
    %dot_general3A_266 = arith.constant dense<0.000000e+00> : vector<64x575xf32>
    %dot_general3A_267 = tpu.matmul %get3A_265, %get3A_260, %dot_general3A_266 {dimension_numbers = #tpu.dot_dimension_numbers<[1], [0], [0], [1], [0, 0, 1, 1], [], []>, transpose_lhs_hint = false} : vector<64x32xf32>, vector<32x575xf32>, vector<64x575xf32> -> vector<64x575xf32>
    %add3A_268 = arith.addf %add3A_255, %dot_general3A_267 : vector<64x575xf32>
    %get3A_269 = arith.constant 0 : index
    %get3A_270 = arith.constant 64 : index
    %get3A_271 = arith.constant 0 : index
    %get3A_272 = vector.load %arg3[%get3A_269, %get3A_270, %get3A_271] : memref<1x256x606xf32, #tpu.memory_space<vmem>>, vector<1x32x575xf32>
    %get3A_273 = vector.shape_cast %get3A_272 : vector<1x32x575xf32> to vector<32x575xf32>
    %get3A_274 = arith.constant 21 : index
    %get3A_275 = arith.constant 0 : index
    %get3A_276 = arith.constant 0 : index
    %get3A_277 = vector.load %arg1[%get3A_274, %get3A_275, %get3A_276] : memref<27x64x32xf32, #tpu.memory_space<vmem>>, vector<1x64x32xf32>
    %get3A_278 = vector.shape_cast %get3A_277 : vector<1x64x32xf32> to vector<64x32xf32>
    %dot_general3A_279 = arith.constant dense<0.000000e+00> : vector<64x575xf32>
    %dot_general3A_280 = tpu.matmul %get3A_278, %get3A_273, %dot_general3A_279 {dimension_numbers = #tpu.dot_dimension_numbers<[1], [0], [0], [1], [0, 0, 1, 1], [], []>, transpose_lhs_hint = false} : vector<64x32xf32>, vector<32x575xf32>, vector<64x575xf32> -> vector<64x575xf32>
    %add3A_281 = arith.addf %add3A_268, %dot_general3A_280 : vector<64x575xf32>
    %get3A_282 = arith.constant 0 : index
    %get3A_283 = arith.constant 96 : index
    %get3A_284 = arith.constant 0 : index
    %get3A_285 = vector.load %arg3[%get3A_282, %get3A_283, %get3A_284] : memref<1x256x606xf32, #tpu.memory_space<vmem>>, vector<1x32x575xf32>
    %get3A_286 = vector.shape_cast %get3A_285 : vector<1x32x575xf32> to vector<32x575xf32>
    %get3A_287 = arith.constant 22 : index
    %get3A_288 = arith.constant 0 : index
    %get3A_289 = arith.constant 0 : index
    %get3A_290 = vector.load %arg1[%get3A_287, %get3A_288, %get3A_289] : memref<27x64x32xf32, #tpu.memory_space<vmem>>, vector<1x64x32xf32>
    %get3A_291 = vector.shape_cast %get3A_290 : vector<1x64x32xf32> to vector<64x32xf32>
    %dot_general3A_292 = arith.constant dense<0.000000e+00> : vector<64x575xf32>
    %dot_general3A_293 = tpu.matmul %get3A_291, %get3A_286, %dot_general3A_292 {dimension_numbers = #tpu.dot_dimension_numbers<[1], [0], [0], [1], [0, 0, 1, 1], [], []>, transpose_lhs_hint = false} : vector<64x32xf32>, vector<32x575xf32>, vector<64x575xf32> -> vector<64x575xf32>
    %add3A_294 = arith.addf %add3A_281, %dot_general3A_293 : vector<64x575xf32>
    %get3A_295 = arith.constant 0 : index
    %get3A_296 = arith.constant 64 : index
    %get3A_297 = arith.constant 1 : index
    %get3A_298 = vector.load %arg3[%get3A_295, %get3A_296, %get3A_297] : memref<1x256x606xf32, #tpu.memory_space<vmem>>, vector<1x32x575xf32>
    %get3A_299 = vector.shape_cast %get3A_298 : vector<1x32x575xf32> to vector<32x575xf32>
    %get3A_300 = arith.constant 23 : index
    %get3A_301 = arith.constant 0 : index
    %get3A_302 = arith.constant 0 : index
    %get3A_303 = vector.load %arg1[%get3A_300, %get3A_301, %get3A_302] : memref<27x64x32xf32, #tpu.memory_space<vmem>>, vector<1x64x32xf32>
    %get3A_304 = vector.shape_cast %get3A_303 : vector<1x64x32xf32> to vector<64x32xf32>
    %dot_general3A_305 = arith.constant dense<0.000000e+00> : vector<64x575xf32>
    %dot_general3A_306 = tpu.matmul %get3A_304, %get3A_299, %dot_general3A_305 {dimension_numbers = #tpu.dot_dimension_numbers<[1], [0], [0], [1], [0, 0, 1, 1], [], []>, transpose_lhs_hint = false} : vector<64x32xf32>, vector<32x575xf32>, vector<64x575xf32> -> vector<64x575xf32>
    %add3A_307 = arith.addf %add3A_294, %dot_general3A_306 : vector<64x575xf32>
    %get3A_308 = arith.constant 0 : index
    %get3A_309 = arith.constant 0 : index
    %get3A_310 = arith.constant 23 : index
    %get3A_311 = vector.load %arg3[%get3A_308, %get3A_309, %get3A_310] : memref<1x256x606xf32, #tpu.memory_space<vmem>>, vector<1x32x575xf32>
    %get3A_312 = vector.shape_cast %get3A_311 : vector<1x32x575xf32> to vector<32x575xf32>
    %get3A_313 = arith.constant 24 : index
    %get3A_314 = arith.constant 0 : index
    %get3A_315 = arith.constant 0 : index
    %get3A_316 = vector.load %arg1[%get3A_313, %get3A_314, %get3A_315] : memref<27x64x32xf32, #tpu.memory_space<vmem>>, vector<1x64x32xf32>
    %get3A_317 = vector.shape_cast %get3A_316 : vector<1x64x32xf32> to vector<64x32xf32>
    %dot_general3A_318 = arith.constant dense<0.000000e+00> : vector<64x575xf32>
    %dot_general3A_319 = tpu.matmul %get3A_317, %get3A_312, %dot_general3A_318 {dimension_numbers = #tpu.dot_dimension_numbers<[1], [0], [0], [1], [0, 0, 1, 1], [], []>, transpose_lhs_hint = false} : vector<64x32xf32>, vector<32x575xf32>, vector<64x575xf32> -> vector<64x575xf32>
    %add3A_320 = arith.addf %add3A_307, %dot_general3A_319 : vector<64x575xf32>
    %get3A_321 = arith.constant 0 : index
    %get3A_322 = arith.constant 32 : index
    %get3A_323 = arith.constant 23 : index
    %get3A_324 = vector.load %arg3[%get3A_321, %get3A_322, %get3A_323] : memref<1x256x606xf32, #tpu.memory_space<vmem>>, vector<1x32x575xf32>
    %get3A_325 = vector.shape_cast %get3A_324 : vector<1x32x575xf32> to vector<32x575xf32>
    %get3A_326 = arith.constant 25 : index
    %get3A_327 = arith.constant 0 : index
    %get3A_328 = arith.constant 0 : index
    %get3A_329 = vector.load %arg1[%get3A_326, %get3A_327, %get3A_328] : memref<27x64x32xf32, #tpu.memory_space<vmem>>, vector<1x64x32xf32>
    %get3A_330 = vector.shape_cast %get3A_329 : vector<1x64x32xf32> to vector<64x32xf32>
    %dot_general3A_331 = arith.constant dense<0.000000e+00> : vector<64x575xf32>
    %dot_general3A_332 = tpu.matmul %get3A_330, %get3A_325, %dot_general3A_331 {dimension_numbers = #tpu.dot_dimension_numbers<[1], [0], [0], [1], [0, 0, 1, 1], [], []>, transpose_lhs_hint = false} : vector<64x32xf32>, vector<32x575xf32>, vector<64x575xf32> -> vector<64x575xf32>
    %add3A_333 = arith.addf %add3A_320, %dot_general3A_332 : vector<64x575xf32>
    %get3A_334 = arith.constant 0 : index
    %get3A_335 = arith.constant 0 : index
    %get3A_336 = arith.constant 24 : index
    %get3A_337 = vector.load %arg3[%get3A_334, %get3A_335, %get3A_336] : memref<1x256x606xf32, #tpu.memory_space<vmem>>, vector<1x32x575xf32>
    %get3A_338 = vector.shape_cast %get3A_337 : vector<1x32x575xf32> to vector<32x575xf32>
    %get3A_339 = arith.constant 26 : index
    %get3A_340 = arith.constant 0 : index
    %get3A_341 = arith.constant 0 : index
    %get3A_342 = vector.load %arg1[%get3A_339, %get3A_340, %get3A_341] : memref<27x64x32xf32, #tpu.memory_space<vmem>>, vector<1x64x32xf32>
    %get3A_343 = vector.shape_cast %get3A_342 : vector<1x64x32xf32> to vector<64x32xf32>
    %dot_general3A_344 = arith.constant dense<0.000000e+00> : vector<64x575xf32>
    %dot_general3A_345 = tpu.matmul %get3A_343, %get3A_338, %dot_general3A_344 {dimension_numbers = #tpu.dot_dimension_numbers<[1], [0], [0], [1], [0, 0, 1, 1], [], []>, transpose_lhs_hint = false} : vector<64x32xf32>, vector<32x575xf32>, vector<64x575xf32> -> vector<64x575xf32>
    %add3A_346 = arith.addf %add3A_333, %dot_general3A_345 : vector<64x575xf32>
    %swap3A = arith.constant 0 : index
    %swap3A_347 = arith.constant 0 : index
    %swap3A_348 = arith.constant 0 : index
    %swap3A_349 = vector.load %arg4[%swap3A, %swap3A_347, %swap3A_348] : memref<1x64x575xf32, #tpu.memory_space<vmem>>, vector<1x64x575xf32>
    %swap3A_350 = vector.shape_cast %swap3A_349 : vector<1x64x575xf32> to vector<64x575xf32>
    %swap3A_351 = vector.shape_cast %add3A_346 : vector<64x575xf32> to vector<1x64x575xf32>
    tpu.vector_store %arg4[%swap3A, %swap3A_347, %swap3A_348], %swap3A_351 {strides = array<i32>} : memref<1x64x575xf32, #tpu.memory_space<vmem>>, vector<1x64x575xf32>,
    %reshape3A = vector.shape_cast %add3A_346 : vector<64x575xf32> to vector<64x25x23xf32>
    %iota3A = tpu.iota {dimensions = array<i32: 2>} : vector<1x1x23xi32>
    %lt3A = arith.constant 22 : i32
    %lt3A_352 = vector.broadcast %lt3A : i32 to vector<1x1x23xi32>
    %lt3A_353 = arith.cmpi slt, %iota3A, %lt3A_352 : vector<1x1x23xi32>
    %jit3A = arith.constant 0.000000e+00 : f32
    %broadcast_in_dim3A = vector.shape_cast %lt3A_353 : vector<1x1x23xi1> to vector<1x1x23xi1>
    %broadcast_in_dim3A_354 = vector.broadcast %broadcast_in_dim3A : vector<1x1x23xi1> to vector<64x25x23xi1>
    %broadcast_in_dim3A_355 = vector.broadcast %jit3A : f32 to vector<64x25x23xf32>
    %select_n3A = arith.select %broadcast_in_dim3A_354, %reshape3A, %broadcast_in_dim3A_355 : vector<64x25x23xi1>, vector<64x25x23xf32>
    %reduce_sum3A = arith.constant dense<0.000000e+00> : vector<64x25xf32>
    %reduce_sum3A_356 = vector.multi_reduction <add>, %select_n3A, %reduce_sum3A [2] : vector<64x25x23xf32> to vector<64x25xf32>
    %reduce_sum3A_357 = arith.constant dense<0.000000e+00> : vector<64xf32>
    %reduce_sum3A_358 = vector.multi_reduction <add>, %reduce_sum3A_356, %reduce_sum3A_357 [1] : vector<64x25xf32> to vector<64xf32>
    %swap3A_359 = arith.constant 0 : index
    %swap3A_360 = arith.constant 0 : index
    %swap3A_361 = arith.constant 0 : index
    %swap3A_362 = vector.load %arg5[%swap3A_359, %swap3A_360, %swap3A_361] : memref<1x2x64xf32, #tpu.memory_space<vmem>>, vector<1x1x64xf32>
    %swap3A_363 = vector.shape_cast %swap3A_362 : vector<1x1x64xf32> to vector<64xf32>
    %swap3A_364 = vector.shape_cast %reduce_sum3A_358 : vector<64xf32> to vector<1x1x64xf32>
    tpu.vector_store %arg5[%swap3A_359, %swap3A_360, %swap3A_361], %swap3A_364 {strides = array<i32>} : memref<1x2x64xf32, #tpu.memory_space<vmem>>, vector<1x1x64xf32>,
    %mul3A = arith.mulf %select_n3A, %select_n3A : vector<64x25x23xf32>
    %reduce_sum3A_365 = arith.constant dense<0.000000e+00> : vector<64x25xf32>
    %reduce_sum3A_366 = vector.multi_reduction <add>, %mul3A, %reduce_sum3A_365 [2] : vector<64x25x23xf32> to vector<64x25xf32>
    %reduce_sum3A_367 = arith.constant dense<0.000000e+00> : vector<64xf32>
    %reduce_sum3A_368 = vector.multi_reduction <add>, %reduce_sum3A_366, %reduce_sum3A_367 [1] : vector<64x25xf32> to vector<64xf32>
    %swap3A_369 = arith.constant 0 : index
    %swap3A_370 = arith.constant 1 : index
    %swap3A_371 = arith.constant 0 : index
    %swap3A_372 = vector.load %arg5[%swap3A_369, %swap3A_370, %swap3A_371] : memref<1x2x64xf32, #tpu.memory_space<vmem>>, vector<1x1x64xf32>
    %swap3A_373 = vector.shape_cast %swap3A_372 : vector<1x1x64xf32> to vector<64xf32>
    %swap3A_374 = vector.shape_cast %reduce_sum3A_368 : vector<64xf32> to vector<1x1x64xf32>
    tpu.vector_store %arg5[%swap3A_369, %swap3A_370, %swap3A_371], %swap3A_374 {strides = array<i32>} : memref<1x2x64xf32, #tpu.memory_space<vmem>>, vector<1x1x64xf32>,
    return
  }
  func.func @transform_0(%arg0: i32) -> (i32, i32, i32) {
    %c0_i32 = arith.constant 0 : i32
    %c0_i32_0 = arith.constant 0 : i32
    %c0_i32_1 = arith.constant 0 : i32
    %c0_i32_2 = arith.constant 0 : i32
    return %c0_i32, %c0_i32_0, %c0_i32_1 : i32, i32, i32
  }
  func.func @transform_1(%arg0: i32) -> (i32, i32, i32) {
    %add3A = arith.constant 0 : i32
    %add3A_0 = arith.addi %arg0, %add3A : i32
    %c0_i32 = arith.constant 0 : i32
    %c0_i32_1 = arith.constant 0 : i32
    %c0_i32_2 = arith.constant 0 : i32
    return %add3A_0, %c0_i32, %c0_i32_1 : i32, i32, i32
  }
  func.func @transform_2(%arg0: i32) -> (i32, i32, i32) {
    %add3A = arith.constant 1 : i32
    %add3A_0 = arith.addi %arg0, %add3A : i32
    %c0_i32 = arith.constant 0 : i32
    %c0_i32_1 = arith.constant 0 : i32
    %c0_i32_2 = arith.constant 0 : i32
    return %add3A_0, %c0_i32, %c0_i32_1 : i32, i32, i32
  }
  func.func @transform_3(%arg0: i32) -> (i32, i32, i32) {
    %c0_i32 = arith.constant 0 : i32
    %c0_i32_0 = arith.constant 0 : i32
    %c0_i32_1 = arith.constant 0 : i32
    return %arg0, %c0_i32, %c0_i32_0 : i32, i32, i32
  }
  func.func @transform_4(%arg0: i32) -> (i32, i32, i32) {
    %c0_i32 = arith.constant 0 : i32
    %c0_i32_0 = arith.constant 0 : i32
    %c0_i32_1 = arith.constant 0 : i32
    return %arg0, %c0_i32, %c0_i32_0 : i32, i32, i32
  }
}

module attributes {stable_mosaic.version = 14 : i64} {
  func.func @_affine_body(%arg0: i32, %arg1: memref<1x64x550xf32, #tpu.memory_space<vmem>>, %arg2: memref<64x1xf32, #tpu.memory_space<vmem>>, %arg3: memref<64x1xf32, #tpu.memory_space<vmem>>, %arg4: memref<1x64x550xf32, #tpu.memory_space<vmem>>) attributes {dimension_semantics = [#tpu.dimension_semantics<arbitrary>], iteration_bounds = array<i64: 3>, scalar_prefetch = 0 : i64, scratch_operands = 0 : i64, tpu.core_type = #tpu.core_type<tc>, window_params = [{transform_indices = @transform_0, window_bounds = array<i64: 1, 64, 550>}, {pipeline_mode = #tpu.pipeline_mode<synchronous>, transform_indices = @transform_1, window_bounds = array<i64: 64, 1>}, {pipeline_mode = #tpu.pipeline_mode<synchronous>, transform_indices = @transform_2, window_bounds = array<i64: 64, 1>}, {transform_indices = @transform_3, window_bounds = array<i64: 1, 64, 550>}]} {
    %get3A = arith.constant 0 : index
    %get3A_0 = arith.constant 0 : index
    %get3A_1 = arith.constant 0 : index
    %get3A_2 = vector.load %arg1[%get3A, %get3A_0, %get3A_1] : memref<1x64x550xf32, #tpu.memory_space<vmem>>, vector<1x64x550xf32>
    %get3A_3 = arith.constant 0 : index
    %get3A_4 = arith.constant 0 : index
    %get3A_5 = vector.load %arg2[%get3A_3, %get3A_4] : memref<64x1xf32, #tpu.memory_space<vmem>>, vector<64x1xf32>
    %broadcast_in_dim3A = vector.shape_cast %get3A_5 : vector<64x1xf32> to vector<1x64x1xf32>
    %mul3A = vector.broadcast %broadcast_in_dim3A : vector<1x64x1xf32> to vector<1x64x550xf32>
    %mul3A_6 = arith.mulf %get3A_2, %mul3A : vector<1x64x550xf32>
    %get3A_7 = arith.constant 0 : index
    %get3A_8 = arith.constant 0 : index
    %get3A_9 = vector.load %arg3[%get3A_7, %get3A_8] : memref<64x1xf32, #tpu.memory_space<vmem>>, vector<64x1xf32>
    %broadcast_in_dim3A_10 = vector.shape_cast %get3A_9 : vector<64x1xf32> to vector<1x64x1xf32>
    %add3A = vector.broadcast %broadcast_in_dim3A_10 : vector<1x64x1xf32> to vector<1x64x550xf32>
    %add3A_11 = arith.addf %mul3A_6, %add3A : vector<1x64x550xf32>
    %max3A = arith.constant 0.000000e+00 : f32
    %max3A_12 = vector.broadcast %max3A : f32 to vector<1x64x550xf32>
    %max3A_13 = arith.maximumf %add3A_11, %max3A_12 : vector<1x64x550xf32>
    %swap3A = arith.constant 0 : index
    %swap3A_14 = arith.constant 0 : index
    %swap3A_15 = arith.constant 0 : index
    %swap3A_16 = vector.load %arg4[%swap3A, %swap3A_14, %swap3A_15] : memref<1x64x550xf32, #tpu.memory_space<vmem>>, vector<1x64x550xf32>
    tpu.vector_store %arg4[%swap3A, %swap3A_14, %swap3A_15], %max3A_13 {strides = array<i32>} : memref<1x64x550xf32, #tpu.memory_space<vmem>>, vector<1x64x550xf32>,
    return
  }
  func.func @transform_0(%arg0: i32) -> (i32, i32, i32) {
    %c0_i32 = arith.constant 0 : i32
    %c0_i32_0 = arith.constant 0 : i32
    %c0_i32_1 = arith.constant 0 : i32
    return %arg0, %c0_i32, %c0_i32_0 : i32, i32, i32
  }
  func.func @transform_1(%arg0: i32) -> (i32, i32) {
    %c0_i32 = arith.constant 0 : i32
    %c0_i32_0 = arith.constant 0 : i32
    %c0_i32_1 = arith.constant 0 : i32
    return %c0_i32, %c0_i32_0 : i32, i32
  }
  func.func @transform_2(%arg0: i32) -> (i32, i32) {
    %c0_i32 = arith.constant 0 : i32
    %c0_i32_0 = arith.constant 0 : i32
    %c0_i32_1 = arith.constant 0 : i32
    return %c0_i32, %c0_i32_0 : i32, i32
  }
  func.func @transform_3(%arg0: i32) -> (i32, i32, i32) {
    %c0_i32 = arith.constant 0 : i32
    %c0_i32_0 = arith.constant 0 : i32
    %c0_i32_1 = arith.constant 0 : i32
    return %arg0, %c0_i32, %c0_i32_0 : i32, i32, i32
  }
}

module attributes {stable_mosaic.version = 14 : i64} {
  func.func @_conv_body(%arg0: i32, %arg1: memref<27x64x64xf32, #tpu.memory_space<vmem>>, %arg2: memref<1x64x656xf32, #tpu.memory_space<vmem>>, %arg3: memref<1x64x656xf32, #tpu.memory_space<vmem>>, %arg4: memref<1x64x656xf32, #tpu.memory_space<vmem>>, %arg5: memref<1x64x600xf32, #tpu.memory_space<vmem>>, %arg6: memref<1x2x64xf32, #tpu.memory_space<vmem>>) attributes {dimension_semantics = [#tpu.dimension_semantics<arbitrary>], iteration_bounds = array<i64: 3>, scalar_prefetch = 0 : i64, scratch_operands = 0 : i64, tpu.core_type = #tpu.core_type<tc>, window_params = [{pipeline_mode = #tpu.pipeline_mode<synchronous>, transform_indices = @transform_0, window_bounds = array<i64: 27, 64, 64>}, {transform_indices = @transform_1, window_bounds = array<i64: 1, 64, 656>}, {transform_indices = @transform_2, window_bounds = array<i64: 1, 64, 656>}, {transform_indices = @transform_3, window_bounds = array<i64: 1, 64, 656>}, {transform_indices = @transform_4, window_bounds = array<i64: 1, 64, 600>}, {transform_indices = @transform_5, window_bounds = array<i64: 1, 2, 64>}]} {
    %get3A = arith.constant 0 : index
    %get3A_0 = arith.constant 0 : index
    %get3A_1 = arith.constant 0 : index
    %get3A_2 = vector.load %arg2[%get3A, %get3A_0, %get3A_1] : memref<1x64x656xf32, #tpu.memory_space<vmem>>, vector<1x64x600xf32>
    %get3A_3 = vector.shape_cast %get3A_2 : vector<1x64x600xf32> to vector<64x600xf32>
    %get3A_4 = arith.constant 0 : index
    %get3A_5 = arith.constant 0 : index
    %get3A_6 = arith.constant 0 : index
    %get3A_7 = vector.load %arg1[%get3A_4, %get3A_5, %get3A_6] : memref<27x64x64xf32, #tpu.memory_space<vmem>>, vector<1x64x64xf32>
    %get3A_8 = vector.shape_cast %get3A_7 : vector<1x64x64xf32> to vector<64x64xf32>
    %dot_general3A = arith.constant dense<0.000000e+00> : vector<64x600xf32>
    %dot_general3A_9 = tpu.matmul %get3A_8, %get3A_3, %dot_general3A {dimension_numbers = #tpu.dot_dimension_numbers<[1], [0], [0], [1], [0, 0, 1, 1], [], []>, transpose_lhs_hint = false} : vector<64x64xf32>, vector<64x600xf32>, vector<64x600xf32> -> vector<64x600xf32>
    %get3A_10 = arith.constant 0 : index
    %get3A_11 = arith.constant 0 : index
    %get3A_12 = arith.constant 1 : index
    %get3A_13 = vector.load %arg2[%get3A_10, %get3A_11, %get3A_12] : memref<1x64x656xf32, #tpu.memory_space<vmem>>, vector<1x64x600xf32>
    %get3A_14 = vector.shape_cast %get3A_13 : vector<1x64x600xf32> to vector<64x600xf32>
    %get3A_15 = arith.constant 1 : index
    %get3A_16 = arith.constant 0 : index
    %get3A_17 = arith.constant 0 : index
    %get3A_18 = vector.load %arg1[%get3A_15, %get3A_16, %get3A_17] : memref<27x64x64xf32, #tpu.memory_space<vmem>>, vector<1x64x64xf32>
    %get3A_19 = vector.shape_cast %get3A_18 : vector<1x64x64xf32> to vector<64x64xf32>
    %dot_general3A_20 = arith.constant dense<0.000000e+00> : vector<64x600xf32>
    %dot_general3A_21 = tpu.matmul %get3A_19, %get3A_14, %dot_general3A_20 {dimension_numbers = #tpu.dot_dimension_numbers<[1], [0], [0], [1], [0, 0, 1, 1], [], []>, transpose_lhs_hint = false} : vector<64x64xf32>, vector<64x600xf32>, vector<64x600xf32> -> vector<64x600xf32>
    %add3A = arith.addf %dot_general3A_9, %dot_general3A_21 : vector<64x600xf32>
    %get3A_22 = arith.constant 0 : index
    %get3A_23 = arith.constant 0 : index
    %get3A_24 = arith.constant 2 : index
    %get3A_25 = vector.load %arg2[%get3A_22, %get3A_23, %get3A_24] : memref<1x64x656xf32, #tpu.memory_space<vmem>>, vector<1x64x600xf32>
    %get3A_26 = vector.shape_cast %get3A_25 : vector<1x64x600xf32> to vector<64x600xf32>
    %get3A_27 = arith.constant 2 : index
    %get3A_28 = arith.constant 0 : index
    %get3A_29 = arith.constant 0 : index
    %get3A_30 = vector.load %arg1[%get3A_27, %get3A_28, %get3A_29] : memref<27x64x64xf32, #tpu.memory_space<vmem>>, vector<1x64x64xf32>
    %get3A_31 = vector.shape_cast %get3A_30 : vector<1x64x64xf32> to vector<64x64xf32>
    %dot_general3A_32 = arith.constant dense<0.000000e+00> : vector<64x600xf32>
    %dot_general3A_33 = tpu.matmul %get3A_31, %get3A_26, %dot_general3A_32 {dimension_numbers = #tpu.dot_dimension_numbers<[1], [0], [0], [1], [0, 0, 1, 1], [], []>, transpose_lhs_hint = false} : vector<64x64xf32>, vector<64x600xf32>, vector<64x600xf32> -> vector<64x600xf32>
    %add3A_34 = arith.addf %add3A, %dot_general3A_33 : vector<64x600xf32>
    %get3A_35 = arith.constant 0 : index
    %get3A_36 = arith.constant 0 : index
    %get3A_37 = arith.constant 24 : index
    %get3A_38 = vector.load %arg2[%get3A_35, %get3A_36, %get3A_37] : memref<1x64x656xf32, #tpu.memory_space<vmem>>, vector<1x64x600xf32>
    %get3A_39 = vector.shape_cast %get3A_38 : vector<1x64x600xf32> to vector<64x600xf32>
    %get3A_40 = arith.constant 3 : index
    %get3A_41 = arith.constant 0 : index
    %get3A_42 = arith.constant 0 : index
    %get3A_43 = vector.load %arg1[%get3A_40, %get3A_41, %get3A_42] : memref<27x64x64xf32, #tpu.memory_space<vmem>>, vector<1x64x64xf32>
    %get3A_44 = vector.shape_cast %get3A_43 : vector<1x64x64xf32> to vector<64x64xf32>
    %dot_general3A_45 = arith.constant dense<0.000000e+00> : vector<64x600xf32>
    %dot_general3A_46 = tpu.matmul %get3A_44, %get3A_39, %dot_general3A_45 {dimension_numbers = #tpu.dot_dimension_numbers<[1], [0], [0], [1], [0, 0, 1, 1], [], []>, transpose_lhs_hint = false} : vector<64x64xf32>, vector<64x600xf32>, vector<64x600xf32> -> vector<64x600xf32>
    %add3A_47 = arith.addf %add3A_34, %dot_general3A_46 : vector<64x600xf32>
    %get3A_48 = arith.constant 0 : index
    %get3A_49 = arith.constant 0 : index
    %get3A_50 = arith.constant 25 : index
    %get3A_51 = vector.load %arg2[%get3A_48, %get3A_49, %get3A_50] : memref<1x64x656xf32, #tpu.memory_space<vmem>>, vector<1x64x600xf32>
    %get3A_52 = vector.shape_cast %get3A_51 : vector<1x64x600xf32> to vector<64x600xf32>
    %get3A_53 = arith.constant 4 : index
    %get3A_54 = arith.constant 0 : index
    %get3A_55 = arith.constant 0 : index
    %get3A_56 = vector.load %arg1[%get3A_53, %get3A_54, %get3A_55] : memref<27x64x64xf32, #tpu.memory_space<vmem>>, vector<1x64x64xf32>
    %get3A_57 = vector.shape_cast %get3A_56 : vector<1x64x64xf32> to vector<64x64xf32>
    %dot_general3A_58 = arith.constant dense<0.000000e+00> : vector<64x600xf32>
    %dot_general3A_59 = tpu.matmul %get3A_57, %get3A_52, %dot_general3A_58 {dimension_numbers = #tpu.dot_dimension_numbers<[1], [0], [0], [1], [0, 0, 1, 1], [], []>, transpose_lhs_hint = false} : vector<64x64xf32>, vector<64x600xf32>, vector<64x600xf32> -> vector<64x600xf32>
    %add3A_60 = arith.addf %add3A_47, %dot_general3A_59 : vector<64x600xf32>
    %get3A_61 = arith.constant 0 : index
    %get3A_62 = arith.constant 0 : index
    %get3A_63 = arith.constant 26 : index
    %get3A_64 = vector.load %arg2[%get3A_61, %get3A_62, %get3A_63] : memref<1x64x656xf32, #tpu.memory_space<vmem>>, vector<1x64x600xf32>
    %get3A_65 = vector.shape_cast %get3A_64 : vector<1x64x600xf32> to vector<64x600xf32>
    %get3A_66 = arith.constant 5 : index
    %get3A_67 = arith.constant 0 : index
    %get3A_68 = arith.constant 0 : index
    %get3A_69 = vector.load %arg1[%get3A_66, %get3A_67, %get3A_68] : memref<27x64x64xf32, #tpu.memory_space<vmem>>, vector<1x64x64xf32>
    %get3A_70 = vector.shape_cast %get3A_69 : vector<1x64x64xf32> to vector<64x64xf32>
    %dot_general3A_71 = arith.constant dense<0.000000e+00> : vector<64x600xf32>
    %dot_general3A_72 = tpu.matmul %get3A_70, %get3A_65, %dot_general3A_71 {dimension_numbers = #tpu.dot_dimension_numbers<[1], [0], [0], [1], [0, 0, 1, 1], [], []>, transpose_lhs_hint = false} : vector<64x64xf32>, vector<64x600xf32>, vector<64x600xf32> -> vector<64x600xf32>
    %add3A_73 = arith.addf %add3A_60, %dot_general3A_72 : vector<64x600xf32>
    %get3A_74 = arith.constant 0 : index
    %get3A_75 = arith.constant 0 : index
    %get3A_76 = arith.constant 48 : index
    %get3A_77 = vector.load %arg2[%get3A_74, %get3A_75, %get3A_76] : memref<1x64x656xf32, #tpu.memory_space<vmem>>, vector<1x64x600xf32>
    %get3A_78 = vector.shape_cast %get3A_77 : vector<1x64x600xf32> to vector<64x600xf32>
    %get3A_79 = arith.constant 6 : index
    %get3A_80 = arith.constant 0 : index
    %get3A_81 = arith.constant 0 : index
    %get3A_82 = vector.load %arg1[%get3A_79, %get3A_80, %get3A_81] : memref<27x64x64xf32, #tpu.memory_space<vmem>>, vector<1x64x64xf32>
    %get3A_83 = vector.shape_cast %get3A_82 : vector<1x64x64xf32> to vector<64x64xf32>
    %dot_general3A_84 = arith.constant dense<0.000000e+00> : vector<64x600xf32>
    %dot_general3A_85 = tpu.matmul %get3A_83, %get3A_78, %dot_general3A_84 {dimension_numbers = #tpu.dot_dimension_numbers<[1], [0], [0], [1], [0, 0, 1, 1], [], []>, transpose_lhs_hint = false} : vector<64x64xf32>, vector<64x600xf32>, vector<64x600xf32> -> vector<64x600xf32>
    %add3A_86 = arith.addf %add3A_73, %dot_general3A_85 : vector<64x600xf32>
    %get3A_87 = arith.constant 0 : index
    %get3A_88 = arith.constant 0 : index
    %get3A_89 = arith.constant 49 : index
    %get3A_90 = vector.load %arg2[%get3A_87, %get3A_88, %get3A_89] : memref<1x64x656xf32, #tpu.memory_space<vmem>>, vector<1x64x600xf32>
    %get3A_91 = vector.shape_cast %get3A_90 : vector<1x64x600xf32> to vector<64x600xf32>
    %get3A_92 = arith.constant 7 : index
    %get3A_93 = arith.constant 0 : index
    %get3A_94 = arith.constant 0 : index
    %get3A_95 = vector.load %arg1[%get3A_92, %get3A_93, %get3A_94] : memref<27x64x64xf32, #tpu.memory_space<vmem>>, vector<1x64x64xf32>
    %get3A_96 = vector.shape_cast %get3A_95 : vector<1x64x64xf32> to vector<64x64xf32>
    %dot_general3A_97 = arith.constant dense<0.000000e+00> : vector<64x600xf32>
    %dot_general3A_98 = tpu.matmul %get3A_96, %get3A_91, %dot_general3A_97 {dimension_numbers = #tpu.dot_dimension_numbers<[1], [0], [0], [1], [0, 0, 1, 1], [], []>, transpose_lhs_hint = false} : vector<64x64xf32>, vector<64x600xf32>, vector<64x600xf32> -> vector<64x600xf32>
    %add3A_99 = arith.addf %add3A_86, %dot_general3A_98 : vector<64x600xf32>
    %get3A_100 = arith.constant 0 : index
    %get3A_101 = arith.constant 0 : index
    %get3A_102 = arith.constant 50 : index
    %get3A_103 = vector.load %arg2[%get3A_100, %get3A_101, %get3A_102] : memref<1x64x656xf32, #tpu.memory_space<vmem>>, vector<1x64x600xf32>
    %get3A_104 = vector.shape_cast %get3A_103 : vector<1x64x600xf32> to vector<64x600xf32>
    %get3A_105 = arith.constant 8 : index
    %get3A_106 = arith.constant 0 : index
    %get3A_107 = arith.constant 0 : index
    %get3A_108 = vector.load %arg1[%get3A_105, %get3A_106, %get3A_107] : memref<27x64x64xf32, #tpu.memory_space<vmem>>, vector<1x64x64xf32>
    %get3A_109 = vector.shape_cast %get3A_108 : vector<1x64x64xf32> to vector<64x64xf32>
    %dot_general3A_110 = arith.constant dense<0.000000e+00> : vector<64x600xf32>
    %dot_general3A_111 = tpu.matmul %get3A_109, %get3A_104, %dot_general3A_110 {dimension_numbers = #tpu.dot_dimension_numbers<[1], [0], [0], [1], [0, 0, 1, 1], [], []>, transpose_lhs_hint = false} : vector<64x64xf32>, vector<64x600xf32>, vector<64x600xf32> -> vector<64x600xf32>
    %add3A_112 = arith.addf %add3A_99, %dot_general3A_111 : vector<64x600xf32>
    %get3A_113 = arith.constant 0 : index
    %get3A_114 = arith.constant 0 : index
    %get3A_115 = arith.constant 0 : index
    %get3A_116 = vector.load %arg3[%get3A_113, %get3A_114, %get3A_115] : memref<1x64x656xf32, #tpu.memory_space<vmem>>, vector<1x64x600xf32>
    %get3A_117 = vector.shape_cast %get3A_116 : vector<1x64x600xf32> to vector<64x600xf32>
    %get3A_118 = arith.constant 9 : index
    %get3A_119 = arith.constant 0 : index
    %get3A_120 = arith.constant 0 : index
    %get3A_121 = vector.load %arg1[%get3A_118, %get3A_119, %get3A_120] : memref<27x64x64xf32, #tpu.memory_space<vmem>>, vector<1x64x64xf32>
    %get3A_122 = vector.shape_cast %get3A_121 : vector<1x64x64xf32> to vector<64x64xf32>
    %dot_general3A_123 = arith.constant dense<0.000000e+00> : vector<64x600xf32>
    %dot_general3A_124 = tpu.matmul %get3A_122, %get3A_117, %dot_general3A_123 {dimension_numbers = #tpu.dot_dimension_numbers<[1], [0], [0], [1], [0, 0, 1, 1], [], []>, transpose_lhs_hint = false} : vector<64x64xf32>, vector<64x600xf32>, vector<64x600xf32> -> vector<64x600xf32>
    %add3A_125 = arith.addf %add3A_112, %dot_general3A_124 : vector<64x600xf32>
    %get3A_126 = arith.constant 0 : index
    %get3A_127 = arith.constant 0 : index
    %get3A_128 = arith.constant 1 : index
    %get3A_129 = vector.load %arg3[%get3A_126, %get3A_127, %get3A_128] : memref<1x64x656xf32, #tpu.memory_space<vmem>>, vector<1x64x600xf32>
    %get3A_130 = vector.shape_cast %get3A_129 : vector<1x64x600xf32> to vector<64x600xf32>
    %get3A_131 = arith.constant 10 : index
    %get3A_132 = arith.constant 0 : index
    %get3A_133 = arith.constant 0 : index
    %get3A_134 = vector.load %arg1[%get3A_131, %get3A_132, %get3A_133] : memref<27x64x64xf32, #tpu.memory_space<vmem>>, vector<1x64x64xf32>
    %get3A_135 = vector.shape_cast %get3A_134 : vector<1x64x64xf32> to vector<64x64xf32>
    %dot_general3A_136 = arith.constant dense<0.000000e+00> : vector<64x600xf32>
    %dot_general3A_137 = tpu.matmul %get3A_135, %get3A_130, %dot_general3A_136 {dimension_numbers = #tpu.dot_dimension_numbers<[1], [0], [0], [1], [0, 0, 1, 1], [], []>, transpose_lhs_hint = false} : vector<64x64xf32>, vector<64x600xf32>, vector<64x600xf32> -> vector<64x600xf32>
    %add3A_138 = arith.addf %add3A_125, %dot_general3A_137 : vector<64x600xf32>
    %get3A_139 = arith.constant 0 : index
    %get3A_140 = arith.constant 0 : index
    %get3A_141 = arith.constant 2 : index
    %get3A_142 = vector.load %arg3[%get3A_139, %get3A_140, %get3A_141] : memref<1x64x656xf32, #tpu.memory_space<vmem>>, vector<1x64x600xf32>
    %get3A_143 = vector.shape_cast %get3A_142 : vector<1x64x600xf32> to vector<64x600xf32>
    %get3A_144 = arith.constant 11 : index
    %get3A_145 = arith.constant 0 : index
    %get3A_146 = arith.constant 0 : index
    %get3A_147 = vector.load %arg1[%get3A_144, %get3A_145, %get3A_146] : memref<27x64x64xf32, #tpu.memory_space<vmem>>, vector<1x64x64xf32>
    %get3A_148 = vector.shape_cast %get3A_147 : vector<1x64x64xf32> to vector<64x64xf32>
    %dot_general3A_149 = arith.constant dense<0.000000e+00> : vector<64x600xf32>
    %dot_general3A_150 = tpu.matmul %get3A_148, %get3A_143, %dot_general3A_149 {dimension_numbers = #tpu.dot_dimension_numbers<[1], [0], [0], [1], [0, 0, 1, 1], [], []>, transpose_lhs_hint = false} : vector<64x64xf32>, vector<64x600xf32>, vector<64x600xf32> -> vector<64x600xf32>
    %add3A_151 = arith.addf %add3A_138, %dot_general3A_150 : vector<64x600xf32>
    %get3A_152 = arith.constant 0 : index
    %get3A_153 = arith.constant 0 : index
    %get3A_154 = arith.constant 24 : index
    %get3A_155 = vector.load %arg3[%get3A_152, %get3A_153, %get3A_154] : memref<1x64x656xf32, #tpu.memory_space<vmem>>, vector<1x64x600xf32>
    %get3A_156 = vector.shape_cast %get3A_155 : vector<1x64x600xf32> to vector<64x600xf32>
    %get3A_157 = arith.constant 12 : index
    %get3A_158 = arith.constant 0 : index
    %get3A_159 = arith.constant 0 : index
    %get3A_160 = vector.load %arg1[%get3A_157, %get3A_158, %get3A_159] : memref<27x64x64xf32, #tpu.memory_space<vmem>>, vector<1x64x64xf32>
    %get3A_161 = vector.shape_cast %get3A_160 : vector<1x64x64xf32> to vector<64x64xf32>
    %dot_general3A_162 = arith.constant dense<0.000000e+00> : vector<64x600xf32>
    %dot_general3A_163 = tpu.matmul %get3A_161, %get3A_156, %dot_general3A_162 {dimension_numbers = #tpu.dot_dimension_numbers<[1], [0], [0], [1], [0, 0, 1, 1], [], []>, transpose_lhs_hint = false} : vector<64x64xf32>, vector<64x600xf32>, vector<64x600xf32> -> vector<64x600xf32>
    %add3A_164 = arith.addf %add3A_151, %dot_general3A_163 : vector<64x600xf32>
    %get3A_165 = arith.constant 0 : index
    %get3A_166 = arith.constant 0 : index
    %get3A_167 = arith.constant 25 : index
    %get3A_168 = vector.load %arg3[%get3A_165, %get3A_166, %get3A_167] : memref<1x64x656xf32, #tpu.memory_space<vmem>>, vector<1x64x600xf32>
    %get3A_169 = vector.shape_cast %get3A_168 : vector<1x64x600xf32> to vector<64x600xf32>
    %get3A_170 = arith.constant 13 : index
    %get3A_171 = arith.constant 0 : index
    %get3A_172 = arith.constant 0 : index
    %get3A_173 = vector.load %arg1[%get3A_170, %get3A_171, %get3A_172] : memref<27x64x64xf32, #tpu.memory_space<vmem>>, vector<1x64x64xf32>
    %get3A_174 = vector.shape_cast %get3A_173 : vector<1x64x64xf32> to vector<64x64xf32>
    %dot_general3A_175 = arith.constant dense<0.000000e+00> : vector<64x600xf32>
    %dot_general3A_176 = tpu.matmul %get3A_174, %get3A_169, %dot_general3A_175 {dimension_numbers = #tpu.dot_dimension_numbers<[1], [0], [0], [1], [0, 0, 1, 1], [], []>, transpose_lhs_hint = false} : vector<64x64xf32>, vector<64x600xf32>, vector<64x600xf32> -> vector<64x600xf32>
    %add3A_177 = arith.addf %add3A_164, %dot_general3A_176 : vector<64x600xf32>
    %get3A_178 = arith.constant 0 : index
    %get3A_179 = arith.constant 0 : index
    %get3A_180 = arith.constant 26 : index
    %get3A_181 = vector.load %arg3[%get3A_178, %get3A_179, %get3A_180] : memref<1x64x656xf32, #tpu.memory_space<vmem>>, vector<1x64x600xf32>
    %get3A_182 = vector.shape_cast %get3A_181 : vector<1x64x600xf32> to vector<64x600xf32>
    %get3A_183 = arith.constant 14 : index
    %get3A_184 = arith.constant 0 : index
    %get3A_185 = arith.constant 0 : index
    %get3A_186 = vector.load %arg1[%get3A_183, %get3A_184, %get3A_185] : memref<27x64x64xf32, #tpu.memory_space<vmem>>, vector<1x64x64xf32>
    %get3A_187 = vector.shape_cast %get3A_186 : vector<1x64x64xf32> to vector<64x64xf32>
    %dot_general3A_188 = arith.constant dense<0.000000e+00> : vector<64x600xf32>
    %dot_general3A_189 = tpu.matmul %get3A_187, %get3A_182, %dot_general3A_188 {dimension_numbers = #tpu.dot_dimension_numbers<[1], [0], [0], [1], [0, 0, 1, 1], [], []>, transpose_lhs_hint = false} : vector<64x64xf32>, vector<64x600xf32>, vector<64x600xf32> -> vector<64x600xf32>
    %add3A_190 = arith.addf %add3A_177, %dot_general3A_189 : vector<64x600xf32>
    %get3A_191 = arith.constant 0 : index
    %get3A_192 = arith.constant 0 : index
    %get3A_193 = arith.constant 48 : index
    %get3A_194 = vector.load %arg3[%get3A_191, %get3A_192, %get3A_193] : memref<1x64x656xf32, #tpu.memory_space<vmem>>, vector<1x64x600xf32>
    %get3A_195 = vector.shape_cast %get3A_194 : vector<1x64x600xf32> to vector<64x600xf32>
    %get3A_196 = arith.constant 15 : index
    %get3A_197 = arith.constant 0 : index
    %get3A_198 = arith.constant 0 : index
    %get3A_199 = vector.load %arg1[%get3A_196, %get3A_197, %get3A_198] : memref<27x64x64xf32, #tpu.memory_space<vmem>>, vector<1x64x64xf32>
    %get3A_200 = vector.shape_cast %get3A_199 : vector<1x64x64xf32> to vector<64x64xf32>
    %dot_general3A_201 = arith.constant dense<0.000000e+00> : vector<64x600xf32>
    %dot_general3A_202 = tpu.matmul %get3A_200, %get3A_195, %dot_general3A_201 {dimension_numbers = #tpu.dot_dimension_numbers<[1], [0], [0], [1], [0, 0, 1, 1], [], []>, transpose_lhs_hint = false} : vector<64x64xf32>, vector<64x600xf32>, vector<64x600xf32> -> vector<64x600xf32>
    %add3A_203 = arith.addf %add3A_190, %dot_general3A_202 : vector<64x600xf32>
    %get3A_204 = arith.constant 0 : index
    %get3A_205 = arith.constant 0 : index
    %get3A_206 = arith.constant 49 : index
    %get3A_207 = vector.load %arg3[%get3A_204, %get3A_205, %get3A_206] : memref<1x64x656xf32, #tpu.memory_space<vmem>>, vector<1x64x600xf32>
    %get3A_208 = vector.shape_cast %get3A_207 : vector<1x64x600xf32> to vector<64x600xf32>
    %get3A_209 = arith.constant 16 : index
    %get3A_210 = arith.constant 0 : index
    %get3A_211 = arith.constant 0 : index
    %get3A_212 = vector.load %arg1[%get3A_209, %get3A_210, %get3A_211] : memref<27x64x64xf32, #tpu.memory_space<vmem>>, vector<1x64x64xf32>
    %get3A_213 = vector.shape_cast %get3A_212 : vector<1x64x64xf32> to vector<64x64xf32>
    %dot_general3A_214 = arith.constant dense<0.000000e+00> : vector<64x600xf32>
    %dot_general3A_215 = tpu.matmul %get3A_213, %get3A_208, %dot_general3A_214 {dimension_numbers = #tpu.dot_dimension_numbers<[1], [0], [0], [1], [0, 0, 1, 1], [], []>, transpose_lhs_hint = false} : vector<64x64xf32>, vector<64x600xf32>, vector<64x600xf32> -> vector<64x600xf32>
    %add3A_216 = arith.addf %add3A_203, %dot_general3A_215 : vector<64x600xf32>
    %get3A_217 = arith.constant 0 : index
    %get3A_218 = arith.constant 0 : index
    %get3A_219 = arith.constant 50 : index
    %get3A_220 = vector.load %arg3[%get3A_217, %get3A_218, %get3A_219] : memref<1x64x656xf32, #tpu.memory_space<vmem>>, vector<1x64x600xf32>
    %get3A_221 = vector.shape_cast %get3A_220 : vector<1x64x600xf32> to vector<64x600xf32>
    %get3A_222 = arith.constant 17 : index
    %get3A_223 = arith.constant 0 : index
    %get3A_224 = arith.constant 0 : index
    %get3A_225 = vector.load %arg1[%get3A_222, %get3A_223, %get3A_224] : memref<27x64x64xf32, #tpu.memory_space<vmem>>, vector<1x64x64xf32>
    %get3A_226 = vector.shape_cast %get3A_225 : vector<1x64x64xf32> to vector<64x64xf32>
    %dot_general3A_227 = arith.constant dense<0.000000e+00> : vector<64x600xf32>
    %dot_general3A_228 = tpu.matmul %get3A_226, %get3A_221, %dot_general3A_227 {dimension_numbers = #tpu.dot_dimension_numbers<[1], [0], [0], [1], [0, 0, 1, 1], [], []>, transpose_lhs_hint = false} : vector<64x64xf32>, vector<64x600xf32>, vector<64x600xf32> -> vector<64x600xf32>
    %add3A_229 = arith.addf %add3A_216, %dot_general3A_228 : vector<64x600xf32>
    %get3A_230 = arith.constant 0 : index
    %get3A_231 = arith.constant 0 : index
    %get3A_232 = arith.constant 0 : index
    %get3A_233 = vector.load %arg4[%get3A_230, %get3A_231, %get3A_232] : memref<1x64x656xf32, #tpu.memory_space<vmem>>, vector<1x64x600xf32>
    %get3A_234 = vector.shape_cast %get3A_233 : vector<1x64x600xf32> to vector<64x600xf32>
    %get3A_235 = arith.constant 18 : index
    %get3A_236 = arith.constant 0 : index
    %get3A_237 = arith.constant 0 : index
    %get3A_238 = vector.load %arg1[%get3A_235, %get3A_236, %get3A_237] : memref<27x64x64xf32, #tpu.memory_space<vmem>>, vector<1x64x64xf32>
    %get3A_239 = vector.shape_cast %get3A_238 : vector<1x64x64xf32> to vector<64x64xf32>
    %dot_general3A_240 = arith.constant dense<0.000000e+00> : vector<64x600xf32>
    %dot_general3A_241 = tpu.matmul %get3A_239, %get3A_234, %dot_general3A_240 {dimension_numbers = #tpu.dot_dimension_numbers<[1], [0], [0], [1], [0, 0, 1, 1], [], []>, transpose_lhs_hint = false} : vector<64x64xf32>, vector<64x600xf32>, vector<64x600xf32> -> vector<64x600xf32>
    %add3A_242 = arith.addf %add3A_229, %dot_general3A_241 : vector<64x600xf32>
    %get3A_243 = arith.constant 0 : index
    %get3A_244 = arith.constant 0 : index
    %get3A_245 = arith.constant 1 : index
    %get3A_246 = vector.load %arg4[%get3A_243, %get3A_244, %get3A_245] : memref<1x64x656xf32, #tpu.memory_space<vmem>>, vector<1x64x600xf32>
    %get3A_247 = vector.shape_cast %get3A_246 : vector<1x64x600xf32> to vector<64x600xf32>
    %get3A_248 = arith.constant 19 : index
    %get3A_249 = arith.constant 0 : index
    %get3A_250 = arith.constant 0 : index
    %get3A_251 = vector.load %arg1[%get3A_248, %get3A_249, %get3A_250] : memref<27x64x64xf32, #tpu.memory_space<vmem>>, vector<1x64x64xf32>
    %get3A_252 = vector.shape_cast %get3A_251 : vector<1x64x64xf32> to vector<64x64xf32>
    %dot_general3A_253 = arith.constant dense<0.000000e+00> : vector<64x600xf32>
    %dot_general3A_254 = tpu.matmul %get3A_252, %get3A_247, %dot_general3A_253 {dimension_numbers = #tpu.dot_dimension_numbers<[1], [0], [0], [1], [0, 0, 1, 1], [], []>, transpose_lhs_hint = false} : vector<64x64xf32>, vector<64x600xf32>, vector<64x600xf32> -> vector<64x600xf32>
    %add3A_255 = arith.addf %add3A_242, %dot_general3A_254 : vector<64x600xf32>
    %get3A_256 = arith.constant 0 : index
    %get3A_257 = arith.constant 0 : index
    %get3A_258 = arith.constant 2 : index
    %get3A_259 = vector.load %arg4[%get3A_256, %get3A_257, %get3A_258] : memref<1x64x656xf32, #tpu.memory_space<vmem>>, vector<1x64x600xf32>
    %get3A_260 = vector.shape_cast %get3A_259 : vector<1x64x600xf32> to vector<64x600xf32>
    %get3A_261 = arith.constant 20 : index
    %get3A_262 = arith.constant 0 : index
    %get3A_263 = arith.constant 0 : index
    %get3A_264 = vector.load %arg1[%get3A_261, %get3A_262, %get3A_263] : memref<27x64x64xf32, #tpu.memory_space<vmem>>, vector<1x64x64xf32>
    %get3A_265 = vector.shape_cast %get3A_264 : vector<1x64x64xf32> to vector<64x64xf32>
    %dot_general3A_266 = arith.constant dense<0.000000e+00> : vector<64x600xf32>
    %dot_general3A_267 = tpu.matmul %get3A_265, %get3A_260, %dot_general3A_266 {dimension_numbers = #tpu.dot_dimension_numbers<[1], [0], [0], [1], [0, 0, 1, 1], [], []>, transpose_lhs_hint = false} : vector<64x64xf32>, vector<64x600xf32>, vector<64x600xf32> -> vector<64x600xf32>
    %add3A_268 = arith.addf %add3A_255, %dot_general3A_267 : vector<64x600xf32>
    %get3A_269 = arith.constant 0 : index
    %get3A_270 = arith.constant 0 : index
    %get3A_271 = arith.constant 24 : index
    %get3A_272 = vector.load %arg4[%get3A_269, %get3A_270, %get3A_271] : memref<1x64x656xf32, #tpu.memory_space<vmem>>, vector<1x64x600xf32>
    %get3A_273 = vector.shape_cast %get3A_272 : vector<1x64x600xf32> to vector<64x600xf32>
    %get3A_274 = arith.constant 21 : index
    %get3A_275 = arith.constant 0 : index
    %get3A_276 = arith.constant 0 : index
    %get3A_277 = vector.load %arg1[%get3A_274, %get3A_275, %get3A_276] : memref<27x64x64xf32, #tpu.memory_space<vmem>>, vector<1x64x64xf32>
    %get3A_278 = vector.shape_cast %get3A_277 : vector<1x64x64xf32> to vector<64x64xf32>
    %dot_general3A_279 = arith.constant dense<0.000000e+00> : vector<64x600xf32>
    %dot_general3A_280 = tpu.matmul %get3A_278, %get3A_273, %dot_general3A_279 {dimension_numbers = #tpu.dot_dimension_numbers<[1], [0], [0], [1], [0, 0, 1, 1], [], []>, transpose_lhs_hint = false} : vector<64x64xf32>, vector<64x600xf32>, vector<64x600xf32> -> vector<64x600xf32>
    %add3A_281 = arith.addf %add3A_268, %dot_general3A_280 : vector<64x600xf32>
    %get3A_282 = arith.constant 0 : index
    %get3A_283 = arith.constant 0 : index
    %get3A_284 = arith.constant 25 : index
    %get3A_285 = vector.load %arg4[%get3A_282, %get3A_283, %get3A_284] : memref<1x64x656xf32, #tpu.memory_space<vmem>>, vector<1x64x600xf32>
    %get3A_286 = vector.shape_cast %get3A_285 : vector<1x64x600xf32> to vector<64x600xf32>
    %get3A_287 = arith.constant 22 : index
    %get3A_288 = arith.constant 0 : index
    %get3A_289 = arith.constant 0 : index
    %get3A_290 = vector.load %arg1[%get3A_287, %get3A_288, %get3A_289] : memref<27x64x64xf32, #tpu.memory_space<vmem>>, vector<1x64x64xf32>
    %get3A_291 = vector.shape_cast %get3A_290 : vector<1x64x64xf32> to vector<64x64xf32>
    %dot_general3A_292 = arith.constant dense<0.000000e+00> : vector<64x600xf32>
    %dot_general3A_293 = tpu.matmul %get3A_291, %get3A_286, %dot_general3A_292 {dimension_numbers = #tpu.dot_dimension_numbers<[1], [0], [0], [1], [0, 0, 1, 1], [], []>, transpose_lhs_hint = false} : vector<64x64xf32>, vector<64x600xf32>, vector<64x600xf32> -> vector<64x600xf32>
    %add3A_294 = arith.addf %add3A_281, %dot_general3A_293 : vector<64x600xf32>
    %get3A_295 = arith.constant 0 : index
    %get3A_296 = arith.constant 0 : index
    %get3A_297 = arith.constant 26 : index
    %get3A_298 = vector.load %arg4[%get3A_295, %get3A_296, %get3A_297] : memref<1x64x656xf32, #tpu.memory_space<vmem>>, vector<1x64x600xf32>
    %get3A_299 = vector.shape_cast %get3A_298 : vector<1x64x600xf32> to vector<64x600xf32>
    %get3A_300 = arith.constant 23 : index
    %get3A_301 = arith.constant 0 : index
    %get3A_302 = arith.constant 0 : index
    %get3A_303 = vector.load %arg1[%get3A_300, %get3A_301, %get3A_302] : memref<27x64x64xf32, #tpu.memory_space<vmem>>, vector<1x64x64xf32>
    %get3A_304 = vector.shape_cast %get3A_303 : vector<1x64x64xf32> to vector<64x64xf32>
    %dot_general3A_305 = arith.constant dense<0.000000e+00> : vector<64x600xf32>
    %dot_general3A_306 = tpu.matmul %get3A_304, %get3A_299, %dot_general3A_305 {dimension_numbers = #tpu.dot_dimension_numbers<[1], [0], [0], [1], [0, 0, 1, 1], [], []>, transpose_lhs_hint = false} : vector<64x64xf32>, vector<64x600xf32>, vector<64x600xf32> -> vector<64x600xf32>
    %add3A_307 = arith.addf %add3A_294, %dot_general3A_306 : vector<64x600xf32>
    %get3A_308 = arith.constant 0 : index
    %get3A_309 = arith.constant 0 : index
    %get3A_310 = arith.constant 48 : index
    %get3A_311 = vector.load %arg4[%get3A_308, %get3A_309, %get3A_310] : memref<1x64x656xf32, #tpu.memory_space<vmem>>, vector<1x64x600xf32>
    %get3A_312 = vector.shape_cast %get3A_311 : vector<1x64x600xf32> to vector<64x600xf32>
    %get3A_313 = arith.constant 24 : index
    %get3A_314 = arith.constant 0 : index
    %get3A_315 = arith.constant 0 : index
    %get3A_316 = vector.load %arg1[%get3A_313, %get3A_314, %get3A_315] : memref<27x64x64xf32, #tpu.memory_space<vmem>>, vector<1x64x64xf32>
    %get3A_317 = vector.shape_cast %get3A_316 : vector<1x64x64xf32> to vector<64x64xf32>
    %dot_general3A_318 = arith.constant dense<0.000000e+00> : vector<64x600xf32>
    %dot_general3A_319 = tpu.matmul %get3A_317, %get3A_312, %dot_general3A_318 {dimension_numbers = #tpu.dot_dimension_numbers<[1], [0], [0], [1], [0, 0, 1, 1], [], []>, transpose_lhs_hint = false} : vector<64x64xf32>, vector<64x600xf32>, vector<64x600xf32> -> vector<64x600xf32>
    %add3A_320 = arith.addf %add3A_307, %dot_general3A_319 : vector<64x600xf32>
    %get3A_321 = arith.constant 0 : index
    %get3A_322 = arith.constant 0 : index
    %get3A_323 = arith.constant 49 : index
    %get3A_324 = vector.load %arg4[%get3A_321, %get3A_322, %get3A_323] : memref<1x64x656xf32, #tpu.memory_space<vmem>>, vector<1x64x600xf32>
    %get3A_325 = vector.shape_cast %get3A_324 : vector<1x64x600xf32> to vector<64x600xf32>
    %get3A_326 = arith.constant 25 : index
    %get3A_327 = arith.constant 0 : index
    %get3A_328 = arith.constant 0 : index
    %get3A_329 = vector.load %arg1[%get3A_326, %get3A_327, %get3A_328] : memref<27x64x64xf32, #tpu.memory_space<vmem>>, vector<1x64x64xf32>
    %get3A_330 = vector.shape_cast %get3A_329 : vector<1x64x64xf32> to vector<64x64xf32>
    %dot_general3A_331 = arith.constant dense<0.000000e+00> : vector<64x600xf32>
    %dot_general3A_332 = tpu.matmul %get3A_330, %get3A_325, %dot_general3A_331 {dimension_numbers = #tpu.dot_dimension_numbers<[1], [0], [0], [1], [0, 0, 1, 1], [], []>, transpose_lhs_hint = false} : vector<64x64xf32>, vector<64x600xf32>, vector<64x600xf32> -> vector<64x600xf32>
    %add3A_333 = arith.addf %add3A_320, %dot_general3A_332 : vector<64x600xf32>
    %get3A_334 = arith.constant 0 : index
    %get3A_335 = arith.constant 0 : index
    %get3A_336 = arith.constant 50 : index
    %get3A_337 = vector.load %arg4[%get3A_334, %get3A_335, %get3A_336] : memref<1x64x656xf32, #tpu.memory_space<vmem>>, vector<1x64x600xf32>
    %get3A_338 = vector.shape_cast %get3A_337 : vector<1x64x600xf32> to vector<64x600xf32>
    %get3A_339 = arith.constant 26 : index
    %get3A_340 = arith.constant 0 : index
    %get3A_341 = arith.constant 0 : index
    %get3A_342 = vector.load %arg1[%get3A_339, %get3A_340, %get3A_341] : memref<27x64x64xf32, #tpu.memory_space<vmem>>, vector<1x64x64xf32>
    %get3A_343 = vector.shape_cast %get3A_342 : vector<1x64x64xf32> to vector<64x64xf32>
    %dot_general3A_344 = arith.constant dense<0.000000e+00> : vector<64x600xf32>
    %dot_general3A_345 = tpu.matmul %get3A_343, %get3A_338, %dot_general3A_344 {dimension_numbers = #tpu.dot_dimension_numbers<[1], [0], [0], [1], [0, 0, 1, 1], [], []>, transpose_lhs_hint = false} : vector<64x64xf32>, vector<64x600xf32>, vector<64x600xf32> -> vector<64x600xf32>
    %add3A_346 = arith.addf %add3A_333, %dot_general3A_345 : vector<64x600xf32>
    %swap3A = arith.constant 0 : index
    %swap3A_347 = arith.constant 0 : index
    %swap3A_348 = arith.constant 0 : index
    %swap3A_349 = vector.load %arg5[%swap3A, %swap3A_347, %swap3A_348] : memref<1x64x600xf32, #tpu.memory_space<vmem>>, vector<1x64x600xf32>
    %swap3A_350 = vector.shape_cast %swap3A_349 : vector<1x64x600xf32> to vector<64x600xf32>
    %swap3A_351 = vector.shape_cast %add3A_346 : vector<64x600xf32> to vector<1x64x600xf32>
    tpu.vector_store %arg5[%swap3A, %swap3A_347, %swap3A_348], %swap3A_351 {strides = array<i32>} : memref<1x64x600xf32, #tpu.memory_space<vmem>>, vector<1x64x600xf32>,
    %reshape3A = vector.shape_cast %add3A_346 : vector<64x600xf32> to vector<64x25x24xf32>
    %iota3A = tpu.iota {dimensions = array<i32: 2>} : vector<1x1x24xi32>
    %lt3A = arith.constant 22 : i32
    %lt3A_352 = vector.broadcast %lt3A : i32 to vector<1x1x24xi32>
    %lt3A_353 = arith.cmpi slt, %iota3A, %lt3A_352 : vector<1x1x24xi32>
    %jit3A = arith.constant 0.000000e+00 : f32
    %broadcast_in_dim3A = vector.shape_cast %lt3A_353 : vector<1x1x24xi1> to vector<1x1x24xi1>
    %broadcast_in_dim3A_354 = vector.broadcast %broadcast_in_dim3A : vector<1x1x24xi1> to vector<64x25x24xi1>
    %broadcast_in_dim3A_355 = vector.broadcast %jit3A : f32 to vector<64x25x24xf32>
    %select_n3A = arith.select %broadcast_in_dim3A_354, %reshape3A, %broadcast_in_dim3A_355 : vector<64x25x24xi1>, vector<64x25x24xf32>
    %reduce_sum3A = arith.constant dense<0.000000e+00> : vector<64x25xf32>
    %reduce_sum3A_356 = vector.multi_reduction <add>, %select_n3A, %reduce_sum3A [2] : vector<64x25x24xf32> to vector<64x25xf32>
    %reduce_sum3A_357 = arith.constant dense<0.000000e+00> : vector<64xf32>
    %reduce_sum3A_358 = vector.multi_reduction <add>, %reduce_sum3A_356, %reduce_sum3A_357 [1] : vector<64x25xf32> to vector<64xf32>
    %swap3A_359 = arith.constant 0 : index
    %swap3A_360 = arith.constant 0 : index
    %swap3A_361 = arith.constant 0 : index
    %swap3A_362 = vector.load %arg6[%swap3A_359, %swap3A_360, %swap3A_361] : memref<1x2x64xf32, #tpu.memory_space<vmem>>, vector<1x1x64xf32>
    %swap3A_363 = vector.shape_cast %swap3A_362 : vector<1x1x64xf32> to vector<64xf32>
    %swap3A_364 = vector.shape_cast %reduce_sum3A_358 : vector<64xf32> to vector<1x1x64xf32>
    tpu.vector_store %arg6[%swap3A_359, %swap3A_360, %swap3A_361], %swap3A_364 {strides = array<i32>} : memref<1x2x64xf32, #tpu.memory_space<vmem>>, vector<1x1x64xf32>,
    %mul3A = arith.mulf %select_n3A, %select_n3A : vector<64x25x24xf32>
    %reduce_sum3A_365 = arith.constant dense<0.000000e+00> : vector<64x25xf32>
    %reduce_sum3A_366 = vector.multi_reduction <add>, %mul3A, %reduce_sum3A_365 [2] : vector<64x25x24xf32> to vector<64x25xf32>
    %reduce_sum3A_367 = arith.constant dense<0.000000e+00> : vector<64xf32>
    %reduce_sum3A_368 = vector.multi_reduction <add>, %reduce_sum3A_366, %reduce_sum3A_367 [1] : vector<64x25xf32> to vector<64xf32>
    %swap3A_369 = arith.constant 0 : index
    %swap3A_370 = arith.constant 1 : index
    %swap3A_371 = arith.constant 0 : index
    %swap3A_372 = vector.load %arg6[%swap3A_369, %swap3A_370, %swap3A_371] : memref<1x2x64xf32, #tpu.memory_space<vmem>>, vector<1x1x64xf32>
    %swap3A_373 = vector.shape_cast %swap3A_372 : vector<1x1x64xf32> to vector<64xf32>
    %swap3A_374 = vector.shape_cast %reduce_sum3A_368 : vector<64xf32> to vector<1x1x64xf32>
    tpu.vector_store %arg6[%swap3A_369, %swap3A_370, %swap3A_371], %swap3A_374 {strides = array<i32>} : memref<1x2x64xf32, #tpu.memory_space<vmem>>, vector<1x1x64xf32>,
    return
  }
  func.func @transform_0(%arg0: i32) -> (i32, i32, i32) {
    %c0_i32 = arith.constant 0 : i32
    %c0_i32_0 = arith.constant 0 : i32
    %c0_i32_1 = arith.constant 0 : i32
    %c0_i32_2 = arith.constant 0 : i32
    return %c0_i32, %c0_i32_0, %c0_i32_1 : i32, i32, i32
  }
  func.func @transform_1(%arg0: i32) -> (i32, i32, i32) {
    %add3A = arith.constant 0 : i32
    %add3A_0 = arith.addi %arg0, %add3A : i32
    %c0_i32 = arith.constant 0 : i32
    %c0_i32_1 = arith.constant 0 : i32
    %c0_i32_2 = arith.constant 0 : i32
    return %add3A_0, %c0_i32, %c0_i32_1 : i32, i32, i32
  }
  func.func @transform_2(%arg0: i32) -> (i32, i32, i32) {
    %add3A = arith.constant 1 : i32
    %add3A_0 = arith.addi %arg0, %add3A : i32
    %c0_i32 = arith.constant 0 : i32
    %c0_i32_1 = arith.constant 0 : i32
    %c0_i32_2 = arith.constant 0 : i32
    return %add3A_0, %c0_i32, %c0_i32_1 : i32, i32, i32
  }
  func.func @transform_3(%arg0: i32) -> (i32, i32, i32) {
    %add3A = arith.constant 2 : i32
    %add3A_0 = arith.addi %arg0, %add3A : i32
    %c0_i32 = arith.constant 0 : i32
    %c0_i32_1 = arith.constant 0 : i32
    %c0_i32_2 = arith.constant 0 : i32
    return %add3A_0, %c0_i32, %c0_i32_1 : i32, i32, i32
  }
  func.func @transform_4(%arg0: i32) -> (i32, i32, i32) {
    %c0_i32 = arith.constant 0 : i32
    %c0_i32_0 = arith.constant 0 : i32
    %c0_i32_1 = arith.constant 0 : i32
    return %arg0, %c0_i32, %c0_i32_0 : i32, i32, i32
  }
  func.func @transform_5(%arg0: i32) -> (i32, i32, i32) {
    %c0_i32 = arith.constant 0 : i32
    %c0_i32_0 = arith.constant 0 : i32
    %c0_i32_1 = arith.constant 0 : i32
    return %arg0, %c0_i32, %c0_i32_0 : i32, i32, i32
  }
}

module attributes {stable_mosaic.version = 14 : i64} {
  func.func @_affine_body(%arg0: i32, %arg1: memref<1x64x550xf32, #tpu.memory_space<vmem>>, %arg2: memref<64x1xf32, #tpu.memory_space<vmem>>, %arg3: memref<64x1xf32, #tpu.memory_space<vmem>>, %arg4: memref<1x64x550xf32, #tpu.memory_space<vmem>>, %arg5: memref<1x64x550xf32, #tpu.memory_space<vmem>>) attributes {dimension_semantics = [#tpu.dimension_semantics<arbitrary>], iteration_bounds = array<i64: 3>, scalar_prefetch = 0 : i64, scratch_operands = 0 : i64, tpu.core_type = #tpu.core_type<tc>, window_params = [{transform_indices = @transform_0, window_bounds = array<i64: 1, 64, 550>}, {pipeline_mode = #tpu.pipeline_mode<synchronous>, transform_indices = @transform_1, window_bounds = array<i64: 64, 1>}, {pipeline_mode = #tpu.pipeline_mode<synchronous>, transform_indices = @transform_2, window_bounds = array<i64: 64, 1>}, {transform_indices = @transform_3, window_bounds = array<i64: 1, 64, 550>}, {transform_indices = @transform_4, window_bounds = array<i64: 1, 64, 550>}]} {
    %get3A = arith.constant 0 : index
    %get3A_0 = arith.constant 0 : index
    %get3A_1 = arith.constant 0 : index
    %get3A_2 = vector.load %arg1[%get3A, %get3A_0, %get3A_1] : memref<1x64x550xf32, #tpu.memory_space<vmem>>, vector<1x64x550xf32>
    %get3A_3 = arith.constant 0 : index
    %get3A_4 = arith.constant 0 : index
    %get3A_5 = vector.load %arg2[%get3A_3, %get3A_4] : memref<64x1xf32, #tpu.memory_space<vmem>>, vector<64x1xf32>
    %broadcast_in_dim3A = vector.shape_cast %get3A_5 : vector<64x1xf32> to vector<1x64x1xf32>
    %mul3A = vector.broadcast %broadcast_in_dim3A : vector<1x64x1xf32> to vector<1x64x550xf32>
    %mul3A_6 = arith.mulf %get3A_2, %mul3A : vector<1x64x550xf32>
    %get3A_7 = arith.constant 0 : index
    %get3A_8 = arith.constant 0 : index
    %get3A_9 = vector.load %arg3[%get3A_7, %get3A_8] : memref<64x1xf32, #tpu.memory_space<vmem>>, vector<64x1xf32>
    %broadcast_in_dim3A_10 = vector.shape_cast %get3A_9 : vector<64x1xf32> to vector<1x64x1xf32>
    %add3A = vector.broadcast %broadcast_in_dim3A_10 : vector<1x64x1xf32> to vector<1x64x550xf32>
    %add3A_11 = arith.addf %mul3A_6, %add3A : vector<1x64x550xf32>
    %get3A_12 = arith.constant 0 : index
    %get3A_13 = arith.constant 0 : index
    %get3A_14 = arith.constant 0 : index
    %get3A_15 = vector.load %arg4[%get3A_12, %get3A_13, %get3A_14] : memref<1x64x550xf32, #tpu.memory_space<vmem>>, vector<1x64x550xf32>
    %add3A_16 = arith.addf %add3A_11, %get3A_15 : vector<1x64x550xf32>
    %max3A = arith.constant 0.000000e+00 : f32
    %max3A_17 = vector.broadcast %max3A : f32 to vector<1x64x550xf32>
    %max3A_18 = arith.maximumf %add3A_16, %max3A_17 : vector<1x64x550xf32>
    %swap3A = arith.constant 0 : index
    %swap3A_19 = arith.constant 0 : index
    %swap3A_20 = arith.constant 0 : index
    %swap3A_21 = vector.load %arg5[%swap3A, %swap3A_19, %swap3A_20] : memref<1x64x550xf32, #tpu.memory_space<vmem>>, vector<1x64x550xf32>
    tpu.vector_store %arg5[%swap3A, %swap3A_19, %swap3A_20], %max3A_18 {strides = array<i32>} : memref<1x64x550xf32, #tpu.memory_space<vmem>>, vector<1x64x550xf32>,
    return
  }
  func.func @transform_0(%arg0: i32) -> (i32, i32, i32) {
    %c0_i32 = arith.constant 0 : i32
    %c0_i32_0 = arith.constant 0 : i32
    %c0_i32_1 = arith.constant 0 : i32
    return %arg0, %c0_i32, %c0_i32_0 : i32, i32, i32
  }
  func.func @transform_1(%arg0: i32) -> (i32, i32) {
    %c0_i32 = arith.constant 0 : i32
    %c0_i32_0 = arith.constant 0 : i32
    %c0_i32_1 = arith.constant 0 : i32
    return %c0_i32, %c0_i32_0 : i32, i32
  }
  func.func @transform_2(%arg0: i32) -> (i32, i32) {
    %c0_i32 = arith.constant 0 : i32
    %c0_i32_0 = arith.constant 0 : i32
    %c0_i32_1 = arith.constant 0 : i32
    return %c0_i32, %c0_i32_0 : i32, i32
  }
  func.func @transform_3(%arg0: i32) -> (i32, i32, i32) {
    %c0_i32 = arith.constant 0 : i32
    %c0_i32_0 = arith.constant 0 : i32
    %c0_i32_1 = arith.constant 0 : i32
    return %arg0, %c0_i32, %c0_i32_0 : i32, i32, i32
  }
  func.func @transform_4(%arg0: i32) -> (i32, i32, i32) {
    %c0_i32 = arith.constant 0 : i32
    %c0_i32_0 = arith.constant 0 : i32
    %c0_i32_1 = arith.constant 0 : i32
    return %arg0, %c0_i32, %c0_i32_0 : i32, i32, i32
  }
}

module attributes {stable_mosaic.version = 14 : i64} {
  func.func @_conv_body(%arg0: i32, %arg1: memref<1x64x64xf32, #tpu.memory_space<vmem>>, %arg2: memref<1x64x558xf32, #tpu.memory_space<vmem>>, %arg3: memref<1x64x550xf32, #tpu.memory_space<vmem>>, %arg4: memref<1x2x64xf32, #tpu.memory_space<vmem>>) attributes {dimension_semantics = [#tpu.dimension_semantics<arbitrary>], iteration_bounds = array<i64: 3>, scalar_prefetch = 0 : i64, scratch_operands = 0 : i64, tpu.core_type = #tpu.core_type<tc>, window_params = [{pipeline_mode = #tpu.pipeline_mode<synchronous>, transform_indices = @transform_0, window_bounds = array<i64: 1, 64, 64>}, {transform_indices = @transform_1, window_bounds = array<i64: 1, 64, 558>}, {transform_indices = @transform_2, window_bounds = array<i64: 1, 64, 550>}, {transform_indices = @transform_3, window_bounds = array<i64: 1, 2, 64>}]} {
    %get3A = arith.constant 0 : index
    %get3A_0 = arith.constant 0 : index
    %get3A_1 = arith.constant 0 : index
    %get3A_2 = vector.load %arg2[%get3A, %get3A_0, %get3A_1] : memref<1x64x558xf32, #tpu.memory_space<vmem>>, vector<1x64x550xf32>
    %get3A_3 = vector.shape_cast %get3A_2 : vector<1x64x550xf32> to vector<64x550xf32>
    %get3A_4 = arith.constant 0 : index
    %get3A_5 = arith.constant 0 : index
    %get3A_6 = arith.constant 0 : index
    %get3A_7 = vector.load %arg1[%get3A_4, %get3A_5, %get3A_6] : memref<1x64x64xf32, #tpu.memory_space<vmem>>, vector<1x64x64xf32>
    %get3A_8 = vector.shape_cast %get3A_7 : vector<1x64x64xf32> to vector<64x64xf32>
    %dot_general3A = arith.constant dense<0.000000e+00> : vector<64x550xf32>
    %dot_general3A_9 = tpu.matmul %get3A_8, %get3A_3, %dot_general3A {dimension_numbers = #tpu.dot_dimension_numbers<[1], [0], [0], [1], [0, 0, 1, 1], [], []>, transpose_lhs_hint = false} : vector<64x64xf32>, vector<64x550xf32>, vector<64x550xf32> -> vector<64x550xf32>
    %swap3A = arith.constant 0 : index
    %swap3A_10 = arith.constant 0 : index
    %swap3A_11 = arith.constant 0 : index
    %swap3A_12 = vector.load %arg3[%swap3A, %swap3A_10, %swap3A_11] : memref<1x64x550xf32, #tpu.memory_space<vmem>>, vector<1x64x550xf32>
    %swap3A_13 = vector.shape_cast %swap3A_12 : vector<1x64x550xf32> to vector<64x550xf32>
    %swap3A_14 = vector.shape_cast %dot_general3A_9 : vector<64x550xf32> to vector<1x64x550xf32>
    tpu.vector_store %arg3[%swap3A, %swap3A_10, %swap3A_11], %swap3A_14 {strides = array<i32>} : memref<1x64x550xf32, #tpu.memory_space<vmem>>, vector<1x64x550xf32>,
    %reshape3A = vector.shape_cast %dot_general3A_9 : vector<64x550xf32> to vector<64x25x22xf32>
    %reduce_sum3A = arith.constant dense<0.000000e+00> : vector<64x25xf32>
    %reduce_sum3A_15 = vector.multi_reduction <add>, %reshape3A, %reduce_sum3A [2] : vector<64x25x22xf32> to vector<64x25xf32>
    %reduce_sum3A_16 = arith.constant dense<0.000000e+00> : vector<64xf32>
    %reduce_sum3A_17 = vector.multi_reduction <add>, %reduce_sum3A_15, %reduce_sum3A_16 [1] : vector<64x25xf32> to vector<64xf32>
    %swap3A_18 = arith.constant 0 : index
    %swap3A_19 = arith.constant 0 : index
    %swap3A_20 = arith.constant 0 : index
    %swap3A_21 = vector.load %arg4[%swap3A_18, %swap3A_19, %swap3A_20] : memref<1x2x64xf32, #tpu.memory_space<vmem>>, vector<1x1x64xf32>
    %swap3A_22 = vector.shape_cast %swap3A_21 : vector<1x1x64xf32> to vector<64xf32>
    %swap3A_23 = vector.shape_cast %reduce_sum3A_17 : vector<64xf32> to vector<1x1x64xf32>
    tpu.vector_store %arg4[%swap3A_18, %swap3A_19, %swap3A_20], %swap3A_23 {strides = array<i32>} : memref<1x2x64xf32, #tpu.memory_space<vmem>>, vector<1x1x64xf32>,
    %mul3A = arith.mulf %reshape3A, %reshape3A : vector<64x25x22xf32>
    %reduce_sum3A_24 = arith.constant dense<0.000000e+00> : vector<64x25xf32>
    %reduce_sum3A_25 = vector.multi_reduction <add>, %mul3A, %reduce_sum3A_24 [2] : vector<64x25x22xf32> to vector<64x25xf32>
    %reduce_sum3A_26 = arith.constant dense<0.000000e+00> : vector<64xf32>
    %reduce_sum3A_27 = vector.multi_reduction <add>, %reduce_sum3A_25, %reduce_sum3A_26 [1] : vector<64x25xf32> to vector<64xf32>
    %swap3A_28 = arith.constant 0 : index
    %swap3A_29 = arith.constant 1 : index
    %swap3A_30 = arith.constant 0 : index
    %swap3A_31 = vector.load %arg4[%swap3A_28, %swap3A_29, %swap3A_30] : memref<1x2x64xf32, #tpu.memory_space<vmem>>, vector<1x1x64xf32>
    %swap3A_32 = vector.shape_cast %swap3A_31 : vector<1x1x64xf32> to vector<64xf32>
    %swap3A_33 = vector.shape_cast %reduce_sum3A_27 : vector<64xf32> to vector<1x1x64xf32>
    tpu.vector_store %arg4[%swap3A_28, %swap3A_29, %swap3A_30], %swap3A_33 {strides = array<i32>} : memref<1x2x64xf32, #tpu.memory_space<vmem>>, vector<1x1x64xf32>,
    return
  }
  func.func @transform_0(%arg0: i32) -> (i32, i32, i32) {
    %c0_i32 = arith.constant 0 : i32
    %c0_i32_0 = arith.constant 0 : i32
    %c0_i32_1 = arith.constant 0 : i32
    %c0_i32_2 = arith.constant 0 : i32
    return %c0_i32, %c0_i32_0, %c0_i32_1 : i32, i32, i32
  }
  func.func @transform_1(%arg0: i32) -> (i32, i32, i32) {
    %add3A = arith.constant 0 : i32
    %add3A_0 = arith.addi %arg0, %add3A : i32
    %c0_i32 = arith.constant 0 : i32
    %c0_i32_1 = arith.constant 0 : i32
    %c0_i32_2 = arith.constant 0 : i32
    return %add3A_0, %c0_i32, %c0_i32_1 : i32, i32, i32
  }
  func.func @transform_2(%arg0: i32) -> (i32, i32, i32) {
    %c0_i32 = arith.constant 0 : i32
    %c0_i32_0 = arith.constant 0 : i32
    %c0_i32_1 = arith.constant 0 : i32
    return %arg0, %c0_i32, %c0_i32_0 : i32, i32, i32
  }
  func.func @transform_3(%arg0: i32) -> (i32, i32, i32) {
    %c0_i32 = arith.constant 0 : i32
    %c0_i32_0 = arith.constant 0 : i32
    %c0_i32_1 = arith.constant 0 : i32
    return %arg0, %c0_i32, %c0_i32_0 : i32, i32, i32
  }
}

module attributes {stable_mosaic.version = 14 : i64} {
  func.func @_conv_body(%arg0: i32, %arg1: memref<3x256x64xf32, #tpu.memory_space<vmem>>, %arg2: memref<1x64x558xf32, #tpu.memory_space<vmem>>, %arg3: memref<1x64x558xf32, #tpu.memory_space<vmem>>, %arg4: memref<1x64x558xf32, #tpu.memory_space<vmem>>, %arg5: memref<1x256x550xf32, #tpu.memory_space<vmem>>, %arg6: memref<1x2x256xf32, #tpu.memory_space<vmem>>) attributes {dimension_semantics = [#tpu.dimension_semantics<arbitrary>], iteration_bounds = array<i64: 1>, scalar_prefetch = 0 : i64, scratch_operands = 0 : i64, tpu.core_type = #tpu.core_type<tc>, window_params = [{pipeline_mode = #tpu.pipeline_mode<synchronous>, transform_indices = @transform_0, window_bounds = array<i64: 3, 256, 64>}, {transform_indices = @transform_1, window_bounds = array<i64: 1, 64, 558>}, {transform_indices = @transform_2, window_bounds = array<i64: 1, 64, 558>}, {transform_indices = @transform_3, window_bounds = array<i64: 1, 64, 558>}, {transform_indices = @transform_4, window_bounds = array<i64: 1, 256, 550>}, {transform_indices = @transform_5, window_bounds = array<i64: 1, 2, 256>}]} {
    %get3A = arith.constant 0 : index
    %get3A_0 = arith.constant 0 : index
    %get3A_1 = arith.constant 0 : index
    %get3A_2 = vector.load %arg2[%get3A, %get3A_0, %get3A_1] : memref<1x64x558xf32, #tpu.memory_space<vmem>>, vector<1x64x550xf32>
    %get3A_3 = vector.shape_cast %get3A_2 : vector<1x64x550xf32> to vector<64x550xf32>
    %get3A_4 = arith.constant 0 : index
    %get3A_5 = arith.constant 0 : index
    %get3A_6 = arith.constant 0 : index
    %get3A_7 = vector.load %arg1[%get3A_4, %get3A_5, %get3A_6] : memref<3x256x64xf32, #tpu.memory_space<vmem>>, vector<1x256x64xf32>
    %get3A_8 = vector.shape_cast %get3A_7 : vector<1x256x64xf32> to vector<256x64xf32>
    %dot_general3A = arith.constant dense<0.000000e+00> : vector<256x550xf32>
    %dot_general3A_9 = tpu.matmul %get3A_8, %get3A_3, %dot_general3A {dimension_numbers = #tpu.dot_dimension_numbers<[1], [0], [0], [1], [0, 0, 1, 1], [], []>, transpose_lhs_hint = false} : vector<256x64xf32>, vector<64x550xf32>, vector<256x550xf32> -> vector<256x550xf32>
    %get3A_10 = arith.constant 0 : index
    %get3A_11 = arith.constant 0 : index
    %get3A_12 = arith.constant 0 : index
    %get3A_13 = vector.load %arg3[%get3A_10, %get3A_11, %get3A_12] : memref<1x64x558xf32, #tpu.memory_space<vmem>>, vector<1x64x550xf32>
    %get3A_14 = vector.shape_cast %get3A_13 : vector<1x64x550xf32> to vector<64x550xf32>
    %get3A_15 = arith.constant 1 : index
    %get3A_16 = arith.constant 0 : index
    %get3A_17 = arith.constant 0 : index
    %get3A_18 = vector.load %arg1[%get3A_15, %get3A_16, %get3A_17] : memref<3x256x64xf32, #tpu.memory_space<vmem>>, vector<1x256x64xf32>
    %get3A_19 = vector.shape_cast %get3A_18 : vector<1x256x64xf32> to vector<256x64xf32>
    %dot_general3A_20 = arith.constant dense<0.000000e+00> : vector<256x550xf32>
    %dot_general3A_21 = tpu.matmul %get3A_19, %get3A_14, %dot_general3A_20 {dimension_numbers = #tpu.dot_dimension_numbers<[1], [0], [0], [1], [0, 0, 1, 1], [], []>, transpose_lhs_hint = false} : vector<256x64xf32>, vector<64x550xf32>, vector<256x550xf32> -> vector<256x550xf32>
    %add3A = arith.addf %dot_general3A_9, %dot_general3A_21 : vector<256x550xf32>
    %get3A_22 = arith.constant 0 : index
    %get3A_23 = arith.constant 0 : index
    %get3A_24 = arith.constant 0 : index
    %get3A_25 = vector.load %arg4[%get3A_22, %get3A_23, %get3A_24] : memref<1x64x558xf32, #tpu.memory_space<vmem>>, vector<1x64x550xf32>
    %get3A_26 = vector.shape_cast %get3A_25 : vector<1x64x550xf32> to vector<64x550xf32>
    %get3A_27 = arith.constant 2 : index
    %get3A_28 = arith.constant 0 : index
    %get3A_29 = arith.constant 0 : index
    %get3A_30 = vector.load %arg1[%get3A_27, %get3A_28, %get3A_29] : memref<3x256x64xf32, #tpu.memory_space<vmem>>, vector<1x256x64xf32>
    %get3A_31 = vector.shape_cast %get3A_30 : vector<1x256x64xf32> to vector<256x64xf32>
    %dot_general3A_32 = arith.constant dense<0.000000e+00> : vector<256x550xf32>
    %dot_general3A_33 = tpu.matmul %get3A_31, %get3A_26, %dot_general3A_32 {dimension_numbers = #tpu.dot_dimension_numbers<[1], [0], [0], [1], [0, 0, 1, 1], [], []>, transpose_lhs_hint = false} : vector<256x64xf32>, vector<64x550xf32>, vector<256x550xf32> -> vector<256x550xf32>
    %add3A_34 = arith.addf %add3A, %dot_general3A_33 : vector<256x550xf32>
    %swap3A = arith.constant 0 : index
    %swap3A_35 = arith.constant 0 : index
    %swap3A_36 = arith.constant 0 : index
    %swap3A_37 = vector.load %arg5[%swap3A, %swap3A_35, %swap3A_36] : memref<1x256x550xf32, #tpu.memory_space<vmem>>, vector<1x256x550xf32>
    %swap3A_38 = vector.shape_cast %swap3A_37 : vector<1x256x550xf32> to vector<256x550xf32>
    %swap3A_39 = vector.shape_cast %add3A_34 : vector<256x550xf32> to vector<1x256x550xf32>
    tpu.vector_store %arg5[%swap3A, %swap3A_35, %swap3A_36], %swap3A_39 {strides = array<i32>} : memref<1x256x550xf32, #tpu.memory_space<vmem>>, vector<1x256x550xf32>,
    %reshape3A = vector.shape_cast %add3A_34 : vector<256x550xf32> to vector<256x25x22xf32>
    %reduce_sum3A = arith.constant dense<0.000000e+00> : vector<256x25xf32>
    %reduce_sum3A_40 = vector.multi_reduction <add>, %reshape3A, %reduce_sum3A [2] : vector<256x25x22xf32> to vector<256x25xf32>
    %reduce_sum3A_41 = arith.constant dense<0.000000e+00> : vector<256xf32>
    %reduce_sum3A_42 = vector.multi_reduction <add>, %reduce_sum3A_40, %reduce_sum3A_41 [1] : vector<256x25xf32> to vector<256xf32>
    %swap3A_43 = arith.constant 0 : index
    %swap3A_44 = arith.constant 0 : index
    %swap3A_45 = arith.constant 0 : index
    %swap3A_46 = vector.load %arg6[%swap3A_43, %swap3A_44, %swap3A_45] : memref<1x2x256xf32, #tpu.memory_space<vmem>>, vector<1x1x256xf32>
    %swap3A_47 = vector.shape_cast %swap3A_46 : vector<1x1x256xf32> to vector<256xf32>
    %swap3A_48 = vector.shape_cast %reduce_sum3A_42 : vector<256xf32> to vector<1x1x256xf32>
    tpu.vector_store %arg6[%swap3A_43, %swap3A_44, %swap3A_45], %swap3A_48 {strides = array<i32>} : memref<1x2x256xf32, #tpu.memory_space<vmem>>, vector<1x1x256xf32>,
    %mul3A = arith.mulf %reshape3A, %reshape3A : vector<256x25x22xf32>
    %reduce_sum3A_49 = arith.constant dense<0.000000e+00> : vector<256x25xf32>
    %reduce_sum3A_50 = vector.multi_reduction <add>, %mul3A, %reduce_sum3A_49 [2] : vector<256x25x22xf32> to vector<256x25xf32>
    %reduce_sum3A_51 = arith.constant dense<0.000000e+00> : vector<256xf32>
    %reduce_sum3A_52 = vector.multi_reduction <add>, %reduce_sum3A_50, %reduce_sum3A_51 [1] : vector<256x25xf32> to vector<256xf32>
    %swap3A_53 = arith.constant 0 : index
    %swap3A_54 = arith.constant 1 : index
    %swap3A_55 = arith.constant 0 : index
    %swap3A_56 = vector.load %arg6[%swap3A_53, %swap3A_54, %swap3A_55] : memref<1x2x256xf32, #tpu.memory_space<vmem>>, vector<1x1x256xf32>
    %swap3A_57 = vector.shape_cast %swap3A_56 : vector<1x1x256xf32> to vector<256xf32>
    %swap3A_58 = vector.shape_cast %reduce_sum3A_52 : vector<256xf32> to vector<1x1x256xf32>
    tpu.vector_store %arg6[%swap3A_53, %swap3A_54, %swap3A_55], %swap3A_58 {strides = array<i32>} : memref<1x2x256xf32, #tpu.memory_space<vmem>>, vector<1x1x256xf32>,
    return
  }
  func.func @transform_0(%arg0: i32) -> (i32, i32, i32) {
    %c0_i32 = arith.constant 0 : i32
    %c0_i32_0 = arith.constant 0 : i32
    %c0_i32_1 = arith.constant 0 : i32
    %c0_i32_2 = arith.constant 0 : i32
    return %c0_i32, %c0_i32_0, %c0_i32_1 : i32, i32, i32
  }
  func.func @transform_1(%arg0: i32) -> (i32, i32, i32) {
    %add3A = arith.constant 0 : i32
    %add3A_0 = arith.addi %arg0, %add3A : i32
    %c0_i32 = arith.constant 0 : i32
    %c0_i32_1 = arith.constant 0 : i32
    %c0_i32_2 = arith.constant 0 : i32
    return %add3A_0, %c0_i32, %c0_i32_1 : i32, i32, i32
  }
  func.func @transform_2(%arg0: i32) -> (i32, i32, i32) {
    %add3A = arith.constant 1 : i32
    %add3A_0 = arith.addi %arg0, %add3A : i32
    %c0_i32 = arith.constant 0 : i32
    %c0_i32_1 = arith.constant 0 : i32
    %c0_i32_2 = arith.constant 0 : i32
    return %add3A_0, %c0_i32, %c0_i32_1 : i32, i32, i32
  }
  func.func @transform_3(%arg0: i32) -> (i32, i32, i32) {
    %add3A = arith.constant 2 : i32
    %add3A_0 = arith.addi %arg0, %add3A : i32
    %c0_i32 = arith.constant 0 : i32
    %c0_i32_1 = arith.constant 0 : i32
    %c0_i32_2 = arith.constant 0 : i32
    return %add3A_0, %c0_i32, %c0_i32_1 : i32, i32, i32
  }
  func.func @transform_4(%arg0: i32) -> (i32, i32, i32) {
    %c0_i32 = arith.constant 0 : i32
    %c0_i32_0 = arith.constant 0 : i32
    %c0_i32_1 = arith.constant 0 : i32
    return %arg0, %c0_i32, %c0_i32_0 : i32, i32, i32
  }
  func.func @transform_5(%arg0: i32) -> (i32, i32, i32) {
    %c0_i32 = arith.constant 0 : i32
    %c0_i32_0 = arith.constant 0 : i32
    %c0_i32_1 = arith.constant 0 : i32
    return %arg0, %c0_i32, %c0_i32_0 : i32, i32, i32
  }
}

module attributes {stable_mosaic.version = 14 : i64} {
  func.func @_affine_body(%arg0: i32, %arg1: memref<1x256x550xf32, #tpu.memory_space<vmem>>, %arg2: memref<256x1xf32, #tpu.memory_space<vmem>>, %arg3: memref<256x1xf32, #tpu.memory_space<vmem>>, %arg4: memref<1x256x550xf32, #tpu.memory_space<vmem>>) attributes {dimension_semantics = [#tpu.dimension_semantics<arbitrary>], iteration_bounds = array<i64: 1>, scalar_prefetch = 0 : i64, scratch_operands = 0 : i64, tpu.core_type = #tpu.core_type<tc>, window_params = [{transform_indices = @transform_0, window_bounds = array<i64: 1, 256, 550>}, {pipeline_mode = #tpu.pipeline_mode<synchronous>, transform_indices = @transform_1, window_bounds = array<i64: 256, 1>}, {pipeline_mode = #tpu.pipeline_mode<synchronous>, transform_indices = @transform_2, window_bounds = array<i64: 256, 1>}, {transform_indices = @transform_3, window_bounds = array<i64: 1, 256, 550>}]} {
    %get3A = arith.constant 0 : index
    %get3A_0 = arith.constant 0 : index
    %get3A_1 = arith.constant 0 : index
    %get3A_2 = vector.load %arg1[%get3A, %get3A_0, %get3A_1] : memref<1x256x550xf32, #tpu.memory_space<vmem>>, vector<1x256x550xf32>
    %get3A_3 = arith.constant 0 : index
    %get3A_4 = arith.constant 0 : index
    %get3A_5 = vector.load %arg2[%get3A_3, %get3A_4] : memref<256x1xf32, #tpu.memory_space<vmem>>, vector<256x1xf32>
    %broadcast_in_dim3A = vector.shape_cast %get3A_5 : vector<256x1xf32> to vector<1x256x1xf32>
    %mul3A = vector.broadcast %broadcast_in_dim3A : vector<1x256x1xf32> to vector<1x256x550xf32>
    %mul3A_6 = arith.mulf %get3A_2, %mul3A : vector<1x256x550xf32>
    %get3A_7 = arith.constant 0 : index
    %get3A_8 = arith.constant 0 : index
    %get3A_9 = vector.load %arg3[%get3A_7, %get3A_8] : memref<256x1xf32, #tpu.memory_space<vmem>>, vector<256x1xf32>
    %broadcast_in_dim3A_10 = vector.shape_cast %get3A_9 : vector<256x1xf32> to vector<1x256x1xf32>
    %add3A = vector.broadcast %broadcast_in_dim3A_10 : vector<1x256x1xf32> to vector<1x256x550xf32>
    %add3A_11 = arith.addf %mul3A_6, %add3A : vector<1x256x550xf32>
    %max3A = arith.constant 0.000000e+00 : f32
    %max3A_12 = vector.broadcast %max3A : f32 to vector<1x256x550xf32>
    %max3A_13 = arith.maximumf %add3A_11, %max3A_12 : vector<1x256x550xf32>
    %swap3A = arith.constant 0 : index
    %swap3A_14 = arith.constant 0 : index
    %swap3A_15 = arith.constant 0 : index
    %swap3A_16 = vector.load %arg4[%swap3A, %swap3A_14, %swap3A_15] : memref<1x256x550xf32, #tpu.memory_space<vmem>>, vector<1x256x550xf32>
    tpu.vector_store %arg4[%swap3A, %swap3A_14, %swap3A_15], %max3A_13 {strides = array<i32>} : memref<1x256x550xf32, #tpu.memory_space<vmem>>, vector<1x256x550xf32>,
    return
  }
  func.func @transform_0(%arg0: i32) -> (i32, i32, i32) {
    %c0_i32 = arith.constant 0 : i32
    %c0_i32_0 = arith.constant 0 : i32
    %c0_i32_1 = arith.constant 0 : i32
    return %arg0, %c0_i32, %c0_i32_0 : i32, i32, i32
  }
  func.func @transform_1(%arg0: i32) -> (i32, i32) {
    %c0_i32 = arith.constant 0 : i32
    %c0_i32_0 = arith.constant 0 : i32
    %c0_i32_1 = arith.constant 0 : i32
    return %c0_i32, %c0_i32_0 : i32, i32
  }
  func.func @transform_2(%arg0: i32) -> (i32, i32) {
    %c0_i32 = arith.constant 0 : i32
    %c0_i32_0 = arith.constant 0 : i32
    %c0_i32_1 = arith.constant 0 : i32
    return %c0_i32, %c0_i32_0 : i32, i32
  }
  func.func @transform_3(%arg0: i32) -> (i32, i32, i32) {
    %c0_i32 = arith.constant 0 : i32
    %c0_i32_0 = arith.constant 0 : i32
    %c0_i32_1 = arith.constant 0 : i32
    return %arg0, %c0_i32, %c0_i32_0 : i32, i32, i32
  }
}

</mosaic_0001>

<sc_bundles>
// kernel: sparse-core-data-format-call.cloned.1.call-start
scs
called_computation_lowered:
.L_overlay_start_0:
0x0: {  	s1 =	sld [smem:$0x3FD9]  }
0x1: {  	s2 =	sld [smem:$0x3FFE];
	_ =	sdelay $0x1  }
0x2: {  	s3 =	srdreg.scid  }
0x3: {  	s0 =	sand.u32 $0x1, s3  }
0x4: {  	s17 =	sshll.u32 s0, $0xA;
	s1 =	sadd.s32 s2, s1  }
0x5: {  	s1 =	sadd.s32 s1, s17  }
0x6: {  	[smem:$0x3F81] =	sst s1  }
0x7: {  	_ = 	snop  }
0x8: {  	(tm) =	ssettm $0x1  }
0x9: {  	s18 =	sld [smem:$0x3FFB];
	_ =	sdelay $0x3  }
0xa: {  	_ =	strace s18  }
0xb: {  	s1 =	sld [smem:$0x3FFC];
	_ =	sdelay $0x3  }
0xc: {  	_ =	strace s1  }
0xd: {  	s1 =	sld [smem:$0x3FFD];
	_ =	sdelay $0x3  }
0xe: {  	_ =	strace s1  }
0xf: {  	_ =	strace $0x8FFFFFFF  }
0x10: {  	s19 =	sld [smem:$0x3FDB];
	_ =	sdelay $0x1  }
0x11: {  	s20 =	simm.s32 $_scs_section_size  }
0x12: {  	s4 =	simm.s32 $_size__tile_overlayer_lowered;
	s5 =	simm.s32 $_tile_overlayer_lowered  }
0x13: {  	s23 =	simm.s32 $0x1BFF;
	s22 =	sshll.u32 s5, $0x1;
	s1 =	sadd.s32 s20, s19  }
0x14: {  	s6 =	simm.s32 $0x0;
	s21 =	sshll.u32 s4, $0x1;
	s4 =	sadd.s32 s22, s1  }
0x15: {  	[timem:s6], [sflag:s23] =	dma.local [hbm:s4], s21  }
0x16: {  	_ =	swait.ge [sflag:s23], s21  }
0x17: {  	s2 =	ssub.s32 $0x0, s21;
	[sflag:s23] =	ssyncset.done $0x0  }
0x18: {  	[sflag:s23] =	ssyncadd.s32 s2;
	_ =	sdelay $0x1  }
0x19: {  	s24 =	simm.s32 $0x1B8B  }
0x1a: {  	_ =	swait.ge [sflag:s24], $0x1  }
0x1b: {  	[sflag:s24] =	ssyncset.done $0x0  }
0x1c: {  	s26 =	simm.s32 $0x1B8E;
	s25 =	sld [smem:$0x3FFE];
	[sflag:s24] =	ssyncadd.s32 $0xFFFFFFFF  }
0x1d: {  	s27 =	simm.s32 $execute0_lowered;
	[smem:$0x3FD2] =	sst s26  }
0x1e: {  	s4 =	sshll.u32 s27, $0x1;
	_ =	strace $0x80000046;
	[dreg:$0x1] =	wrdreg $0xFFFFFFFF  }
0x1f: {  	s28 =	simm.s32 $_size_execute0_lowered;
	s1 =	sadd.s32 s1, s4;
	[dreg:$0x0] =	wrdreg $0x0  }
0x20: {  	s4 =	sshll.u32 s28, $0x1;
	[dreg:$0x2] =	wrdreg s1  }
0x21: {  	[dreg:$0x3] =	wrdreg s4  }
0x22: {  	[dreg:$0x4] =	wrdreg $0xC0  }
0x23: {  	_ =	task [dreg:s6], $0x5FFFF  }
0x24: {  	[dreg:$0x1] =	wrdreg $0xFFFFFFFF  }
0x25: {  	[dreg:$0x0] =	wrdreg $0x60  }
0x26: {  	[dreg:$0x2] =	wrdreg s25  }
0x27: {  	[dreg:$0x3] =	wrdreg $0x9  }
0x28: {  	_ =	task.clear_ibuf [dreg:s6], $0x4FFFF;
	_ =	strace $0x90000046  }
0x29: {  	s29 =	simm.s32 $0x9;
	_ =	strace $0x80000048  }
0x2a: {  	_ =	swait.ge [sflag:s29], $0x1  }
0x2b: {  	[sflag:s29] =	ssyncadd.s32 $0xFFFFFFFF  }
0x2c: {  	_ =	strace $0x90000048  }
0x2d: {  	_ =	sfence  }
0x2e: {  	s30 =	sld [smem:$0x0];
	_ =	sdelay $0x2  }
0x2f: {  	s31 =	sshll.u32 s3, $0xD;
	s3 =	sshrl.u32 s3, $0x2  }
0x30: {  	s2 =	sand.u32 $0x4000, s31;
	s1 =	sadd.s32 s3, s30  }
0x31: {  	s0 =	sor.u32 s2, s0;
	s1 =	sshll.u32 s1, $0x11  }
0x32: {  	s0 =	sor.u32 s1, s0  }
0x33: {  	s0 =	sadd.s32 $0x8F2B, s0  }
0x34: {  	[sflag:s0] =	ssyncadd.remote.s32 $0x1  }
0x35: {  	_ =	sfence.sel $0xFFFF  }
0x36: {  	[dreg:$0x0] =	wrdreg $0xFFFFFFFF;
	(pc) =	sbr.abs _section_cstart, $3  }
0x37: {  	[dreg:$0x1] =	wrdreg $0xFFFFFFFF  }
0x38: {  	_ =	task.clear_ibuf [dreg:s6], $0x2FFFF;
	_ =	strace $0x9FFFFFFF  }
0x39: {  	(tm) =	ssettm $0x7FFFFFFF  }
tec
execute0_lowered:
.L_overlay_start_1:
0x0: {  	(tag) =	ssettag $0x1  }
0x1: {  	s1 =	srdreg.scid  }
0x2: {  	s0 =	stileid.u32;
	s5 =	rddreg [dreg:$0x0]  }
0x3: {  	s4 =	simm.s32 $0x1;
	s7 =	simm.s32 $0x2;
	s17 =	simm.s32 $0x0  }
0x4: {  	s9 =	simm.s32 $0x400;
	s10 =	simm.s32 $0x3400;
	s11 =	simm.s32 $0x0  }
0x5: {  	s18 =	simm.s32 $0x0;
	s19 =	simm.s32 $0x0;
	s1 =	sshll.u32 s1, $0x4  }
0x6: {  	s20 =	simm.s32 $0x0;
	s13 =	simm.s32 $0x0;
	s2 =	sor.u32 s0, s1  }
0x7: {  	s14 =	simm.s32 $0x0;
	s16 =	simm.s32 $0x0;
	s2 =	sand.u32 $0x18, s2  }
.Ltmp0:
0x8: {  	s3 =	sadd.s32 $0x3CE400, s5;
	s6 =	ssub.s32 $0x60, s2;
	(pc) =	sbr.rel .LBB1_1-.Ltmp0, $4  }
0x9: {  	s1 =	rddreg [dreg:$0x1];
	_ =	strace $0x80000047;
	s6 =	sshrl.u32 s6, $0x5  }
0xa: {  	s5 =	sadd.s32 $0xC400, s5;
	[sflag:s4] =	ssyncpa.u1 $0x0;
	s8 =	smul.u32 $0xC, s6  }
0xb: {  	[sflag:s7] =	ssyncpa.u1 $0x0;
	s12 =	smov.u32 s2;
	s6 =	sand.u32 $0x7, s0  }
0xc: {  	s15 =	smov.u32 s6;
	s7 =	sadd.s32 $0xC, s8;
	s8 =	sadd.s32 $0xD, s8  }
.LBB1_7:
0xd: {  	s21 =	sadd.s32 $0x20, s12  }
0xe: {  	s17 =	sadd.s32 $0x10, s13;
	s22 =	smov.u32 s13;
	p1 =	sgt.s32 s21, $0x64  }
0xf: {  	s22 =	smov.u32 @p1 s17  }
0x10: {  	s17 =	simm.s32 $0x1;
	p2 =	sgt.s32 s22, $0xF  }
0x11: {  	s17 =	simm.s32 @!p2 $0x0  }
0x12: {  	s23 =	sadd.s32 s17, s14  }
0x13: {  	s24 =	smov.u32 s15;
	s17 =	sadd.s32 $0x8, s15;
	p3 =	sgt.s32 s23, $0xB  }
0x14: {  	p0 =	slt.u32 s16, $0x2;
	s24 =	smov.u32 @p3 s17  }
0x15: {  	s18 =	smov.u32 s13;
	s21 =	smov.u32 @p1 s2;
	p1 =	sgt.s32 s24, $0x7  }
0x16: {  	s25 =	simm.s32 @!p0 $0x2;
	s24 =	smov.u32 @p1 s6;
	p1 =	sne.s32 s16, s8  }
.Ltmp1:
0x17: {  	s19 =	smov.u32 s14;
	_ =	swait.ge @!p0 [sflag:s25], $0x4000;
	(pc) =	sbr.rel @!p1 .LBB1_8-.Ltmp1, $4  }
0x18: {  	s20 =	smov.u32 s15;
	[sflag:s25] =	ssyncset.done @!p0 $0x0;
	s22 =	simm.s32 @p2 $0x0  }
0x19: {  	s11 =	sadd.s32 $0x4000, s11;
	[sflag:s25] =	ssyncadd.s32 @!p0 $0xFFFFC000;
	s13 =	smov.u32 s22  }
0x1a: {  	s23 =	simm.s32 @p3 $0x0;
	s17 =	smov.u32 s12;
	s12 =	smov.u32 s21  }
0x1b: {  	s14 =	smov.u32 s23;
	s16 =	sadd.s32 $0x1, s16;
	s15 =	smov.u32 s24  }
.LBB1_1:
0x1c: {  	p0 =	sge.u32 s16, s7  }
0x1d: {  	s21 =	sand.u32 @!p0 $0x1FFFFFF, s12;
	s23 =	smul.u32 @!p0 $0x4E000, s15  }
0x1e: {  	s22 =	smulhi.u32 @!p0 $0x2762763, s21  }
0x1f: {  	s24 =	smul.u32 @!p0 $0x6800, s14  }
0x20: {  	s22 =	smul.u32 @!p0 $0x68, s22  }
0x21: {  	s25 =	sxor.u32 @!p0 $0xFFFFFFFF, s16;
	s26 =	smul.u32 @!p0 $0x680, s13;
	s23 =	sadd.s32 @!p0 s3, s23  }
0x22: {  	s23 =	sadd.s32 @!p0 s24, s23;
	s24 =	simm.s32 @!p0 $0x3400;
	s21 =	ssub.s32 @!p0 s21, s22  }
0x23: {  	s23 =	sadd.s32 @!p0 s26, s23;
	s22 =	sshll.u32 @!p0 s25, $0xE;
	s21 =	sshll.u32 @!p0 s21, $0x4  }
0x24: {  	s22 =	sand.u32 @!p0 $0x4000, s22;
	s21 =	sadd.s32 @!p0 s21, s23;
	s23 =	simm.s32 @!p0 $0x400  }
0x25: {  	[tilespmem:s22], [sflag:$0x1] =	stream.strided.gather @!p0 [hbm4b:s21+s23], $0x4000, s24, s23, $0x38;
	[tilespmem:$0x10000] =	vst v63  }
0x26: {  	p0 =	seq.s32 s16, $0x0  }
0x27: {  	p1 =	sge.u32 @!p0 s16, s8  }
0x28: {  	p0 =	por p0, p1  }
.Ltmp2:
0x29: {  	_ = 	snop;
	(pc) =	sbr.rel @p0 .LBB1_7-.Ltmp2, $1  }
0x2a: {  	_ =	sdelay $0x3  }
0x2b: {  	s21 =	sand.u32 $0x4000, s11  }
0x2c: {  	_ =	swait.ge [sflag:s4], $0x4000;
	s24 =	sshll.u32 s16, $0xE;
	s22 =	sor.u32 $0x8040, s21  }
0x2d: {  	s23 =	sor.u32 $0x40, s21;
	[sflag:s4] =	ssyncset.done $0x0;
	s31 =	sand.u32 $0x4000, s24  }
0x2e: {  	s24 =	simm.s32 $0x0;
	[sflag:s4] =	ssyncadd.s32 $0xFFFFC000;
	s21 =	sor.u32 $0x8000, s31  }
.LBB1_3:
0x2f: {  	v1 =	vmov s23;
	_ =	sdelay $0x3  }
0x30: {  	s25 =	simm.s32 $0x0  }
0x31: {  	v7 =	vld.idx.msk [tilespmem:v1+s25+$0x30 ss:$0x1], $0xffff  }
0x32: {  	v0 =	vmov s22;
	v8 =	vld.idx.msk [tilespmem:v1+s25+$0xFFFFFFC0 ss:$0x1], $0xffff  }
0x33: {  	v6 =	vld.idx.msk [tilespmem:v1+s25+$0xFFFFFFD0 ss:$0x1], $0xffff  }
0x34: {  	v5 =	vld.idx.msk [tilespmem:v1+s25+$0xFFFFFFE0 ss:$0x1], $0xffff  }
0x35: {  	v4 =	vld.idx.msk [tilespmem:v1+s25+$0xFFFFFFF0 ss:$0x1], $0xffff  }
0x36: {  	v2 =	vld.idx.msk [tilespmem:v1+s25+$0x0 ss:$0x1], $0xffff  }
0x37: {  	v3 =	vld.idx.msk [tilespmem:v1+s25+$0x10 ss:$0x1], $0xffff;
	[tilespmem:v0+s25+$0x30 ss:$0x1] =	vst.idx.msk $0xffff, v7  }
0x38: {  	s26 =	simm.s32 $0x80;
	s27 =	simm.s32 $0x400;
	[tilespmem:v0+s25+$0xFFFFFFC0 ss:$0x1] =	vst.idx.msk $0xffff, v8;
	v7 =	vld.idx.msk [tilespmem:v1+s25+$0x20 ss:$0x1], $0xffff  }
.LBB1_4:
0x39: {  	p0 =	sne.s32 s27, $0xE00;
	v8 =	vld.idx.msk [tilespmem:v1+s26+$0x30 ss:$0x1], $0xffff;
	[tilespmem:v0+s25+$0xFFFFFFD0 ss:$0x1] =	vst.idx.msk $0xffff, v6  }
0x3a: {  	v9 =	vld.idx.msk [tilespmem:v1+s26+$0xFFFFFFC0 ss:$0x1], $0xffff;
	[tilespmem:v0+s25+$0xFFFFFFE0 ss:$0x1] =	vst.idx.msk $0xffff, v5  }
0x3b: {  	v6 =	vld.idx.msk [tilespmem:v1+s26+$0xFFFFFFD0 ss:$0x1], $0xffff;
	[tilespmem:v0+s25+$0xFFFFFFF0 ss:$0x1] =	vst.idx.msk $0xffff, v4  }
.Ltmp3:
0x3c: {  	v5 =	vld.idx.msk [tilespmem:v1+s26+$0xFFFFFFE0 ss:$0x1], $0xffff;
	[tilespmem:v0+s25+$0x0 ss:$0x1] =	vst.idx.msk $0xffff, v2;
	(pc) =	sbr.rel @p0 .LBB1_4-.Ltmp3, $4  }
0x3d: {  	v4 =	vld.idx.msk [tilespmem:v1+s26+$0xFFFFFFF0 ss:$0x1], $0xffff;
	[tilespmem:v0+s25+$0x10 ss:$0x1] =	vst.idx.msk $0xffff, v3  }
0x3e: {  	v2 =	vld.idx.msk [tilespmem:v1+s26+$0x0 ss:$0x1], $0xffff;
	[tilespmem:v0+s25+$0x20 ss:$0x1] =	vst.idx.msk $0xffff, v7;
	s25 =	smov.u32 s26  }
0x3f: {  	v3 =	vld.idx.msk [tilespmem:v1+s25+$0x10 ss:$0x1], $0xffff;
	[tilespmem:v0+s25+$0x30 ss:$0x1] =	vst.idx.msk $0xffff, v8  }
0x40: {  	s26 =	sshra.s32 s27, $0x2;
	s27 =	sadd.s32 $0x200, s27;
	[tilespmem:v0+s25+$0xFFFFFFC0 ss:$0x1] =	vst.idx.msk $0xffff, v9;
	v7 =	vld.idx.msk [tilespmem:v1+s25+$0x20 ss:$0x1], $0xffff  }
0x41: {  	_ =	sdelay $0x3  }
0x42: {  	[tilespmem:v0+s25+$0xFFFFFFD0 ss:$0x1] =	vst.idx.msk $0xffff, v6  }
0x43: {  	v56 =	vld.idx.msk [tilespmem:v1+s26+$0x30 ss:$0x1], $0xffff;
	[tilespmem:v0+s25+$0xFFFFFFE0 ss:$0x1] =	vst.idx.msk $0xffff, v5  }
0x44: {  	v57 =	vld.idx.msk [tilespmem:v1+s26+$0xFFFFFFC0 ss:$0x1], $0xffff;
	[tilespmem:v0+s25+$0xFFFFFFF0 ss:$0x1] =	vst.idx.msk $0xffff, v4  }
0x45: {  	v58 =	vld.idx.msk [tilespmem:v1+s26+$0xFFFFFFD0 ss:$0x1], $0xffff;
	[tilespmem:v0+s25+$0x0 ss:$0x1] =	vst.idx.msk $0xffff, v2  }
0x46: {  	v59 =	vld.idx.msk [tilespmem:v1+s26+$0xFFFFFFE0 ss:$0x1], $0xffff;
	[tilespmem:v0+s25+$0x10 ss:$0x1] =	vst.idx.msk $0xffff, v3  }
0x47: {  	v60 =	vld.idx.msk [tilespmem:v1+s26+$0xFFFFFFF0 ss:$0x1], $0xffff;
	[tilespmem:v0+s25+$0x20 ss:$0x1] =	vst.idx.msk $0xffff, v7  }
0x48: {  	v61 =	vld.idx.msk [tilespmem:v1+s26+$0x0 ss:$0x1], $0xffff;
	[tilespmem:v0+s26+$0x30 ss:$0x1] =	vst.idx.msk $0xffff, v56  }
0x49: {  	v62 =	vld.idx.msk [tilespmem:v1+s26+$0x10 ss:$0x1], $0xffff;
	s24 =	sadd.s32 $0x1, s24;
	[tilespmem:v0+s26+$0xFFFFFFC0 ss:$0x1] =	vst.idx.msk $0xffff, v57  }
0x4a: {  	v63 =	vld.idx.msk [tilespmem:v1+s26+$0x20 ss:$0x1], $0xffff;
	p0 =	sne.s32 s24, $0x10;
	[tilespmem:v0+s26+$0xFFFFFFD0 ss:$0x1] =	vst.idx.msk $0xffff, v58  }
.Ltmp4:
0x4b: {  	[tilespmem:v0+s26+$0xFFFFFFE0 ss:$0x1] =	vst.idx.msk $0xffff, v59;
	(pc) =	sbr.rel @p0 .LBB1_3-.Ltmp4, $4  }
0x4c: {  	[tilespmem:v0+s26+$0xFFFFFFF0 ss:$0x1] =	vst.idx.msk $0xffff, v60  }
0x4d: {  	[tilespmem:v0+s26+$0x0 ss:$0x1] =	vst.idx.msk $0xffff, v61  }
0x4e: {  	[tilespmem:v0+s26+$0x10 ss:$0x1] =	vst.idx.msk $0xffff, v62  }
0x4f: {  	s22 =	sadd.s32 $0x400, s22;
	s23 =	sadd.s32 $0x400, s23;
	[tilespmem:v0+s26+$0x20 ss:$0x1] =	vst.idx.msk $0xffff, v63  }
0x50: {  	s20 =	smul.u32 $0x6800, s20  }
0x51: {  	s17 =	sand.u32 $0x1FFFFFF, s17;
	s19 =	smul.u32 $0x34000, s19  }
0x52: {  	s22 =	smulhi.u32 $0x2762763, s17  }
0x53: {  	s18 =	smul.u32 $0x680, s18  }
0x54: {  	s22 =	smul.u32 $0x68, s22  }
.Ltmp5:
0x55: {  	s20 =	sadd.s32 s5, s20;
	(pc) =	sbr.rel .LBB1_7-.Ltmp5, $4  }
0x56: {  	s19 =	sadd.s32 s19, s20;
	s17 =	ssub.s32 s17, s22  }
0x57: {  	s18 =	sadd.s32 s18, s19;
	s17 =	sshll.u32 s17, $0x4  }
0x58: {  	s17 =	sadd.s32 s17, s18  }
0x59: {  	[hbm4b:s17+s9] =	stream.strided.scatter [tilespmem:s21], [sflag:$0x2], $0x4000, s10, s9, $0x38;
	[tilespmem:$0x10000] =	vst v63  }
.LBB1_8:
0x5a: {  	_ =	sfence.sel $0x180000  }
0x5b: {  	s2 =	simm.s32 $0x1;
	[bflag:$0x0] =	sbarrier.arrive $0xFFFF  }
0x5c: {  	s31 =	simm.s32 $0x2;
	[sflag:s2] =	ssyncpa.u1 $0x1  }
0x5d: {  	[sflag:s31] =	ssyncpa.u1 $0x1  }
0x5e: {  	p0 =	sne.s32 s0, $0x0;
	_ =	strace $0x90000047  }
0x5f: {  	s0 =	sadd.s32 @!p0 $0x100000, s1;
	[bflag:$0x2] =	sbarrier.arrive $0xFFFF  }
0x60: {  	[sflag:s0] =	ssyncadd.tile.s32 @!p0 $0x1;
	_ =	shalt  }
.Lfunc_end1:
_tile_overlayer_lowered:
.L_overlay_start_2:
0x61: {  	(tag) =	ssettag $0x2  }
0x62: {  	s0 =	rddreg [dreg:$0x0];
	s2 =	stileid.u32  }
0x63: {  	s1 =	rddreg [dreg:$0x1];
	p0 =	sne.s32 s2, $0x0  }
0x64: {  	s3 =	rddreg [dreg:$0x2];
	[bflag:$0x3] =	sbarrier.arrive $0xFFFF;
	s2 =	simm.s32 @!p0 $0x1C01  }
0x65: {  	[timem:s3], [sflag:s2] =	dma.local @!p0 [hbm:s0], s1  }
0x66: {  	s0 =	simm.s32 @!p0 $0x1  }
0x67: {  	_ =	swait.ge @!p0 [sflag:s0], s1  }
0x68: {  	s1 =	ssub.s32 @!p0 $0x0, s1;
	[sflag:s0] =	ssyncset.done @!p0 $0x0  }
0x69: {  	[sflag:s0] =	ssyncadd.s32 @!p0 s1  }
0x6a: {  	[bflag:$0x3] =	sbarrier.arrive $0xFFFF  }
0x6b: {  	_ =	shalt  }

</sc_bundles>
